<compile_context>
chip_gen: v7x
topology: tpu7x:2x2x1
jax: 0.10.2.dev20260603
libtpu: 0.0.44.dev20260713+nightly
codegen_flags: <defaults>
</compile_context>

<pallas_src>
import jax
import jax.numpy as jnp
from jax import lax
from jax.experimental import pallas as pl
from jax.experimental.pallas import tpu as pltpu
from jax.experimental.pallas import tpu_sc as plsc

N = 10000
D = 128
E = 320000

NC = 2
NS = 16
NW = NC * NS
CHUNK = 128
EPW_REAL = E // NW
NCHUNK = -(-EPW_REAL // CHUNK)
NCHUNK += NCHUNK % 2
EPW = NCHUNK * CHUNK
NPAD = 10240
RPS = NPAD // NS


def _sc_agg_body(with_deg, refs):
    if with_deg:
        (table, pk_hbm, z_hbm, acc_out, deg_out,
         acc_sh, deg_sh, pk_idx, src_cur0, src_cur1, dst_cur0, dst_cur1,
         rows0, rows1, onesb, zb, gsem0, gsem1, isem) = refs
    else:
        (table, pk_hbm, z_hbm, acc_out,
         acc_sh, pk_idx, src_cur0, src_cur1, dst_cur0, dst_cur1,
         rows0, rows1, gsem0, gsem1, isem) = refs

    c = lax.axis_index("c")
    s = lax.axis_index("s")
    wid = s * NC + c
    base = s * RPS

    zero16 = jnp.zeros((16,), jnp.float32)

    idx_cp = pltpu.async_copy(pk_hbm.at[wid], pk_idx, isem)
    pltpu.sync_copy(z_hbm, acc_sh.at[pl.ds(base, RPS)])

    if with_deg:
        one16 = jnp.ones((16,), jnp.float32)
        for k in range(CHUNK // 16):
            onesb[pl.ds(k * 16, 16)] = one16
        for k in range(RPS // 16):
            zb[pl.ds(k * 16, 16)] = zero16
        pltpu.sync_copy(zb, deg_sh.at[pl.ds(base, RPS)])

    idx_cp.wait()
    plsc.subcore_barrier()

    def unpack(j, src_cur, dst_cur):
        for k in range(CHUNK // 16):
            v = pk_idx[j, pl.ds(k * 16, 16)]
            src_cur[pl.ds(k * 16, 16)] = lax.shift_right_logical(v, 14)
            dst_cur[pl.ds(k * 16, 16)] = lax.bitwise_and(v, 16383)

    def start_gather(src_cur, rows, sem):
        pltpu.async_copy(table.at[src_cur], rows, sem)

    def drain_gather(src_cur, rows, sem):
        pltpu.make_async_copy(table.at[src_cur], rows, sem).wait()

    def scatter(dst_cur, rows):
        pltpu.sync_copy(rows, acc_sh.at[dst_cur], add=True)
        if with_deg:
            pltpu.sync_copy(onesb, deg_sh.at[dst_cur], add=True)

    unpack(0, src_cur0, dst_cur0)
    start_gather(src_cur0, rows0, gsem0)
    unpack(1, src_cur1, dst_cur1)
    start_gather(src_cur1, rows1, gsem1)

    def g_step(g, _):
        j = 2 * g
        drain_gather(src_cur0, rows0, gsem0)
        scatter(dst_cur0, rows0)
        unpack(j + 2, src_cur0, dst_cur0)
        start_gather(src_cur0, rows0, gsem0)
        drain_gather(src_cur1, rows1, gsem1)
        scatter(dst_cur1, rows1)
        unpack(j + 3, src_cur1, dst_cur1)
        start_gather(src_cur1, rows1, gsem1)
        return 0

    lax.fori_loop(0, NCHUNK // 2 - 1, g_step, 0)

    drain_gather(src_cur0, rows0, gsem0)
    scatter(dst_cur0, rows0)
    drain_gather(src_cur1, rows1, gsem1)
    scatter(dst_cur1, rows1)

    plsc.subcore_barrier()

    pltpu.sync_copy(acc_sh.at[pl.ds(base, RPS)],
                    acc_out.at[c, pl.ds(base, RPS)])
    if with_deg:
        pltpu.sync_copy(deg_sh.at[pl.ds(base, RPS)],
                        deg_out.at[c, pl.ds(base, RPS)])


def _make_sc_agg(with_deg):
    out_type = [jax.ShapeDtypeStruct((NC, NPAD, D), jnp.float32)]
    scratch = [
        pltpu.VMEM_SHARED((NPAD, D), jnp.float32),
    ]
    if with_deg:
        out_type.append(jax.ShapeDtypeStruct((NC, NPAD), jnp.float32))
        scratch.append(pltpu.VMEM_SHARED((NPAD,), jnp.float32))
    scratch += [
        pltpu.VMEM((NCHUNK, CHUNK), jnp.int32),
        pltpu.VMEM((CHUNK,), jnp.int32),
        pltpu.VMEM((CHUNK,), jnp.int32),
        pltpu.VMEM((CHUNK,), jnp.int32),
        pltpu.VMEM((CHUNK,), jnp.int32),
        pltpu.VMEM((CHUNK, D), jnp.float32),
        pltpu.VMEM((CHUNK, D), jnp.float32),
    ]
    if with_deg:
        scratch += [
            pltpu.VMEM((CHUNK,), jnp.float32),
            pltpu.VMEM((RPS,), jnp.float32),
        ]
    scratch.append(pltpu.SemaphoreType.DMA)
    scratch.append(pltpu.SemaphoreType.DMA)
    scratch.append(pltpu.SemaphoreType.DMA)

    def body(*refs):
        _sc_agg_body(with_deg, refs)

    return pl.kernel(
        body,
        out_type=out_type,
        mesh=plsc.VectorSubcoreMesh(core_axis_name="c", subcore_axis_name="s"),
        scratch_types=scratch,
        name="sc_seg_sum_deg" if with_deg else "sc_seg_sum",
    )


_sc_agg_deg = _make_sc_agg(True)
_sc_agg = _make_sc_agg(False)


def _tc_weight_body(x_ref, rw_ref, o_ref):
    rw = rw_ref[0, :]
    w = jnp.exp(rw - jnp.max(rw))
    w = w / jnp.sum(w)
    o_ref[...] = x_ref[...] * w[None, :]


def _tc_weight(x, rw):
    return pl.pallas_call(
        _tc_weight_body,
        out_shape=jax.ShapeDtypeStruct((N, D), jnp.float32),
    )(x, rw)


def _tc_sage_body(h_ref, acc_ref, deg_ref, ws_ref, wn_ref, b_ref, o_ref):
    agg = acc_ref[0, :N, :] + acc_ref[1, :N, :]
    deg = deg_ref[:N, 0:1] + deg_ref[:N, 1:2]
    mean = agg / jnp.maximum(deg, 1.0)
    h = h_ref[...]
    dn = (((1,), (1,)), ((), ()))
    hs = lax.dot_general(h, ws_ref[...], dn, preferred_element_type=jnp.float32)
    hn = lax.dot_general(mean, wn_ref[...], dn, preferred_element_type=jnp.float32)
    o_ref[...] = jnp.maximum(hs + hn + b_ref[0, :][None, :], 0.0) + h


def _tc_sage(h, acc, deg, ws, wn, b):
    return pl.pallas_call(
        _tc_sage_body,
        out_shape=jax.ShapeDtypeStruct((N, D), jnp.float32),
    )(h, acc, deg, ws, wn, b)


def kernel(x, edge_index, raw_weights, W_self1, W_neigh1, b1,
           W_self2, W_neigh2, b2):
    packed = edge_index[0] * 16384 + edge_index[1]
    packed = packed.reshape(NW, EPW_REAL)
    npad = EPW - EPW_REAL
    pk_i = jnp.concatenate(
        [packed, jnp.full((NW, npad), N, jnp.int32)], axis=1).reshape(
            NW, NCHUNK, CHUNK)

    rw = raw_weights.reshape(1, D)
    zrows = jnp.zeros((RPS, D), jnp.float32)
    wx = _tc_weight(x, rw)
    acc1, deg = _sc_agg_deg(wx, pk_i, zrows)
    deg_t = deg.T
    out1 = _tc_sage(wx, acc1, deg_t, W_self1, W_neigh1, b1.reshape(1, D))
    (acc2,) = _sc_agg(out1, pk_i, zrows)
    out2 = _tc_sage(out1, acc2, deg_t, W_self2, W_neigh2, b2.reshape(1, D))
    return out2

# --- scband reference (transcript-rebuilt; emitter-appended) ---
"""Pipeline reference for scband-gnnmodel-41867341201759 (READ-ONLY COPY).

The authoritative reference and input builder live on the scoring server;
editing this copy changes nothing except your own understanding.
"""

import jax, jax.numpy as jnp
import numpy as np

N = 10000
E = 320000
D = 128
H = 128


def setup_inputs(seed: int = 0) -> dict:
    key = jax.random.key(seed)
    ks = jax.random.split(key, 10)
    x = jax.random.normal(ks[0], (N, D), dtype=jnp.float32)
    edge_index = jax.random.randint(ks[1], (2, E), 0, N, dtype=jnp.int32)
    # learned params
    raw_weights = jnp.ones((D,), dtype=jnp.float32)
    s1 = 1.0 / np.sqrt(D)
    s2 = 1.0 / np.sqrt(H)
    W_self1 = jax.random.uniform(ks[2], (H, D), dtype=jnp.float32, minval=-s1, maxval=s1)
    W_neigh1 = jax.random.uniform(ks[3], (H, D), dtype=jnp.float32, minval=-s1, maxval=s1)
    b1 = jnp.zeros((H,), dtype=jnp.float32)
    W_self2 = jax.random.uniform(ks[4], (H, H), dtype=jnp.float32, minval=-s2, maxval=s2)
    W_neigh2 = jax.random.uniform(ks[5], (H, H), dtype=jnp.float32, minval=-s2, maxval=s2)
    b2 = jnp.zeros((H,), dtype=jnp.float32)
    return {
        "x": x,
        "edge_index": edge_index,
        "raw_weights": raw_weights,
        "W_self1": W_self1,
        "W_neigh1": W_neigh1,
        "b1": b1,
        "W_self2": W_self2,
        "W_neigh2": W_neigh2,
        "b2": b2,
    }


def _mean_agg(h, src, dst):
    # DGL SAGEConv 'mean': mean of in-neighbor messages; zero in-degree -> 0
    msg = jnp.take(h, src, axis=0)
    summed = jax.ops.segment_sum(msg, dst, num_segments=N)
    deg = jax.ops.segment_sum(jnp.ones((src.shape[0],), jnp.float32), dst, num_segments=N)
    return summed / jnp.clip(deg, 1.0, None)[:, None]


def _sage(h, src, dst, W_self, W_neigh, b):
    h_neigh = _mean_agg(h, src, dst)
    return h @ W_self.T + h_neigh @ W_neigh.T + b


def reference(x, edge_index, raw_weights, W_self1, W_neigh1, b1, W_self2, W_neigh2, b2):
    src = edge_index[0]
    dst = edge_index[1]
    criteria_weights = jax.nn.softmax(raw_weights, axis=0)
    weighted_x = x * criteria_weights
    # in_feats == h_feats, so skip_connection1 is Identity
    out1 = jax.nn.relu(_sage(weighted_x, src, dst, W_self1, W_neigh1, b1)) + weighted_x
    out2 = jax.nn.relu(_sage(out1, src, dst, W_self2, W_neigh2, b2)) + out1
    return out2

if __name__ == "__main__":
    import jax
    _d = setup_inputs()
    print(jax.jit(kernel)(*tuple(_d.values())))

</pallas_src>

<mosaic_0001>
#map = affine_map<(d0, d1) -> (0, 0)>
#map1 = affine_map<(d0, d1) -> (0, 0, 0)>
module attributes {stable_mosaic.version = 14 : i64} {
  func.func @sc_seg_sum_deg(%arg0: i32, %arg1: i32, %arg2: memref<10000x128xf32, #tpu.memory_space<hbm>>, %arg3: memref<32x80x128xi32, #tpu.memory_space<hbm>>, %arg4: memref<640x128xf32, #tpu.memory_space<hbm>>, %arg5: memref<2x10240x128xf32, #tpu.memory_space<hbm>>, %arg6: memref<2x10240xf32, #tpu.memory_space<hbm>>, %arg7: memref<10240x128xf32, #tpu.memory_space<vmem_shared>>, %arg8: memref<10240xf32, #tpu.memory_space<vmem_shared>>, %arg9: memref<80x128xi32, #tpu.memory_space<vmem>>, %arg10: memref<128xi32, #tpu.memory_space<vmem>>, %arg11: memref<128xi32, #tpu.memory_space<vmem>>, %arg12: memref<128xi32, #tpu.memory_space<vmem>>, %arg13: memref<128xi32, #tpu.memory_space<vmem>>, %arg14: memref<128x128xf32, #tpu.memory_space<vmem>>, %arg15: memref<128x128xf32, #tpu.memory_space<vmem>>, %arg16: memref<128xf32, #tpu.memory_space<vmem>>, %arg17: memref<640xf32, #tpu.memory_space<vmem>>, %arg18: memref<!tpu.dma_semaphore, #tpu.memory_space<semaphore_mem>>, %arg19: memref<!tpu.dma_semaphore, #tpu.memory_space<semaphore_mem>>, %arg20: memref<!tpu.dma_semaphore, #tpu.memory_space<semaphore_mem>>) attributes {dimension_semantics = [#tpu.dimension_semantics<core_parallel>, #tpu.dimension_semantics<subcore_parallel>], iteration_bounds = array<i64: 2, 16>, scalar_prefetch = 0 : i64, scratch_operands = 14 : i64, tpu.core_type = #tpu.core_type<sc_vector_subcore>, window_params = [{transform_indices = #map}, {transform_indices = #map1}, {transform_indices = #map}, {transform_indices = #map1}, {transform_indices = #map}]} {
    %mul3A = arith.constant 2 : i32
    %mul3A_0 = arith.muli %arg1, %mul3A : i32
    %add3A = arith.addi %mul3A_0, %arg0 : i32
    %mul3A_1 = arith.constant 640 : i32
    %mul3A_2 = arith.muli %arg1, %mul3A_1 : i32
    %broadcast_in_dim3A = arith.constant 0.000000e+00 : f32
    %broadcast_in_dim3A_3 = vector.broadcast %broadcast_in_dim3A : f32 to vector<16xf32>
    %dma_start3A = arith.constant 0 : i32
    %dma_start3A_4 = arith.constant 0 : i32
    %dma_start3A_5 = tpu.memref_slice %arg3[%add3A, %dma_start3A, %dma_start3A_4] : memref<32x80x128xi32, #tpu.memory_space<hbm>> -> memref<1x80x128xi32, #tpu.memory_space<hbm>>
    %dma_start3A_6 = tpu.memref_squeeze %dma_start3A_5 : memref<1x80x128xi32, #tpu.memory_space<hbm>> -> memref<80x128xi32, #tpu.memory_space<hbm>>
    %dma_start3A_7 = arith.constant 0 : i32
    %dma_start3A_8 = arith.constant 0 : i32
    %dma_start3A_9 = tpu.memref_slice %arg3[%add3A, %dma_start3A_7, %dma_start3A_8] : memref<32x80x128xi32, #tpu.memory_space<hbm>> -> memref<1x80x128xi32, #tpu.memory_space<hbm>>
    %dma_start3A_10 = tpu.memref_squeeze %dma_start3A_9 : memref<1x80x128xi32, #tpu.memory_space<hbm>> -> memref<80x128xi32, #tpu.memory_space<hbm>>
    tpu.enqueue_dma source(%dma_start3A_10 : memref<80x128xi32, #tpu.memory_space<hbm>>) target(%arg9 : memref<80x128xi32, #tpu.memory_space<vmem>>) target_semaphore(%arg20 : memref<!tpu.dma_semaphore, #tpu.memory_space<semaphore_mem>>)
    "tpu.region"() ({
      %run_scoped3A = tpu.sem_alloc : memref<!tpu.dma_semaphore, #tpu.memory_space<semaphore_mem>>
      %dma_start3A_531 = arith.constant 0 : i32
      %dma_start3A_532 = tpu.memref_slice %arg7[%mul3A_2, %dma_start3A_531] : memref<10240x128xf32, #tpu.memory_space<vmem_shared>> -> memref<640x128xf32, #tpu.memory_space<vmem_shared>>
      tpu.enqueue_dma source(%arg4 : memref<640x128xf32, #tpu.memory_space<hbm>>) target(%dma_start3A_532 : memref<640x128xf32, #tpu.memory_space<vmem_shared>>) target_semaphore(%run_scoped3A : memref<!tpu.dma_semaphore, #tpu.memory_space<semaphore_mem>>)
      %dma_wait3A_533 = arith.constant 0 : i32
      %dma_wait3A_534 = tpu.memref_slice %arg7[%mul3A_2, %dma_wait3A_533] : memref<10240x128xf32, #tpu.memory_space<vmem_shared>> -> memref<640x128xf32, #tpu.memory_space<vmem_shared>>
      tpu.wait_dma2 semaphore(%run_scoped3A : memref<!tpu.dma_semaphore, #tpu.memory_space<semaphore_mem>>) src(%arg4 : memref<640x128xf32, #tpu.memory_space<hbm>>) dst(%dma_wait3A_534 : memref<640x128xf32, #tpu.memory_space<vmem_shared>>)
      tpu.yield
    }) : () -> ()
    %broadcast_in_dim3A_11 = arith.constant 1.000000e+00 : f32
    %broadcast_in_dim3A_12 = vector.broadcast %broadcast_in_dim3A_11 : f32 to vector<16xf32>
    %swap3A = arith.constant 0 : index
    %swap3A_13 = tpu.vector_load %arg16[%swap3A] {strides = array<i32>} : memref<128xf32, #tpu.memory_space<vmem>>, vector<16xf32>,
    %swap3A_14 = vector.shape_cast %swap3A_13 : vector<16xf32> to vector<16xf32>
    %swap3A_15 = vector.shape_cast %broadcast_in_dim3A_12 : vector<16xf32> to vector<16xf32>
    tpu.vector_store %arg16[%swap3A], %swap3A_15 {strides = array<i32>} : memref<128xf32, #tpu.memory_space<vmem>>, vector<16xf32>,
    %swap3A_16 = arith.constant 16 : index
    %swap3A_17 = tpu.vector_load %arg16[%swap3A_16] {strides = array<i32>} : memref<128xf32, #tpu.memory_space<vmem>>, vector<16xf32>,
    %swap3A_18 = vector.shape_cast %swap3A_17 : vector<16xf32> to vector<16xf32>
    %swap3A_19 = vector.shape_cast %broadcast_in_dim3A_12 : vector<16xf32> to vector<16xf32>
    tpu.vector_store %arg16[%swap3A_16], %swap3A_19 {strides = array<i32>} : memref<128xf32, #tpu.memory_space<vmem>>, vector<16xf32>,
    %swap3A_20 = arith.constant 32 : index
    %swap3A_21 = tpu.vector_load %arg16[%swap3A_20] {strides = array<i32>} : memref<128xf32, #tpu.memory_space<vmem>>, vector<16xf32>,
    %swap3A_22 = vector.shape_cast %swap3A_21 : vector<16xf32> to vector<16xf32>
    %swap3A_23 = vector.shape_cast %broadcast_in_dim3A_12 : vector<16xf32> to vector<16xf32>
    tpu.vector_store %arg16[%swap3A_20], %swap3A_23 {strides = array<i32>} : memref<128xf32, #tpu.memory_space<vmem>>, vector<16xf32>,
    %swap3A_24 = arith.constant 48 : index
    %swap3A_25 = tpu.vector_load %arg16[%swap3A_24] {strides = array<i32>} : memref<128xf32, #tpu.memory_space<vmem>>, vector<16xf32>,
    %swap3A_26 = vector.shape_cast %swap3A_25 : vector<16xf32> to vector<16xf32>
    %swap3A_27 = vector.shape_cast %broadcast_in_dim3A_12 : vector<16xf32> to vector<16xf32>
    tpu.vector_store %arg16[%swap3A_24], %swap3A_27 {strides = array<i32>} : memref<128xf32, #tpu.memory_space<vmem>>, vector<16xf32>,
    %swap3A_28 = arith.constant 64 : index
    %swap3A_29 = tpu.vector_load %arg16[%swap3A_28] {strides = array<i32>} : memref<128xf32, #tpu.memory_space<vmem>>, vector<16xf32>,
    %swap3A_30 = vector.shape_cast %swap3A_29 : vector<16xf32> to vector<16xf32>
    %swap3A_31 = vector.shape_cast %broadcast_in_dim3A_12 : vector<16xf32> to vector<16xf32>
    tpu.vector_store %arg16[%swap3A_28], %swap3A_31 {strides = array<i32>} : memref<128xf32, #tpu.memory_space<vmem>>, vector<16xf32>,
    %swap3A_32 = arith.constant 80 : index
    %swap3A_33 = tpu.vector_load %arg16[%swap3A_32] {strides = array<i32>} : memref<128xf32, #tpu.memory_space<vmem>>, vector<16xf32>,
    %swap3A_34 = vector.shape_cast %swap3A_33 : vector<16xf32> to vector<16xf32>
    %swap3A_35 = vector.shape_cast %broadcast_in_dim3A_12 : vector<16xf32> to vector<16xf32>
    tpu.vector_store %arg16[%swap3A_32], %swap3A_35 {strides = array<i32>} : memref<128xf32, #tpu.memory_space<vmem>>, vector<16xf32>,
    %swap3A_36 = arith.constant 96 : index
    %swap3A_37 = tpu.vector_load %arg16[%swap3A_36] {strides = array<i32>} : memref<128xf32, #tpu.memory_space<vmem>>, vector<16xf32>,
    %swap3A_38 = vector.shape_cast %swap3A_37 : vector<16xf32> to vector<16xf32>
    %swap3A_39 = vector.shape_cast %broadcast_in_dim3A_12 : vector<16xf32> to vector<16xf32>
    tpu.vector_store %arg16[%swap3A_36], %swap3A_39 {strides = array<i32>} : memref<128xf32, #tpu.memory_space<vmem>>, vector<16xf32>,
    %swap3A_40 = arith.constant 112 : index
    %swap3A_41 = tpu.vector_load %arg16[%swap3A_40] {strides = array<i32>} : memref<128xf32, #tpu.memory_space<vmem>>, vector<16xf32>,
    %swap3A_42 = vector.shape_cast %swap3A_41 : vector<16xf32> to vector<16xf32>
    %swap3A_43 = vector.shape_cast %broadcast_in_dim3A_12 : vector<16xf32> to vector<16xf32>
    tpu.vector_store %arg16[%swap3A_40], %swap3A_43 {strides = array<i32>} : memref<128xf32, #tpu.memory_space<vmem>>, vector<16xf32>,
    %swap3A_44 = arith.constant 0 : index
    %swap3A_45 = tpu.vector_load %arg17[%swap3A_44] {strides = array<i32>} : memref<640xf32, #tpu.memory_space<vmem>>, vector<16xf32>,
    %swap3A_46 = vector.shape_cast %swap3A_45 : vector<16xf32> to vector<16xf32>
    %swap3A_47 = vector.shape_cast %broadcast_in_dim3A_3 : vector<16xf32> to vector<16xf32>
    tpu.vector_store %arg17[%swap3A_44], %swap3A_47 {strides = array<i32>} : memref<640xf32, #tpu.memory_space<vmem>>, vector<16xf32>,
    %swap3A_48 = arith.constant 16 : index
    %swap3A_49 = tpu.vector_load %arg17[%swap3A_48] {strides = array<i32>} : memref<640xf32, #tpu.memory_space<vmem>>, vector<16xf32>,
    %swap3A_50 = vector.shape_cast %swap3A_49 : vector<16xf32> to vector<16xf32>
    %swap3A_51 = vector.shape_cast %broadcast_in_dim3A_3 : vector<16xf32> to vector<16xf32>
    tpu.vector_store %arg17[%swap3A_48], %swap3A_51 {strides = array<i32>} : memref<640xf32, #tpu.memory_space<vmem>>, vector<16xf32>,
    %swap3A_52 = arith.constant 32 : index
    %swap3A_53 = tpu.vector_load %arg17[%swap3A_52] {strides = array<i32>} : memref<640xf32, #tpu.memory_space<vmem>>, vector<16xf32>,
    %swap3A_54 = vector.shape_cast %swap3A_53 : vector<16xf32> to vector<16xf32>
    %swap3A_55 = vector.shape_cast %broadcast_in_dim3A_3 : vector<16xf32> to vector<16xf32>
    tpu.vector_store %arg17[%swap3A_52], %swap3A_55 {strides = array<i32>} : memref<640xf32, #tpu.memory_space<vmem>>, vector<16xf32>,
    %swap3A_56 = arith.constant 48 : index
    %swap3A_57 = tpu.vector_load %arg17[%swap3A_56] {strides = array<i32>} : memref<640xf32, #tpu.memory_space<vmem>>, vector<16xf32>,
    %swap3A_58 = vector.shape_cast %swap3A_57 : vector<16xf32> to vector<16xf32>
    %swap3A_59 = vector.shape_cast %broadcast_in_dim3A_3 : vector<16xf32> to vector<16xf32>
    tpu.vector_store %arg17[%swap3A_56], %swap3A_59 {strides = array<i32>} : memref<640xf32, #tpu.memory_space<vmem>>, vector<16xf32>,
    %swap3A_60 = arith.constant 64 : index
    %swap3A_61 = tpu.vector_load %arg17[%swap3A_60] {strides = array<i32>} : memref<640xf32, #tpu.memory_space<vmem>>, vector<16xf32>,
    %swap3A_62 = vector.shape_cast %swap3A_61 : vector<16xf32> to vector<16xf32>
    %swap3A_63 = vector.shape_cast %broadcast_in_dim3A_3 : vector<16xf32> to vector<16xf32>
    tpu.vector_store %arg17[%swap3A_60], %swap3A_63 {strides = array<i32>} : memref<640xf32, #tpu.memory_space<vmem>>, vector<16xf32>,
    %swap3A_64 = arith.constant 80 : index
    %swap3A_65 = tpu.vector_load %arg17[%swap3A_64] {strides = array<i32>} : memref<640xf32, #tpu.memory_space<vmem>>, vector<16xf32>,
    %swap3A_66 = vector.shape_cast %swap3A_65 : vector<16xf32> to vector<16xf32>
    %swap3A_67 = vector.shape_cast %broadcast_in_dim3A_3 : vector<16xf32> to vector<16xf32>
    tpu.vector_store %arg17[%swap3A_64], %swap3A_67 {strides = array<i32>} : memref<640xf32, #tpu.memory_space<vmem>>, vector<16xf32>,
    %swap3A_68 = arith.constant 96 : index
    %swap3A_69 = tpu.vector_load %arg17[%swap3A_68] {strides = array<i32>} : memref<640xf32, #tpu.memory_space<vmem>>, vector<16xf32>,
    %swap3A_70 = vector.shape_cast %swap3A_69 : vector<16xf32> to vector<16xf32>
    %swap3A_71 = vector.shape_cast %broadcast_in_dim3A_3 : vector<16xf32> to vector<16xf32>
    tpu.vector_store %arg17[%swap3A_68], %swap3A_71 {strides = array<i32>} : memref<640xf32, #tpu.memory_space<vmem>>, vector<16xf32>,
    %swap3A_72 = arith.constant 112 : index
    %swap3A_73 = tpu.vector_load %arg17[%swap3A_72] {strides = array<i32>} : memref<640xf32, #tpu.memory_space<vmem>>, vector<16xf32>,
    %swap3A_74 = vector.shape_cast %swap3A_73 : vector<16xf32> to vector<16xf32>
    %swap3A_75 = vector.shape_cast %broadcast_in_dim3A_3 : vector<16xf32> to vector<16xf32>
    tpu.vector_store %arg17[%swap3A_72], %swap3A_75 {strides = array<i32>} : memref<640xf32, #tpu.memory_space<vmem>>, vector<16xf32>,
    %swap3A_76 = arith.constant 128 : index
    %swap3A_77 = tpu.vector_load %arg17[%swap3A_76] {strides = array<i32>} : memref<640xf32, #tpu.memory_space<vmem>>, vector<16xf32>,
    %swap3A_78 = vector.shape_cast %swap3A_77 : vector<16xf32> to vector<16xf32>
    %swap3A_79 = vector.shape_cast %broadcast_in_dim3A_3 : vector<16xf32> to vector<16xf32>
    tpu.vector_store %arg17[%swap3A_76], %swap3A_79 {strides = array<i32>} : memref<640xf32, #tpu.memory_space<vmem>>, vector<16xf32>,
    %swap3A_80 = arith.constant 144 : index
    %swap3A_81 = tpu.vector_load %arg17[%swap3A_80] {strides = array<i32>} : memref<640xf32, #tpu.memory_space<vmem>>, vector<16xf32>,
    %swap3A_82 = vector.shape_cast %swap3A_81 : vector<16xf32> to vector<16xf32>
    %swap3A_83 = vector.shape_cast %broadcast_in_dim3A_3 : vector<16xf32> to vector<16xf32>
    tpu.vector_store %arg17[%swap3A_80], %swap3A_83 {strides = array<i32>} : memref<640xf32, #tpu.memory_space<vmem>>, vector<16xf32>,
    %swap3A_84 = arith.constant 160 : index
    %swap3A_85 = tpu.vector_load %arg17[%swap3A_84] {strides = array<i32>} : memref<640xf32, #tpu.memory_space<vmem>>, vector<16xf32>,
    %swap3A_86 = vector.shape_cast %swap3A_85 : vector<16xf32> to vector<16xf32>
    %swap3A_87 = vector.shape_cast %broadcast_in_dim3A_3 : vector<16xf32> to vector<16xf32>
    tpu.vector_store %arg17[%swap3A_84], %swap3A_87 {strides = array<i32>} : memref<640xf32, #tpu.memory_space<vmem>>, vector<16xf32>,
    %swap3A_88 = arith.constant 176 : index
    %swap3A_89 = tpu.vector_load %arg17[%swap3A_88] {strides = array<i32>} : memref<640xf32, #tpu.memory_space<vmem>>, vector<16xf32>,
    %swap3A_90 = vector.shape_cast %swap3A_89 : vector<16xf32> to vector<16xf32>
    %swap3A_91 = vector.shape_cast %broadcast_in_dim3A_3 : vector<16xf32> to vector<16xf32>
    tpu.vector_store %arg17[%swap3A_88], %swap3A_91 {strides = array<i32>} : memref<640xf32, #tpu.memory_space<vmem>>, vector<16xf32>,
    %swap3A_92 = arith.constant 192 : index
    %swap3A_93 = tpu.vector_load %arg17[%swap3A_92] {strides = array<i32>} : memref<640xf32, #tpu.memory_space<vmem>>, vector<16xf32>,
    %swap3A_94 = vector.shape_cast %swap3A_93 : vector<16xf32> to vector<16xf32>
    %swap3A_95 = vector.shape_cast %broadcast_in_dim3A_3 : vector<16xf32> to vector<16xf32>
    tpu.vector_store %arg17[%swap3A_92], %swap3A_95 {strides = array<i32>} : memref<640xf32, #tpu.memory_space<vmem>>, vector<16xf32>,
    %swap3A_96 = arith.constant 208 : index
    %swap3A_97 = tpu.vector_load %arg17[%swap3A_96] {strides = array<i32>} : memref<640xf32, #tpu.memory_space<vmem>>, vector<16xf32>,
    %swap3A_98 = vector.shape_cast %swap3A_97 : vector<16xf32> to vector<16xf32>
    %swap3A_99 = vector.shape_cast %broadcast_in_dim3A_3 : vector<16xf32> to vector<16xf32>
    tpu.vector_store %arg17[%swap3A_96], %swap3A_99 {strides = array<i32>} : memref<640xf32, #tpu.memory_space<vmem>>, vector<16xf32>,
    %swap3A_100 = arith.constant 224 : index
    %swap3A_101 = tpu.vector_load %arg17[%swap3A_100] {strides = array<i32>} : memref<640xf32, #tpu.memory_space<vmem>>, vector<16xf32>,
    %swap3A_102 = vector.shape_cast %swap3A_101 : vector<16xf32> to vector<16xf32>
    %swap3A_103 = vector.shape_cast %broadcast_in_dim3A_3 : vector<16xf32> to vector<16xf32>
    tpu.vector_store %arg17[%swap3A_100], %swap3A_103 {strides = array<i32>} : memref<640xf32, #tpu.memory_space<vmem>>, vector<16xf32>,
    %swap3A_104 = arith.constant 240 : index
    %swap3A_105 = tpu.vector_load %arg17[%swap3A_104] {strides = array<i32>} : memref<640xf32, #tpu.memory_space<vmem>>, vector<16xf32>,
    %swap3A_106 = vector.shape_cast %swap3A_105 : vector<16xf32> to vector<16xf32>
    %swap3A_107 = vector.shape_cast %broadcast_in_dim3A_3 : vector<16xf32> to vector<16xf32>
    tpu.vector_store %arg17[%swap3A_104], %swap3A_107 {strides = array<i32>} : memref<640xf32, #tpu.memory_space<vmem>>, vector<16xf32>,
    %swap3A_108 = arith.constant 256 : index
    %swap3A_109 = tpu.vector_load %arg17[%swap3A_108] {strides = array<i32>} : memref<640xf32, #tpu.memory_space<vmem>>, vector<16xf32>,
    %swap3A_110 = vector.shape_cast %swap3A_109 : vector<16xf32> to vector<16xf32>
    %swap3A_111 = vector.shape_cast %broadcast_in_dim3A_3 : vector<16xf32> to vector<16xf32>
    tpu.vector_store %arg17[%swap3A_108], %swap3A_111 {strides = array<i32>} : memref<640xf32, #tpu.memory_space<vmem>>, vector<16xf32>,
    %swap3A_112 = arith.constant 272 : index
    %swap3A_113 = tpu.vector_load %arg17[%swap3A_112] {strides = array<i32>} : memref<640xf32, #tpu.memory_space<vmem>>, vector<16xf32>,
    %swap3A_114 = vector.shape_cast %swap3A_113 : vector<16xf32> to vector<16xf32>
    %swap3A_115 = vector.shape_cast %broadcast_in_dim3A_3 : vector<16xf32> to vector<16xf32>
    tpu.vector_store %arg17[%swap3A_112], %swap3A_115 {strides = array<i32>} : memref<640xf32, #tpu.memory_space<vmem>>, vector<16xf32>,
    %swap3A_116 = arith.constant 288 : index
    %swap3A_117 = tpu.vector_load %arg17[%swap3A_116] {strides = array<i32>} : memref<640xf32, #tpu.memory_space<vmem>>, vector<16xf32>,
    %swap3A_118 = vector.shape_cast %swap3A_117 : vector<16xf32> to vector<16xf32>
    %swap3A_119 = vector.shape_cast %broadcast_in_dim3A_3 : vector<16xf32> to vector<16xf32>
    tpu.vector_store %arg17[%swap3A_116], %swap3A_119 {strides = array<i32>} : memref<640xf32, #tpu.memory_space<vmem>>, vector<16xf32>,
    %swap3A_120 = arith.constant 304 : index
    %swap3A_121 = tpu.vector_load %arg17[%swap3A_120] {strides = array<i32>} : memref<640xf32, #tpu.memory_space<vmem>>, vector<16xf32>,
    %swap3A_122 = vector.shape_cast %swap3A_121 : vector<16xf32> to vector<16xf32>
    %swap3A_123 = vector.shape_cast %broadcast_in_dim3A_3 : vector<16xf32> to vector<16xf32>
    tpu.vector_store %arg17[%swap3A_120], %swap3A_123 {strides = array<i32>} : memref<640xf32, #tpu.memory_space<vmem>>, vector<16xf32>,
    %swap3A_124 = arith.constant 320 : index
    %swap3A_125 = tpu.vector_load %arg17[%swap3A_124] {strides = array<i32>} : memref<640xf32, #tpu.memory_space<vmem>>, vector<16xf32>,
    %swap3A_126 = vector.shape_cast %swap3A_125 : vector<16xf32> to vector<16xf32>
    %swap3A_127 = vector.shape_cast %broadcast_in_dim3A_3 : vector<16xf32> to vector<16xf32>
    tpu.vector_store %arg17[%swap3A_124], %swap3A_127 {strides = array<i32>} : memref<640xf32, #tpu.memory_space<vmem>>, vector<16xf32>,
    %swap3A_128 = arith.constant 336 : index
    %swap3A_129 = tpu.vector_load %arg17[%swap3A_128] {strides = array<i32>} : memref<640xf32, #tpu.memory_space<vmem>>, vector<16xf32>,
    %swap3A_130 = vector.shape_cast %swap3A_129 : vector<16xf32> to vector<16xf32>
    %swap3A_131 = vector.shape_cast %broadcast_in_dim3A_3 : vector<16xf32> to vector<16xf32>
    tpu.vector_store %arg17[%swap3A_128], %swap3A_131 {strides = array<i32>} : memref<640xf32, #tpu.memory_space<vmem>>, vector<16xf32>,
    %swap3A_132 = arith.constant 352 : index
    %swap3A_133 = tpu.vector_load %arg17[%swap3A_132] {strides = array<i32>} : memref<640xf32, #tpu.memory_space<vmem>>, vector<16xf32>,
    %swap3A_134 = vector.shape_cast %swap3A_133 : vector<16xf32> to vector<16xf32>
    %swap3A_135 = vector.shape_cast %broadcast_in_dim3A_3 : vector<16xf32> to vector<16xf32>
    tpu.vector_store %arg17[%swap3A_132], %swap3A_135 {strides = array<i32>} : memref<640xf32, #tpu.memory_space<vmem>>, vector<16xf32>,
    %swap3A_136 = arith.constant 368 : index
    %swap3A_137 = tpu.vector_load %arg17[%swap3A_136] {strides = array<i32>} : memref<640xf32, #tpu.memory_space<vmem>>, vector<16xf32>,
    %swap3A_138 = vector.shape_cast %swap3A_137 : vector<16xf32> to vector<16xf32>
    %swap3A_139 = vector.shape_cast %broadcast_in_dim3A_3 : vector<16xf32> to vector<16xf32>
    tpu.vector_store %arg17[%swap3A_136], %swap3A_139 {strides = array<i32>} : memref<640xf32, #tpu.memory_space<vmem>>, vector<16xf32>,
    %swap3A_140 = arith.constant 384 : index
    %swap3A_141 = tpu.vector_load %arg17[%swap3A_140] {strides = array<i32>} : memref<640xf32, #tpu.memory_space<vmem>>, vector<16xf32>,
    %swap3A_142 = vector.shape_cast %swap3A_141 : vector<16xf32> to vector<16xf32>
    %swap3A_143 = vector.shape_cast %broadcast_in_dim3A_3 : vector<16xf32> to vector<16xf32>
    tpu.vector_store %arg17[%swap3A_140], %swap3A_143 {strides = array<i32>} : memref<640xf32, #tpu.memory_space<vmem>>, vector<16xf32>,
    %swap3A_144 = arith.constant 400 : index
    %swap3A_145 = tpu.vector_load %arg17[%swap3A_144] {strides = array<i32>} : memref<640xf32, #tpu.memory_space<vmem>>, vector<16xf32>,
    %swap3A_146 = vector.shape_cast %swap3A_145 : vector<16xf32> to vector<16xf32>
    %swap3A_147 = vector.shape_cast %broadcast_in_dim3A_3 : vector<16xf32> to vector<16xf32>
    tpu.vector_store %arg17[%swap3A_144], %swap3A_147 {strides = array<i32>} : memref<640xf32, #tpu.memory_space<vmem>>, vector<16xf32>,
    %swap3A_148 = arith.constant 416 : index
    %swap3A_149 = tpu.vector_load %arg17[%swap3A_148] {strides = array<i32>} : memref<640xf32, #tpu.memory_space<vmem>>, vector<16xf32>,
    %swap3A_150 = vector.shape_cast %swap3A_149 : vector<16xf32> to vector<16xf32>
    %swap3A_151 = vector.shape_cast %broadcast_in_dim3A_3 : vector<16xf32> to vector<16xf32>
    tpu.vector_store %arg17[%swap3A_148], %swap3A_151 {strides = array<i32>} : memref<640xf32, #tpu.memory_space<vmem>>, vector<16xf32>,
    %swap3A_152 = arith.constant 432 : index
    %swap3A_153 = tpu.vector_load %arg17[%swap3A_152] {strides = array<i32>} : memref<640xf32, #tpu.memory_space<vmem>>, vector<16xf32>,
    %swap3A_154 = vector.shape_cast %swap3A_153 : vector<16xf32> to vector<16xf32>
    %swap3A_155 = vector.shape_cast %broadcast_in_dim3A_3 : vector<16xf32> to vector<16xf32>
    tpu.vector_store %arg17[%swap3A_152], %swap3A_155 {strides = array<i32>} : memref<640xf32, #tpu.memory_space<vmem>>, vector<16xf32>,
    %swap3A_156 = arith.constant 448 : index
    %swap3A_157 = tpu.vector_load %arg17[%swap3A_156] {strides = array<i32>} : memref<640xf32, #tpu.memory_space<vmem>>, vector<16xf32>,
    %swap3A_158 = vector.shape_cast %swap3A_157 : vector<16xf32> to vector<16xf32>
    %swap3A_159 = vector.shape_cast %broadcast_in_dim3A_3 : vector<16xf32> to vector<16xf32>
    tpu.vector_store %arg17[%swap3A_156], %swap3A_159 {strides = array<i32>} : memref<640xf32, #tpu.memory_space<vmem>>, vector<16xf32>,
    %swap3A_160 = arith.constant 464 : index
    %swap3A_161 = tpu.vector_load %arg17[%swap3A_160] {strides = array<i32>} : memref<640xf32, #tpu.memory_space<vmem>>, vector<16xf32>,
    %swap3A_162 = vector.shape_cast %swap3A_161 : vector<16xf32> to vector<16xf32>
    %swap3A_163 = vector.shape_cast %broadcast_in_dim3A_3 : vector<16xf32> to vector<16xf32>
    tpu.vector_store %arg17[%swap3A_160], %swap3A_163 {strides = array<i32>} : memref<640xf32, #tpu.memory_space<vmem>>, vector<16xf32>,
    %swap3A_164 = arith.constant 480 : index
    %swap3A_165 = tpu.vector_load %arg17[%swap3A_164] {strides = array<i32>} : memref<640xf32, #tpu.memory_space<vmem>>, vector<16xf32>,
    %swap3A_166 = vector.shape_cast %swap3A_165 : vector<16xf32> to vector<16xf32>
    %swap3A_167 = vector.shape_cast %broadcast_in_dim3A_3 : vector<16xf32> to vector<16xf32>
    tpu.vector_store %arg17[%swap3A_164], %swap3A_167 {strides = array<i32>} : memref<640xf32, #tpu.memory_space<vmem>>, vector<16xf32>,
    %swap3A_168 = arith.constant 496 : index
    %swap3A_169 = tpu.vector_load %arg17[%swap3A_168] {strides = array<i32>} : memref<640xf32, #tpu.memory_space<vmem>>, vector<16xf32>,
    %swap3A_170 = vector.shape_cast %swap3A_169 : vector<16xf32> to vector<16xf32>
    %swap3A_171 = vector.shape_cast %broadcast_in_dim3A_3 : vector<16xf32> to vector<16xf32>
    tpu.vector_store %arg17[%swap3A_168], %swap3A_171 {strides = array<i32>} : memref<640xf32, #tpu.memory_space<vmem>>, vector<16xf32>,
    %swap3A_172 = arith.constant 512 : index
    %swap3A_173 = tpu.vector_load %arg17[%swap3A_172] {strides = array<i32>} : memref<640xf32, #tpu.memory_space<vmem>>, vector<16xf32>,
    %swap3A_174 = vector.shape_cast %swap3A_173 : vector<16xf32> to vector<16xf32>
    %swap3A_175 = vector.shape_cast %broadcast_in_dim3A_3 : vector<16xf32> to vector<16xf32>
    tpu.vector_store %arg17[%swap3A_172], %swap3A_175 {strides = array<i32>} : memref<640xf32, #tpu.memory_space<vmem>>, vector<16xf32>,
    %swap3A_176 = arith.constant 528 : index
    %swap3A_177 = tpu.vector_load %arg17[%swap3A_176] {strides = array<i32>} : memref<640xf32, #tpu.memory_space<vmem>>, vector<16xf32>,
    %swap3A_178 = vector.shape_cast %swap3A_177 : vector<16xf32> to vector<16xf32>
    %swap3A_179 = vector.shape_cast %broadcast_in_dim3A_3 : vector<16xf32> to vector<16xf32>
    tpu.vector_store %arg17[%swap3A_176], %swap3A_179 {strides = array<i32>} : memref<640xf32, #tpu.memory_space<vmem>>, vector<16xf32>,
    %swap3A_180 = arith.constant 544 : index
    %swap3A_181 = tpu.vector_load %arg17[%swap3A_180] {strides = array<i32>} : memref<640xf32, #tpu.memory_space<vmem>>, vector<16xf32>,
    %swap3A_182 = vector.shape_cast %swap3A_181 : vector<16xf32> to vector<16xf32>
    %swap3A_183 = vector.shape_cast %broadcast_in_dim3A_3 : vector<16xf32> to vector<16xf32>
    tpu.vector_store %arg17[%swap3A_180], %swap3A_183 {strides = array<i32>} : memref<640xf32, #tpu.memory_space<vmem>>, vector<16xf32>,
    %swap3A_184 = arith.constant 560 : index
    %swap3A_185 = tpu.vector_load %arg17[%swap3A_184] {strides = array<i32>} : memref<640xf32, #tpu.memory_space<vmem>>, vector<16xf32>,
    %swap3A_186 = vector.shape_cast %swap3A_185 : vector<16xf32> to vector<16xf32>
    %swap3A_187 = vector.shape_cast %broadcast_in_dim3A_3 : vector<16xf32> to vector<16xf32>
    tpu.vector_store %arg17[%swap3A_184], %swap3A_187 {strides = array<i32>} : memref<640xf32, #tpu.memory_space<vmem>>, vector<16xf32>,
    %swap3A_188 = arith.constant 576 : index
    %swap3A_189 = tpu.vector_load %arg17[%swap3A_188] {strides = array<i32>} : memref<640xf32, #tpu.memory_space<vmem>>, vector<16xf32>,
    %swap3A_190 = vector.shape_cast %swap3A_189 : vector<16xf32> to vector<16xf32>
    %swap3A_191 = vector.shape_cast %broadcast_in_dim3A_3 : vector<16xf32> to vector<16xf32>
    tpu.vector_store %arg17[%swap3A_188], %swap3A_191 {strides = array<i32>} : memref<640xf32, #tpu.memory_space<vmem>>, vector<16xf32>,
    %swap3A_192 = arith.constant 592 : index
    %swap3A_193 = tpu.vector_load %arg17[%swap3A_192] {strides = array<i32>} : memref<640xf32, #tpu.memory_space<vmem>>, vector<16xf32>,
    %swap3A_194 = vector.shape_cast %swap3A_193 : vector<16xf32> to vector<16xf32>
    %swap3A_195 = vector.shape_cast %broadcast_in_dim3A_3 : vector<16xf32> to vector<16xf32>
    tpu.vector_store %arg17[%swap3A_192], %swap3A_195 {strides = array<i32>} : memref<640xf32, #tpu.memory_space<vmem>>, vector<16xf32>,
    %swap3A_196 = arith.constant 608 : index
    %swap3A_197 = tpu.vector_load %arg17[%swap3A_196] {strides = array<i32>} : memref<640xf32, #tpu.memory_space<vmem>>, vector<16xf32>,
    %swap3A_198 = vector.shape_cast %swap3A_197 : vector<16xf32> to vector<16xf32>
    %swap3A_199 = vector.shape_cast %broadcast_in_dim3A_3 : vector<16xf32> to vector<16xf32>
    tpu.vector_store %arg17[%swap3A_196], %swap3A_199 {strides = array<i32>} : memref<640xf32, #tpu.memory_space<vmem>>, vector<16xf32>,
    %swap3A_200 = arith.constant 624 : index
    %swap3A_201 = tpu.vector_load %arg17[%swap3A_200] {strides = array<i32>} : memref<640xf32, #tpu.memory_space<vmem>>, vector<16xf32>,
    %swap3A_202 = vector.shape_cast %swap3A_201 : vector<16xf32> to vector<16xf32>
    %swap3A_203 = vector.shape_cast %broadcast_in_dim3A_3 : vector<16xf32> to vector<16xf32>
    tpu.vector_store %arg17[%swap3A_200], %swap3A_203 {strides = array<i32>} : memref<640xf32, #tpu.memory_space<vmem>>, vector<16xf32>,
    "tpu.region"() ({
      %run_scoped3A = tpu.sem_alloc : memref<!tpu.dma_semaphore, #tpu.memory_space<semaphore_mem>>
      %dma_start3A_531 = tpu.memref_slice %arg8[%mul3A_2] : memref<10240xf32, #tpu.memory_space<vmem_shared>> -> memref<640xf32, #tpu.memory_space<vmem_shared>>
      %dma_start3A_532 = tpu.memref_slice %arg8[%mul3A_2] : memref<10240xf32, #tpu.memory_space<vmem_shared>> -> memref<640xf32, #tpu.memory_space<vmem_shared>>
      tpu.enqueue_dma source(%arg17 : memref<640xf32, #tpu.memory_space<vmem>>) target(%dma_start3A_532 : memref<640xf32, #tpu.memory_space<vmem_shared>>) target_semaphore(%run_scoped3A : memref<!tpu.dma_semaphore, #tpu.memory_space<semaphore_mem>>)
      %dma_wait3A_533 = tpu.memref_slice %arg8[%mul3A_2] : memref<10240xf32, #tpu.memory_space<vmem_shared>> -> memref<640xf32, #tpu.memory_space<vmem_shared>>
      %dma_wait3A_534 = tpu.memref_slice %arg8[%mul3A_2] : memref<10240xf32, #tpu.memory_space<vmem_shared>> -> memref<640xf32, #tpu.memory_space<vmem_shared>>
      tpu.wait_dma2 semaphore(%run_scoped3A : memref<!tpu.dma_semaphore, #tpu.memory_space<semaphore_mem>>) src(%arg17 : memref<640xf32, #tpu.memory_space<vmem>>) dst(%dma_wait3A_534 : memref<640xf32, #tpu.memory_space<vmem_shared>>)
      tpu.yield
    }) : () -> ()
    %dma_wait3A = arith.constant 0 : i32
    %dma_wait3A_204 = arith.constant 0 : i32
    %dma_wait3A_205 = tpu.memref_slice %arg3[%add3A, %dma_wait3A, %dma_wait3A_204] : memref<32x80x128xi32, #tpu.memory_space<hbm>> -> memref<1x80x128xi32, #tpu.memory_space<hbm>>
    %dma_wait3A_206 = tpu.memref_squeeze %dma_wait3A_205 : memref<1x80x128xi32, #tpu.memory_space<hbm>> -> memref<80x128xi32, #tpu.memory_space<hbm>>
    %dma_wait3A_207 = arith.constant 0 : i32
    %dma_wait3A_208 = arith.constant 0 : i32
    %dma_wait3A_209 = tpu.memref_slice %arg3[%add3A, %dma_wait3A_207, %dma_wait3A_208] : memref<32x80x128xi32, #tpu.memory_space<hbm>> -> memref<1x80x128xi32, #tpu.memory_space<hbm>>
    %dma_wait3A_210 = tpu.memref_squeeze %dma_wait3A_209 : memref<1x80x128xi32, #tpu.memory_space<hbm>> -> memref<80x128xi32, #tpu.memory_space<hbm>>
    tpu.wait_dma2 semaphore(%arg20 : memref<!tpu.dma_semaphore, #tpu.memory_space<semaphore_mem>>) src(%dma_wait3A_210 : memref<80x128xi32, #tpu.memory_space<hbm>>) dst(%arg9 : memref<80x128xi32, #tpu.memory_space<vmem>>)
    %barrier3A = arith.constant 0 : index
    tpu.barrier barrier_id(%barrier3A)
    %get3A = arith.constant 0 : i32
    %get3A_211 = arith.index_cast %get3A : i32 to index
    %get3A_212 = arith.constant 0 : index
    %get3A_213 = tpu.vector_load %arg9[%get3A_211, %get3A_212] {strides = array<i32>} : memref<80x128xi32, #tpu.memory_space<vmem>>, vector<1x16xi32>,
    %get3A_214 = vector.shape_cast %get3A_213 : vector<1x16xi32> to vector<16xi32>
    %shift_right_logical3A = arith.constant 14 : i32
    %shift_right_logical3A_215 = vector.broadcast %shift_right_logical3A : i32 to vector<16xi32>
    %shift_right_logical3A_216 = arith.shrui %get3A_214, %shift_right_logical3A_215 : vector<16xi32>
    %swap3A_217 = arith.constant 0 : index
    %swap3A_218 = tpu.vector_load %arg10[%swap3A_217] {strides = array<i32>} : memref<128xi32, #tpu.memory_space<vmem>>, vector<16xi32>,
    %swap3A_219 = vector.shape_cast %swap3A_218 : vector<16xi32> to vector<16xi32>
    %swap3A_220 = vector.shape_cast %shift_right_logical3A_216 : vector<16xi32> to vector<16xi32>
    tpu.vector_store %arg10[%swap3A_217], %swap3A_220 {strides = array<i32>} : memref<128xi32, #tpu.memory_space<vmem>>, vector<16xi32>,
    %and3A = arith.constant 16383 : i32
    %and3A_221 = vector.broadcast %and3A : i32 to vector<16xi32>
    %and3A_222 = arith.andi %get3A_214, %and3A_221 : vector<16xi32>
    %swap3A_223 = arith.constant 0 : index
    %swap3A_224 = tpu.vector_load %arg12[%swap3A_223] {strides = array<i32>} : memref<128xi32, #tpu.memory_space<vmem>>, vector<16xi32>,
    %swap3A_225 = vector.shape_cast %swap3A_224 : vector<16xi32> to vector<16xi32>
    %swap3A_226 = vector.shape_cast %and3A_222 : vector<16xi32> to vector<16xi32>
    tpu.vector_store %arg12[%swap3A_223], %swap3A_226 {strides = array<i32>} : memref<128xi32, #tpu.memory_space<vmem>>, vector<16xi32>,
    %get3A_227 = arith.constant 0 : i32
    %get3A_228 = arith.index_cast %get3A_227 : i32 to index
    %get3A_229 = arith.constant 16 : index
    %get3A_230 = tpu.vector_load %arg9[%get3A_228, %get3A_229] {strides = array<i32>} : memref<80x128xi32, #tpu.memory_space<vmem>>, vector<1x16xi32>,
    %get3A_231 = vector.shape_cast %get3A_230 : vector<1x16xi32> to vector<16xi32>
    %shift_right_logical3A_232 = arith.constant 14 : i32
    %shift_right_logical3A_233 = vector.broadcast %shift_right_logical3A_232 : i32 to vector<16xi32>
    %shift_right_logical3A_234 = arith.shrui %get3A_231, %shift_right_logical3A_233 : vector<16xi32>
    %swap3A_235 = arith.constant 16 : index
    %swap3A_236 = tpu.vector_load %arg10[%swap3A_235] {strides = array<i32>} : memref<128xi32, #tpu.memory_space<vmem>>, vector<16xi32>,
    %swap3A_237 = vector.shape_cast %swap3A_236 : vector<16xi32> to vector<16xi32>
    %swap3A_238 = vector.shape_cast %shift_right_logical3A_234 : vector<16xi32> to vector<16xi32>
    tpu.vector_store %arg10[%swap3A_235], %swap3A_238 {strides = array<i32>} : memref<128xi32, #tpu.memory_space<vmem>>, vector<16xi32>,
    %and3A_239 = arith.constant 16383 : i32
    %and3A_240 = vector.broadcast %and3A_239 : i32 to vector<16xi32>
    %and3A_241 = arith.andi %get3A_231, %and3A_240 : vector<16xi32>
    %swap3A_242 = arith.constant 16 : index
    %swap3A_243 = tpu.vector_load %arg12[%swap3A_242] {strides = array<i32>} : memref<128xi32, #tpu.memory_space<vmem>>, vector<16xi32>,
    %swap3A_244 = vector.shape_cast %swap3A_243 : vector<16xi32> to vector<16xi32>
    %swap3A_245 = vector.shape_cast %and3A_241 : vector<16xi32> to vector<16xi32>
    tpu.vector_store %arg12[%swap3A_242], %swap3A_245 {strides = array<i32>} : memref<128xi32, #tpu.memory_space<vmem>>, vector<16xi32>,
    %get3A_246 = arith.constant 0 : i32
    %get3A_247 = arith.index_cast %get3A_246 : i32 to index
    %get3A_248 = arith.constant 32 : index
    %get3A_249 = tpu.vector_load %arg9[%get3A_247, %get3A_248] {strides = array<i32>} : memref<80x128xi32, #tpu.memory_space<vmem>>, vector<1x16xi32>,
    %get3A_250 = vector.shape_cast %get3A_249 : vector<1x16xi32> to vector<16xi32>
    %shift_right_logical3A_251 = arith.constant 14 : i32
    %shift_right_logical3A_252 = vector.broadcast %shift_right_logical3A_251 : i32 to vector<16xi32>
    %shift_right_logical3A_253 = arith.shrui %get3A_250, %shift_right_logical3A_252 : vector<16xi32>
    %swap3A_254 = arith.constant 32 : index
    %swap3A_255 = tpu.vector_load %arg10[%swap3A_254] {strides = array<i32>} : memref<128xi32, #tpu.memory_space<vmem>>, vector<16xi32>,
    %swap3A_256 = vector.shape_cast %swap3A_255 : vector<16xi32> to vector<16xi32>
    %swap3A_257 = vector.shape_cast %shift_right_logical3A_253 : vector<16xi32> to vector<16xi32>
    tpu.vector_store %arg10[%swap3A_254], %swap3A_257 {strides = array<i32>} : memref<128xi32, #tpu.memory_space<vmem>>, vector<16xi32>,
    %and3A_258 = arith.constant 16383 : i32
    %and3A_259 = vector.broadcast %and3A_258 : i32 to vector<16xi32>
    %and3A_260 = arith.andi %get3A_250, %and3A_259 : vector<16xi32>
    %swap3A_261 = arith.constant 32 : index
    %swap3A_262 = tpu.vector_load %arg12[%swap3A_261] {strides = array<i32>} : memref<128xi32, #tpu.memory_space<vmem>>, vector<16xi32>,
    %swap3A_263 = vector.shape_cast %swap3A_262 : vector<16xi32> to vector<16xi32>
    %swap3A_264 = vector.shape_cast %and3A_260 : vector<16xi32> to vector<16xi32>
    tpu.vector_store %arg12[%swap3A_261], %swap3A_264 {strides = array<i32>} : memref<128xi32, #tpu.memory_space<vmem>>, vector<16xi32>,
    %get3A_265 = arith.constant 0 : i32
    %get3A_266 = arith.index_cast %get3A_265 : i32 to index
    %get3A_267 = arith.constant 48 : index
    %get3A_268 = tpu.vector_load %arg9[%get3A_266, %get3A_267] {strides = array<i32>} : memref<80x128xi32, #tpu.memory_space<vmem>>, vector<1x16xi32>,
    %get3A_269 = vector.shape_cast %get3A_268 : vector<1x16xi32> to vector<16xi32>
    %shift_right_logical3A_270 = arith.constant 14 : i32
    %shift_right_logical3A_271 = vector.broadcast %shift_right_logical3A_270 : i32 to vector<16xi32>
    %shift_right_logical3A_272 = arith.shrui %get3A_269, %shift_right_logical3A_271 : vector<16xi32>
    %swap3A_273 = arith.constant 48 : index
    %swap3A_274 = tpu.vector_load %arg10[%swap3A_273] {strides = array<i32>} : memref<128xi32, #tpu.memory_space<vmem>>, vector<16xi32>,
    %swap3A_275 = vector.shape_cast %swap3A_274 : vector<16xi32> to vector<16xi32>
    %swap3A_276 = vector.shape_cast %shift_right_logical3A_272 : vector<16xi32> to vector<16xi32>
    tpu.vector_store %arg10[%swap3A_273], %swap3A_276 {strides = array<i32>} : memref<128xi32, #tpu.memory_space<vmem>>, vector<16xi32>,
    %and3A_277 = arith.constant 16383 : i32
    %and3A_278 = vector.broadcast %and3A_277 : i32 to vector<16xi32>
    %and3A_279 = arith.andi %get3A_269, %and3A_278 : vector<16xi32>
    %swap3A_280 = arith.constant 48 : index
    %swap3A_281 = tpu.vector_load %arg12[%swap3A_280] {strides = array<i32>} : memref<128xi32, #tpu.memory_space<vmem>>, vector<16xi32>,
    %swap3A_282 = vector.shape_cast %swap3A_281 : vector<16xi32> to vector<16xi32>
    %swap3A_283 = vector.shape_cast %and3A_279 : vector<16xi32> to vector<16xi32>
    tpu.vector_store %arg12[%swap3A_280], %swap3A_283 {strides = array<i32>} : memref<128xi32, #tpu.memory_space<vmem>>, vector<16xi32>,
    %get3A_284 = arith.constant 0 : i32
    %get3A_285 = arith.index_cast %get3A_284 : i32 to index
    %get3A_286 = arith.constant 64 : index
    %get3A_287 = tpu.vector_load %arg9[%get3A_285, %get3A_286] {strides = array<i32>} : memref<80x128xi32, #tpu.memory_space<vmem>>, vector<1x16xi32>,
    %get3A_288 = vector.shape_cast %get3A_287 : vector<1x16xi32> to vector<16xi32>
    %shift_right_logical3A_289 = arith.constant 14 : i32
    %shift_right_logical3A_290 = vector.broadcast %shift_right_logical3A_289 : i32 to vector<16xi32>
    %shift_right_logical3A_291 = arith.shrui %get3A_288, %shift_right_logical3A_290 : vector<16xi32>
    %swap3A_292 = arith.constant 64 : index
    %swap3A_293 = tpu.vector_load %arg10[%swap3A_292] {strides = array<i32>} : memref<128xi32, #tpu.memory_space<vmem>>, vector<16xi32>,
    %swap3A_294 = vector.shape_cast %swap3A_293 : vector<16xi32> to vector<16xi32>
    %swap3A_295 = vector.shape_cast %shift_right_logical3A_291 : vector<16xi32> to vector<16xi32>
    tpu.vector_store %arg10[%swap3A_292], %swap3A_295 {strides = array<i32>} : memref<128xi32, #tpu.memory_space<vmem>>, vector<16xi32>,
    %and3A_296 = arith.constant 16383 : i32
    %and3A_297 = vector.broadcast %and3A_296 : i32 to vector<16xi32>
    %and3A_298 = arith.andi %get3A_288, %and3A_297 : vector<16xi32>
    %swap3A_299 = arith.constant 64 : index
    %swap3A_300 = tpu.vector_load %arg12[%swap3A_299] {strides = array<i32>} : memref<128xi32, #tpu.memory_space<vmem>>, vector<16xi32>,
    %swap3A_301 = vector.shape_cast %swap3A_300 : vector<16xi32> to vector<16xi32>
    %swap3A_302 = vector.shape_cast %and3A_298 : vector<16xi32> to vector<16xi32>
    tpu.vector_store %arg12[%swap3A_299], %swap3A_302 {strides = array<i32>} : memref<128xi32, #tpu.memory_space<vmem>>, vector<16xi32>,
    %get3A_303 = arith.constant 0 : i32
    %get3A_304 = arith.index_cast %get3A_303 : i32 to index
    %get3A_305 = arith.constant 80 : index
    %get3A_306 = tpu.vector_load %arg9[%get3A_304, %get3A_305] {strides = array<i32>} : memref<80x128xi32, #tpu.memory_space<vmem>>, vector<1x16xi32>,
    %get3A_307 = vector.shape_cast %get3A_306 : vector<1x16xi32> to vector<16xi32>
    %shift_right_logical3A_308 = arith.constant 14 : i32
    %shift_right_logical3A_309 = vector.broadcast %shift_right_logical3A_308 : i32 to vector<16xi32>
    %shift_right_logical3A_310 = arith.shrui %get3A_307, %shift_right_logical3A_309 : vector<16xi32>
    %swap3A_311 = arith.constant 80 : index
    %swap3A_312 = tpu.vector_load %arg10[%swap3A_311] {strides = array<i32>} : memref<128xi32, #tpu.memory_space<vmem>>, vector<16xi32>,
    %swap3A_313 = vector.shape_cast %swap3A_312 : vector<16xi32> to vector<16xi32>
    %swap3A_314 = vector.shape_cast %shift_right_logical3A_310 : vector<16xi32> to vector<16xi32>
    tpu.vector_store %arg10[%swap3A_311], %swap3A_314 {strides = array<i32>} : memref<128xi32, #tpu.memory_space<vmem>>, vector<16xi32>,
    %and3A_315 = arith.constant 16383 : i32
    %and3A_316 = vector.broadcast %and3A_315 : i32 to vector<16xi32>
    %and3A_317 = arith.andi %get3A_307, %and3A_316 : vector<16xi32>
    %swap3A_318 = arith.constant 80 : index
    %swap3A_319 = tpu.vector_load %arg12[%swap3A_318] {strides = array<i32>} : memref<128xi32, #tpu.memory_space<vmem>>, vector<16xi32>,
    %swap3A_320 = vector.shape_cast %swap3A_319 : vector<16xi32> to vector<16xi32>
    %swap3A_321 = vector.shape_cast %and3A_317 : vector<16xi32> to vector<16xi32>
    tpu.vector_store %arg12[%swap3A_318], %swap3A_321 {strides = array<i32>} : memref<128xi32, #tpu.memory_space<vmem>>, vector<16xi32>,
    %get3A_322 = arith.constant 0 : i32
    %get3A_323 = arith.index_cast %get3A_322 : i32 to index
    %get3A_324 = arith.constant 96 : index
    %get3A_325 = tpu.vector_load %arg9[%get3A_323, %get3A_324] {strides = array<i32>} : memref<80x128xi32, #tpu.memory_space<vmem>>, vector<1x16xi32>,
    %get3A_326 = vector.shape_cast %get3A_325 : vector<1x16xi32> to vector<16xi32>
    %shift_right_logical3A_327 = arith.constant 14 : i32
    %shift_right_logical3A_328 = vector.broadcast %shift_right_logical3A_327 : i32 to vector<16xi32>
    %shift_right_logical3A_329 = arith.shrui %get3A_326, %shift_right_logical3A_328 : vector<16xi32>
    %swap3A_330 = arith.constant 96 : index
    %swap3A_331 = tpu.vector_load %arg10[%swap3A_330] {strides = array<i32>} : memref<128xi32, #tpu.memory_space<vmem>>, vector<16xi32>,
    %swap3A_332 = vector.shape_cast %swap3A_331 : vector<16xi32> to vector<16xi32>
    %swap3A_333 = vector.shape_cast %shift_right_logical3A_329 : vector<16xi32> to vector<16xi32>
    tpu.vector_store %arg10[%swap3A_330], %swap3A_333 {strides = array<i32>} : memref<128xi32, #tpu.memory_space<vmem>>, vector<16xi32>,
    %and3A_334 = arith.constant 16383 : i32
    %and3A_335 = vector.broadcast %and3A_334 : i32 to vector<16xi32>
    %and3A_336 = arith.andi %get3A_326, %and3A_335 : vector<16xi32>
    %swap3A_337 = arith.constant 96 : index
    %swap3A_338 = tpu.vector_load %arg12[%swap3A_337] {strides = array<i32>} : memref<128xi32, #tpu.memory_space<vmem>>, vector<16xi32>,
    %swap3A_339 = vector.shape_cast %swap3A_338 : vector<16xi32> to vector<16xi32>
    %swap3A_340 = vector.shape_cast %and3A_336 : vector<16xi32> to vector<16xi32>
    tpu.vector_store %arg12[%swap3A_337], %swap3A_340 {strides = array<i32>} : memref<128xi32, #tpu.memory_space<vmem>>, vector<16xi32>,
    %get3A_341 = arith.constant 0 : i32
    %get3A_342 = arith.index_cast %get3A_341 : i32 to index
    %get3A_343 = arith.constant 112 : index
    %get3A_344 = tpu.vector_load %arg9[%get3A_342, %get3A_343] {strides = array<i32>} : memref<80x128xi32, #tpu.memory_space<vmem>>, vector<1x16xi32>,
    %get3A_345 = vector.shape_cast %get3A_344 : vector<1x16xi32> to vector<16xi32>
    %shift_right_logical3A_346 = arith.constant 14 : i32
    %shift_right_logical3A_347 = vector.broadcast %shift_right_logical3A_346 : i32 to vector<16xi32>
    %shift_right_logical3A_348 = arith.shrui %get3A_345, %shift_right_logical3A_347 : vector<16xi32>
    %swap3A_349 = arith.constant 112 : index
    %swap3A_350 = tpu.vector_load %arg10[%swap3A_349] {strides = array<i32>} : memref<128xi32, #tpu.memory_space<vmem>>, vector<16xi32>,
    %swap3A_351 = vector.shape_cast %swap3A_350 : vector<16xi32> to vector<16xi32>
    %swap3A_352 = vector.shape_cast %shift_right_logical3A_348 : vector<16xi32> to vector<16xi32>
    tpu.vector_store %arg10[%swap3A_349], %swap3A_352 {strides = array<i32>} : memref<128xi32, #tpu.memory_space<vmem>>, vector<16xi32>,
    %and3A_353 = arith.constant 16383 : i32
    %and3A_354 = vector.broadcast %and3A_353 : i32 to vector<16xi32>
    %and3A_355 = arith.andi %get3A_345, %and3A_354 : vector<16xi32>
    %swap3A_356 = arith.constant 112 : index
    %swap3A_357 = tpu.vector_load %arg12[%swap3A_356] {strides = array<i32>} : memref<128xi32, #tpu.memory_space<vmem>>, vector<16xi32>,
    %swap3A_358 = vector.shape_cast %swap3A_357 : vector<16xi32> to vector<16xi32>
    %swap3A_359 = vector.shape_cast %and3A_355 : vector<16xi32> to vector<16xi32>
    tpu.vector_store %arg12[%swap3A_356], %swap3A_359 {strides = array<i32>} : memref<128xi32, #tpu.memory_space<vmem>>, vector<16xi32>,
    %dma_start3A_360 = arith.constant 0 : i32
    %dma_start3A_361 = arith.constant 0 : i32
    %dma_start3A_362 = tpu.memref_slice %arg2[%dma_start3A_360, %dma_start3A_361] : memref<10000x128xf32, #tpu.memory_space<hbm>> -> memref<10000x128xf32, #tpu.memory_space<hbm>>
    tpu.enqueue_indirect_dma source(%dma_start3A_362 : memref<10000x128xf32, #tpu.memory_space<hbm>>) target(%arg14 : memref<128x128xf32, #tpu.memory_space<vmem>>) offsets(%arg10 : memref<128xi32, #tpu.memory_space<vmem>>) semaphore(%arg18 : memref<!tpu.dma_semaphore, #tpu.memory_space<semaphore_mem>>)
    %get3A_363 = arith.constant 1 : i32
    %get3A_364 = arith.index_cast %get3A_363 : i32 to index
    %get3A_365 = arith.constant 0 : index
    %get3A_366 = tpu.vector_load %arg9[%get3A_364, %get3A_365] {strides = array<i32>} : memref<80x128xi32, #tpu.memory_space<vmem>>, vector<1x16xi32>,
    %get3A_367 = vector.shape_cast %get3A_366 : vector<1x16xi32> to vector<16xi32>
    %shift_right_logical3A_368 = arith.constant 14 : i32
    %shift_right_logical3A_369 = vector.broadcast %shift_right_logical3A_368 : i32 to vector<16xi32>
    %shift_right_logical3A_370 = arith.shrui %get3A_367, %shift_right_logical3A_369 : vector<16xi32>
    %swap3A_371 = arith.constant 0 : index
    %swap3A_372 = tpu.vector_load %arg11[%swap3A_371] {strides = array<i32>} : memref<128xi32, #tpu.memory_space<vmem>>, vector<16xi32>,
    %swap3A_373 = vector.shape_cast %swap3A_372 : vector<16xi32> to vector<16xi32>
    %swap3A_374 = vector.shape_cast %shift_right_logical3A_370 : vector<16xi32> to vector<16xi32>
    tpu.vector_store %arg11[%swap3A_371], %swap3A_374 {strides = array<i32>} : memref<128xi32, #tpu.memory_space<vmem>>, vector<16xi32>,
    %and3A_375 = arith.constant 16383 : i32
    %and3A_376 = vector.broadcast %and3A_375 : i32 to vector<16xi32>
    %and3A_377 = arith.andi %get3A_367, %and3A_376 : vector<16xi32>
    %swap3A_378 = arith.constant 0 : index
    %swap3A_379 = tpu.vector_load %arg13[%swap3A_378] {strides = array<i32>} : memref<128xi32, #tpu.memory_space<vmem>>, vector<16xi32>,
    %swap3A_380 = vector.shape_cast %swap3A_379 : vector<16xi32> to vector<16xi32>
    %swap3A_381 = vector.shape_cast %and3A_377 : vector<16xi32> to vector<16xi32>
    tpu.vector_store %arg13[%swap3A_378], %swap3A_381 {strides = array<i32>} : memref<128xi32, #tpu.memory_space<vmem>>, vector<16xi32>,
    %get3A_382 = arith.constant 1 : i32
    %get3A_383 = arith.index_cast %get3A_382 : i32 to index
    %get3A_384 = arith.constant 16 : index
    %get3A_385 = tpu.vector_load %arg9[%get3A_383, %get3A_384] {strides = array<i32>} : memref<80x128xi32, #tpu.memory_space<vmem>>, vector<1x16xi32>,
    %get3A_386 = vector.shape_cast %get3A_385 : vector<1x16xi32> to vector<16xi32>
    %shift_right_logical3A_387 = arith.constant 14 : i32
    %shift_right_logical3A_388 = vector.broadcast %shift_right_logical3A_387 : i32 to vector<16xi32>
    %shift_right_logical3A_389 = arith.shrui %get3A_386, %shift_right_logical3A_388 : vector<16xi32>
    %swap3A_390 = arith.constant 16 : index
    %swap3A_391 = tpu.vector_load %arg11[%swap3A_390] {strides = array<i32>} : memref<128xi32, #tpu.memory_space<vmem>>, vector<16xi32>,
    %swap3A_392 = vector.shape_cast %swap3A_391 : vector<16xi32> to vector<16xi32>
    %swap3A_393 = vector.shape_cast %shift_right_logical3A_389 : vector<16xi32> to vector<16xi32>
    tpu.vector_store %arg11[%swap3A_390], %swap3A_393 {strides = array<i32>} : memref<128xi32, #tpu.memory_space<vmem>>, vector<16xi32>,
    %and3A_394 = arith.constant 16383 : i32
    %and3A_395 = vector.broadcast %and3A_394 : i32 to vector<16xi32>
    %and3A_396 = arith.andi %get3A_386, %and3A_395 : vector<16xi32>
    %swap3A_397 = arith.constant 16 : index
    %swap3A_398 = tpu.vector_load %arg13[%swap3A_397] {strides = array<i32>} : memref<128xi32, #tpu.memory_space<vmem>>, vector<16xi32>,
    %swap3A_399 = vector.shape_cast %swap3A_398 : vector<16xi32> to vector<16xi32>
    %swap3A_400 = vector.shape_cast %and3A_396 : vector<16xi32> to vector<16xi32>
    tpu.vector_store %arg13[%swap3A_397], %swap3A_400 {strides = array<i32>} : memref<128xi32, #tpu.memory_space<vmem>>, vector<16xi32>,
    %get3A_401 = arith.constant 1 : i32
    %get3A_402 = arith.index_cast %get3A_401 : i32 to index
    %get3A_403 = arith.constant 32 : index
    %get3A_404 = tpu.vector_load %arg9[%get3A_402, %get3A_403] {strides = array<i32>} : memref<80x128xi32, #tpu.memory_space<vmem>>, vector<1x16xi32>,
    %get3A_405 = vector.shape_cast %get3A_404 : vector<1x16xi32> to vector<16xi32>
    %shift_right_logical3A_406 = arith.constant 14 : i32
    %shift_right_logical3A_407 = vector.broadcast %shift_right_logical3A_406 : i32 to vector<16xi32>
    %shift_right_logical3A_408 = arith.shrui %get3A_405, %shift_right_logical3A_407 : vector<16xi32>
    %swap3A_409 = arith.constant 32 : index
    %swap3A_410 = tpu.vector_load %arg11[%swap3A_409] {strides = array<i32>} : memref<128xi32, #tpu.memory_space<vmem>>, vector<16xi32>,
    %swap3A_411 = vector.shape_cast %swap3A_410 : vector<16xi32> to vector<16xi32>
    %swap3A_412 = vector.shape_cast %shift_right_logical3A_408 : vector<16xi32> to vector<16xi32>
    tpu.vector_store %arg11[%swap3A_409], %swap3A_412 {strides = array<i32>} : memref<128xi32, #tpu.memory_space<vmem>>, vector<16xi32>,
    %and3A_413 = arith.constant 16383 : i32
    %and3A_414 = vector.broadcast %and3A_413 : i32 to vector<16xi32>
    %and3A_415 = arith.andi %get3A_405, %and3A_414 : vector<16xi32>
    %swap3A_416 = arith.constant 32 : index
    %swap3A_417 = tpu.vector_load %arg13[%swap3A_416] {strides = array<i32>} : memref<128xi32, #tpu.memory_space<vmem>>, vector<16xi32>,
    %swap3A_418 = vector.shape_cast %swap3A_417 : vector<16xi32> to vector<16xi32>
    %swap3A_419 = vector.shape_cast %and3A_415 : vector<16xi32> to vector<16xi32>
    tpu.vector_store %arg13[%swap3A_416], %swap3A_419 {strides = array<i32>} : memref<128xi32, #tpu.memory_space<vmem>>, vector<16xi32>,
    %get3A_420 = arith.constant 1 : i32
    %get3A_421 = arith.index_cast %get3A_420 : i32 to index
    %get3A_422 = arith.constant 48 : index
    %get3A_423 = tpu.vector_load %arg9[%get3A_421, %get3A_422] {strides = array<i32>} : memref<80x128xi32, #tpu.memory_space<vmem>>, vector<1x16xi32>,
    %get3A_424 = vector.shape_cast %get3A_423 : vector<1x16xi32> to vector<16xi32>
    %shift_right_logical3A_425 = arith.constant 14 : i32
    %shift_right_logical3A_426 = vector.broadcast %shift_right_logical3A_425 : i32 to vector<16xi32>
    %shift_right_logical3A_427 = arith.shrui %get3A_424, %shift_right_logical3A_426 : vector<16xi32>
    %swap3A_428 = arith.constant 48 : index
    %swap3A_429 = tpu.vector_load %arg11[%swap3A_428] {strides = array<i32>} : memref<128xi32, #tpu.memory_space<vmem>>, vector<16xi32>,
    %swap3A_430 = vector.shape_cast %swap3A_429 : vector<16xi32> to vector<16xi32>
    %swap3A_431 = vector.shape_cast %shift_right_logical3A_427 : vector<16xi32> to vector<16xi32>
    tpu.vector_store %arg11[%swap3A_428], %swap3A_431 {strides = array<i32>} : memref<128xi32, #tpu.memory_space<vmem>>, vector<16xi32>,
    %and3A_432 = arith.constant 16383 : i32
    %and3A_433 = vector.broadcast %and3A_432 : i32 to vector<16xi32>
    %and3A_434 = arith.andi %get3A_424, %and3A_433 : vector<16xi32>
    %swap3A_435 = arith.constant 48 : index
    %swap3A_436 = tpu.vector_load %arg13[%swap3A_435] {strides = array<i32>} : memref<128xi32, #tpu.memory_space<vmem>>, vector<16xi32>,
    %swap3A_437 = vector.shape_cast %swap3A_436 : vector<16xi32> to vector<16xi32>
    %swap3A_438 = vector.shape_cast %and3A_434 : vector<16xi32> to vector<16xi32>
    tpu.vector_store %arg13[%swap3A_435], %swap3A_438 {strides = array<i32>} : memref<128xi32, #tpu.memory_space<vmem>>, vector<16xi32>,
    %get3A_439 = arith.constant 1 : i32
    %get3A_440 = arith.index_cast %get3A_439 : i32 to index
    %get3A_441 = arith.constant 64 : index
    %get3A_442 = tpu.vector_load %arg9[%get3A_440, %get3A_441] {strides = array<i32>} : memref<80x128xi32, #tpu.memory_space<vmem>>, vector<1x16xi32>,
    %get3A_443 = vector.shape_cast %get3A_442 : vector<1x16xi32> to vector<16xi32>
    %shift_right_logical3A_444 = arith.constant 14 : i32
    %shift_right_logical3A_445 = vector.broadcast %shift_right_logical3A_444 : i32 to vector<16xi32>
    %shift_right_logical3A_446 = arith.shrui %get3A_443, %shift_right_logical3A_445 : vector<16xi32>
    %swap3A_447 = arith.constant 64 : index
    %swap3A_448 = tpu.vector_load %arg11[%swap3A_447] {strides = array<i32>} : memref<128xi32, #tpu.memory_space<vmem>>, vector<16xi32>,
    %swap3A_449 = vector.shape_cast %swap3A_448 : vector<16xi32> to vector<16xi32>
    %swap3A_450 = vector.shape_cast %shift_right_logical3A_446 : vector<16xi32> to vector<16xi32>
    tpu.vector_store %arg11[%swap3A_447], %swap3A_450 {strides = array<i32>} : memref<128xi32, #tpu.memory_space<vmem>>, vector<16xi32>,
    %and3A_451 = arith.constant 16383 : i32
    %and3A_452 = vector.broadcast %and3A_451 : i32 to vector<16xi32>
    %and3A_453 = arith.andi %get3A_443, %and3A_452 : vector<16xi32>
    %swap3A_454 = arith.constant 64 : index
    %swap3A_455 = tpu.vector_load %arg13[%swap3A_454] {strides = array<i32>} : memref<128xi32, #tpu.memory_space<vmem>>, vector<16xi32>,
    %swap3A_456 = vector.shape_cast %swap3A_455 : vector<16xi32> to vector<16xi32>
    %swap3A_457 = vector.shape_cast %and3A_453 : vector<16xi32> to vector<16xi32>
    tpu.vector_store %arg13[%swap3A_454], %swap3A_457 {strides = array<i32>} : memref<128xi32, #tpu.memory_space<vmem>>, vector<16xi32>,
    %get3A_458 = arith.constant 1 : i32
    %get3A_459 = arith.index_cast %get3A_458 : i32 to index
    %get3A_460 = arith.constant 80 : index
    %get3A_461 = tpu.vector_load %arg9[%get3A_459, %get3A_460] {strides = array<i32>} : memref<80x128xi32, #tpu.memory_space<vmem>>, vector<1x16xi32>,
    %get3A_462 = vector.shape_cast %get3A_461 : vector<1x16xi32> to vector<16xi32>
    %shift_right_logical3A_463 = arith.constant 14 : i32
    %shift_right_logical3A_464 = vector.broadcast %shift_right_logical3A_463 : i32 to vector<16xi32>
    %shift_right_logical3A_465 = arith.shrui %get3A_462, %shift_right_logical3A_464 : vector<16xi32>
    %swap3A_466 = arith.constant 80 : index
    %swap3A_467 = tpu.vector_load %arg11[%swap3A_466] {strides = array<i32>} : memref<128xi32, #tpu.memory_space<vmem>>, vector<16xi32>,
    %swap3A_468 = vector.shape_cast %swap3A_467 : vector<16xi32> to vector<16xi32>
    %swap3A_469 = vector.shape_cast %shift_right_logical3A_465 : vector<16xi32> to vector<16xi32>
    tpu.vector_store %arg11[%swap3A_466], %swap3A_469 {strides = array<i32>} : memref<128xi32, #tpu.memory_space<vmem>>, vector<16xi32>,
    %and3A_470 = arith.constant 16383 : i32
    %and3A_471 = vector.broadcast %and3A_470 : i32 to vector<16xi32>
    %and3A_472 = arith.andi %get3A_462, %and3A_471 : vector<16xi32>
    %swap3A_473 = arith.constant 80 : index
    %swap3A_474 = tpu.vector_load %arg13[%swap3A_473] {strides = array<i32>} : memref<128xi32, #tpu.memory_space<vmem>>, vector<16xi32>,
    %swap3A_475 = vector.shape_cast %swap3A_474 : vector<16xi32> to vector<16xi32>
    %swap3A_476 = vector.shape_cast %and3A_472 : vector<16xi32> to vector<16xi32>
    tpu.vector_store %arg13[%swap3A_473], %swap3A_476 {strides = array<i32>} : memref<128xi32, #tpu.memory_space<vmem>>, vector<16xi32>,
    %get3A_477 = arith.constant 1 : i32
    %get3A_478 = arith.index_cast %get3A_477 : i32 to index
    %get3A_479 = arith.constant 96 : index
    %get3A_480 = tpu.vector_load %arg9[%get3A_478, %get3A_479] {strides = array<i32>} : memref<80x128xi32, #tpu.memory_space<vmem>>, vector<1x16xi32>,
    %get3A_481 = vector.shape_cast %get3A_480 : vector<1x16xi32> to vector<16xi32>
    %shift_right_logical3A_482 = arith.constant 14 : i32
    %shift_right_logical3A_483 = vector.broadcast %shift_right_logical3A_482 : i32 to vector<16xi32>
    %shift_right_logical3A_484 = arith.shrui %get3A_481, %shift_right_logical3A_483 : vector<16xi32>
    %swap3A_485 = arith.constant 96 : index
    %swap3A_486 = tpu.vector_load %arg11[%swap3A_485] {strides = array<i32>} : memref<128xi32, #tpu.memory_space<vmem>>, vector<16xi32>,
    %swap3A_487 = vector.shape_cast %swap3A_486 : vector<16xi32> to vector<16xi32>
    %swap3A_488 = vector.shape_cast %shift_right_logical3A_484 : vector<16xi32> to vector<16xi32>
    tpu.vector_store %arg11[%swap3A_485], %swap3A_488 {strides = array<i32>} : memref<128xi32, #tpu.memory_space<vmem>>, vector<16xi32>,
    %and3A_489 = arith.constant 16383 : i32
    %and3A_490 = vector.broadcast %and3A_489 : i32 to vector<16xi32>
    %and3A_491 = arith.andi %get3A_481, %and3A_490 : vector<16xi32>
    %swap3A_492 = arith.constant 96 : index
    %swap3A_493 = tpu.vector_load %arg13[%swap3A_492] {strides = array<i32>} : memref<128xi32, #tpu.memory_space<vmem>>, vector<16xi32>,
    %swap3A_494 = vector.shape_cast %swap3A_493 : vector<16xi32> to vector<16xi32>
    %swap3A_495 = vector.shape_cast %and3A_491 : vector<16xi32> to vector<16xi32>
    tpu.vector_store %arg13[%swap3A_492], %swap3A_495 {strides = array<i32>} : memref<128xi32, #tpu.memory_space<vmem>>, vector<16xi32>,
    %get3A_496 = arith.constant 1 : i32
    %get3A_497 = arith.index_cast %get3A_496 : i32 to index
    %get3A_498 = arith.constant 112 : index
    %get3A_499 = tpu.vector_load %arg9[%get3A_497, %get3A_498] {strides = array<i32>} : memref<80x128xi32, #tpu.memory_space<vmem>>, vector<1x16xi32>,
    %get3A_500 = vector.shape_cast %get3A_499 : vector<1x16xi32> to vector<16xi32>
    %shift_right_logical3A_501 = arith.constant 14 : i32
    %shift_right_logical3A_502 = vector.broadcast %shift_right_logical3A_501 : i32 to vector<16xi32>
    %shift_right_logical3A_503 = arith.shrui %get3A_500, %shift_right_logical3A_502 : vector<16xi32>
    %swap3A_504 = arith.constant 112 : index
    %swap3A_505 = tpu.vector_load %arg11[%swap3A_504] {strides = array<i32>} : memref<128xi32, #tpu.memory_space<vmem>>, vector<16xi32>,
    %swap3A_506 = vector.shape_cast %swap3A_505 : vector<16xi32> to vector<16xi32>
    %swap3A_507 = vector.shape_cast %shift_right_logical3A_503 : vector<16xi32> to vector<16xi32>
    tpu.vector_store %arg11[%swap3A_504], %swap3A_507 {strides = array<i32>} : memref<128xi32, #tpu.memory_space<vmem>>, vector<16xi32>,
    %and3A_508 = arith.constant 16383 : i32
    %and3A_509 = vector.broadcast %and3A_508 : i32 to vector<16xi32>
    %and3A_510 = arith.andi %get3A_500, %and3A_509 : vector<16xi32>
    %swap3A_511 = arith.constant 112 : index
    %swap3A_512 = tpu.vector_load %arg13[%swap3A_511] {strides = array<i32>} : memref<128xi32, #tpu.memory_space<vmem>>, vector<16xi32>,
    %swap3A_513 = vector.shape_cast %swap3A_512 : vector<16xi32> to vector<16xi32>
    %swap3A_514 = vector.shape_cast %and3A_510 : vector<16xi32> to vector<16xi32>
    tpu.vector_store %arg13[%swap3A_511], %swap3A_514 {strides = array<i32>} : memref<128xi32, #tpu.memory_space<vmem>>, vector<16xi32>,
    %dma_start3A_515 = arith.constant 0 : i32
    %dma_start3A_516 = arith.constant 0 : i32
    %dma_start3A_517 = tpu.memref_slice %arg2[%dma_start3A_515, %dma_start3A_516] : memref<10000x128xf32, #tpu.memory_space<hbm>> -> memref<10000x128xf32, #tpu.memory_space<hbm>>
    tpu.enqueue_indirect_dma source(%dma_start3A_517 : memref<10000x128xf32, #tpu.memory_space<hbm>>) target(%arg15 : memref<128x128xf32, #tpu.memory_space<vmem>>) offsets(%arg11 : memref<128xi32, #tpu.memory_space<vmem>>) semaphore(%arg19 : memref<!tpu.dma_semaphore, #tpu.memory_space<semaphore_mem>>)
    %scan3A = arith.constant 0 : i32
    %scan3A_518 = arith.constant 0 : i32
    %scan3A_519 = arith.constant 39 : i32
    %scan3A_520 = arith.addi %scan3A_518, %scan3A_519 : i32
    %scan3A_521 = arith.constant 1 : i32
    %scan3A_522 = scf.for %scan3A_531 = %scan3A_518 to %scan3A_520 step %scan3A_521 iter_args(%scan3A_532 = %scan3A) -> (i32)  : i32 {
      %mul3A_533 = arith.constant 2 : i32
      %mul3A_534 = arith.muli %mul3A_533, %scan3A_531 : i32
      %dma_wait3A_535 = arith.constant 0 : i32
      %dma_wait3A_536 = arith.constant 0 : i32
      %dma_wait3A_537 = tpu.memref_slice %arg2[%dma_wait3A_535, %dma_wait3A_536] : memref<10000x128xf32, #tpu.memory_space<hbm>> -> memref<10000x128xf32, #tpu.memory_space<hbm>>
      tpu.wait_indirect_dma semaphore(%arg18 : memref<!tpu.dma_semaphore, #tpu.memory_space<semaphore_mem>>) src(%dma_wait3A_537 : memref<10000x128xf32, #tpu.memory_space<hbm>>) dst(%arg14 : memref<128x128xf32, #tpu.memory_space<vmem>>)
      "tpu.region"() ({
        %run_scoped3A = tpu.sem_alloc : memref<!tpu.dma_semaphore, #tpu.memory_space<semaphore_mem>>
        %dma_start3A_840 = arith.constant 0 : i32
        %dma_start3A_841 = arith.constant 0 : i32
        %dma_start3A_842 = tpu.memref_slice %arg7[%dma_start3A_840, %dma_start3A_841] : memref<10240x128xf32, #tpu.memory_space<vmem_shared>> -> memref<10240x128xf32, #tpu.memory_space<vmem_shared>>
        tpu.enqueue_indirect_dma source(%arg14 : memref<128x128xf32, #tpu.memory_space<vmem>>) target(%dma_start3A_842 : memref<10240x128xf32, #tpu.memory_space<vmem_shared>>) offsets(%arg12 : memref<128xi32, #tpu.memory_space<vmem>>) semaphore(%run_scoped3A : memref<!tpu.dma_semaphore, #tpu.memory_space<semaphore_mem>>) {add = true}
        %dma_wait3A_843 = arith.constant 0 : i32
        %dma_wait3A_844 = arith.constant 0 : i32
        %dma_wait3A_845 = tpu.memref_slice %arg7[%dma_wait3A_843, %dma_wait3A_844] : memref<10240x128xf32, #tpu.memory_space<vmem_shared>> -> memref<10240x128xf32, #tpu.memory_space<vmem_shared>>
        tpu.wait_indirect_dma semaphore(%run_scoped3A : memref<!tpu.dma_semaphore, #tpu.memory_space<semaphore_mem>>) src(%arg14 : memref<128x128xf32, #tpu.memory_space<vmem>>) dst(%dma_wait3A_845 : memref<10240x128xf32, #tpu.memory_space<vmem_shared>>)
        tpu.yield
      }) : () -> ()
      "tpu.region"() ({
        %run_scoped3A = tpu.sem_alloc : memref<!tpu.dma_semaphore, #tpu.memory_space<semaphore_mem>>
        %dma_start3A_840 = arith.constant 0 : i32
        %dma_start3A_841 = tpu.memref_slice %arg8[%dma_start3A_840] : memref<10240xf32, #tpu.memory_space<vmem_shared>> -> memref<10240xf32, #tpu.memory_space<vmem_shared>>
        tpu.enqueue_indirect_dma source(%arg16 : memref<128xf32, #tpu.memory_space<vmem>>) target(%dma_start3A_841 : memref<10240xf32, #tpu.memory_space<vmem_shared>>) offsets(%arg12 : memref<128xi32, #tpu.memory_space<vmem>>) semaphore(%run_scoped3A : memref<!tpu.dma_semaphore, #tpu.memory_space<semaphore_mem>>) {add = true}
        %dma_wait3A_842 = arith.constant 0 : i32
        %dma_wait3A_843 = tpu.memref_slice %arg8[%dma_wait3A_842] : memref<10240xf32, #tpu.memory_space<vmem_shared>> -> memref<10240xf32, #tpu.memory_space<vmem_shared>>
        tpu.wait_indirect_dma semaphore(%run_scoped3A : memref<!tpu.dma_semaphore, #tpu.memory_space<semaphore_mem>>) src(%arg16 : memref<128xf32, #tpu.memory_space<vmem>>) dst(%dma_wait3A_843 : memref<10240xf32, #tpu.memory_space<vmem_shared>>)
        tpu.yield
      }) : () -> ()
      %add3A_538 = arith.constant 2 : i32
      %add3A_539 = arith.addi %mul3A_534, %add3A_538 : i32
      %get3A_540 = arith.index_cast %add3A_539 : i32 to index
      %get3A_541 = arith.constant 0 : index
      %get3A_542 = tpu.vector_load %arg9[%get3A_540, %get3A_541] {strides = array<i32>} : memref<80x128xi32, #tpu.memory_space<vmem>>, vector<1x16xi32>,
      %get3A_543 = vector.shape_cast %get3A_542 : vector<1x16xi32> to vector<16xi32>
      %shift_right_logical3A_544 = arith.constant 14 : i32
      %shift_right_logical3A_545 = vector.broadcast %shift_right_logical3A_544 : i32 to vector<16xi32>
      %shift_right_logical3A_546 = arith.shrui %get3A_543, %shift_right_logical3A_545 : vector<16xi32>
      %swap3A_547 = arith.constant 0 : index
      %swap3A_548 = tpu.vector_load %arg10[%swap3A_547] {strides = array<i32>} : memref<128xi32, #tpu.memory_space<vmem>>, vector<16xi32>,
      %swap3A_549 = vector.shape_cast %swap3A_548 : vector<16xi32> to vector<16xi32>
      %swap3A_550 = vector.shape_cast %shift_right_logical3A_546 : vector<16xi32> to vector<16xi32>
      tpu.vector_store %arg10[%swap3A_547], %swap3A_550 {strides = array<i32>} : memref<128xi32, #tpu.memory_space<vmem>>, vector<16xi32>,
      %and3A_551 = arith.constant 16383 : i32
      %and3A_552 = vector.broadcast %and3A_551 : i32 to vector<16xi32>
      %and3A_553 = arith.andi %get3A_543, %and3A_552 : vector<16xi32>
      %swap3A_554 = arith.constant 0 : index
      %swap3A_555 = tpu.vector_load %arg12[%swap3A_554] {strides = array<i32>} : memref<128xi32, #tpu.memory_space<vmem>>, vector<16xi32>,
      %swap3A_556 = vector.shape_cast %swap3A_555 : vector<16xi32> to vector<16xi32>
      %swap3A_557 = vector.shape_cast %and3A_553 : vector<16xi32> to vector<16xi32>
      tpu.vector_store %arg12[%swap3A_554], %swap3A_557 {strides = array<i32>} : memref<128xi32, #tpu.memory_space<vmem>>, vector<16xi32>,
      %get3A_558 = arith.index_cast %add3A_539 : i32 to index
      %get3A_559 = arith.constant 16 : index
      %get3A_560 = tpu.vector_load %arg9[%get3A_558, %get3A_559] {strides = array<i32>} : memref<80x128xi32, #tpu.memory_space<vmem>>, vector<1x16xi32>,
      %get3A_561 = vector.shape_cast %get3A_560 : vector<1x16xi32> to vector<16xi32>
      %shift_right_logical3A_562 = arith.constant 14 : i32
      %shift_right_logical3A_563 = vector.broadcast %shift_right_logical3A_562 : i32 to vector<16xi32>
      %shift_right_logical3A_564 = arith.shrui %get3A_561, %shift_right_logical3A_563 : vector<16xi32>
      %swap3A_565 = arith.constant 16 : index
      %swap3A_566 = tpu.vector_load %arg10[%swap3A_565] {strides = array<i32>} : memref<128xi32, #tpu.memory_space<vmem>>, vector<16xi32>,
      %swap3A_567 = vector.shape_cast %swap3A_566 : vector<16xi32> to vector<16xi32>
      %swap3A_568 = vector.shape_cast %shift_right_logical3A_564 : vector<16xi32> to vector<16xi32>
      tpu.vector_store %arg10[%swap3A_565], %swap3A_568 {strides = array<i32>} : memref<128xi32, #tpu.memory_space<vmem>>, vector<16xi32>,
      %and3A_569 = arith.constant 16383 : i32
      %and3A_570 = vector.broadcast %and3A_569 : i32 to vector<16xi32>
      %and3A_571 = arith.andi %get3A_561, %and3A_570 : vector<16xi32>
      %swap3A_572 = arith.constant 16 : index
      %swap3A_573 = tpu.vector_load %arg12[%swap3A_572] {strides = array<i32>} : memref<128xi32, #tpu.memory_space<vmem>>, vector<16xi32>,
      %swap3A_574 = vector.shape_cast %swap3A_573 : vector<16xi32> to vector<16xi32>
      %swap3A_575 = vector.shape_cast %and3A_571 : vector<16xi32> to vector<16xi32>
      tpu.vector_store %arg12[%swap3A_572], %swap3A_575 {strides = array<i32>} : memref<128xi32, #tpu.memory_space<vmem>>, vector<16xi32>,
      %get3A_576 = arith.index_cast %add3A_539 : i32 to index
      %get3A_577 = arith.constant 32 : index
      %get3A_578 = tpu.vector_load %arg9[%get3A_576, %get3A_577] {strides = array<i32>} : memref<80x128xi32, #tpu.memory_space<vmem>>, vector<1x16xi32>,
      %get3A_579 = vector.shape_cast %get3A_578 : vector<1x16xi32> to vector<16xi32>
      %shift_right_logical3A_580 = arith.constant 14 : i32
      %shift_right_logical3A_581 = vector.broadcast %shift_right_logical3A_580 : i32 to vector<16xi32>
      %shift_right_logical3A_582 = arith.shrui %get3A_579, %shift_right_logical3A_581 : vector<16xi32>
      %swap3A_583 = arith.constant 32 : index
      %swap3A_584 = tpu.vector_load %arg10[%swap3A_583] {strides = array<i32>} : memref<128xi32, #tpu.memory_space<vmem>>, vector<16xi32>,
      %swap3A_585 = vector.shape_cast %swap3A_584 : vector<16xi32> to vector<16xi32>
      %swap3A_586 = vector.shape_cast %shift_right_logical3A_582 : vector<16xi32> to vector<16xi32>
      tpu.vector_store %arg10[%swap3A_583], %swap3A_586 {strides = array<i32>} : memref<128xi32, #tpu.memory_space<vmem>>, vector<16xi32>,
      %and3A_587 = arith.constant 16383 : i32
      %and3A_588 = vector.broadcast %and3A_587 : i32 to vector<16xi32>
      %and3A_589 = arith.andi %get3A_579, %and3A_588 : vector<16xi32>
      %swap3A_590 = arith.constant 32 : index
      %swap3A_591 = tpu.vector_load %arg12[%swap3A_590] {strides = array<i32>} : memref<128xi32, #tpu.memory_space<vmem>>, vector<16xi32>,
      %swap3A_592 = vector.shape_cast %swap3A_591 : vector<16xi32> to vector<16xi32>
      %swap3A_593 = vector.shape_cast %and3A_589 : vector<16xi32> to vector<16xi32>
      tpu.vector_store %arg12[%swap3A_590], %swap3A_593 {strides = array<i32>} : memref<128xi32, #tpu.memory_space<vmem>>, vector<16xi32>,
      %get3A_594 = arith.index_cast %add3A_539 : i32 to index
      %get3A_595 = arith.constant 48 : index
      %get3A_596 = tpu.vector_load %arg9[%get3A_594, %get3A_595] {strides = array<i32>} : memref<80x128xi32, #tpu.memory_space<vmem>>, vector<1x16xi32>,
      %get3A_597 = vector.shape_cast %get3A_596 : vector<1x16xi32> to vector<16xi32>
      %shift_right_logical3A_598 = arith.constant 14 : i32
      %shift_right_logical3A_599 = vector.broadcast %shift_right_logical3A_598 : i32 to vector<16xi32>
      %shift_right_logical3A_600 = arith.shrui %get3A_597, %shift_right_logical3A_599 : vector<16xi32>
      %swap3A_601 = arith.constant 48 : index
      %swap3A_602 = tpu.vector_load %arg10[%swap3A_601] {strides = array<i32>} : memref<128xi32, #tpu.memory_space<vmem>>, vector<16xi32>,
      %swap3A_603 = vector.shape_cast %swap3A_602 : vector<16xi32> to vector<16xi32>
      %swap3A_604 = vector.shape_cast %shift_right_logical3A_600 : vector<16xi32> to vector<16xi32>
      tpu.vector_store %arg10[%swap3A_601], %swap3A_604 {strides = array<i32>} : memref<128xi32, #tpu.memory_space<vmem>>, vector<16xi32>,
      %and3A_605 = arith.constant 16383 : i32
      %and3A_606 = vector.broadcast %and3A_605 : i32 to vector<16xi32>
      %and3A_607 = arith.andi %get3A_597, %and3A_606 : vector<16xi32>
      %swap3A_608 = arith.constant 48 : index
      %swap3A_609 = tpu.vector_load %arg12[%swap3A_608] {strides = array<i32>} : memref<128xi32, #tpu.memory_space<vmem>>, vector<16xi32>,
      %swap3A_610 = vector.shape_cast %swap3A_609 : vector<16xi32> to vector<16xi32>
      %swap3A_611 = vector.shape_cast %and3A_607 : vector<16xi32> to vector<16xi32>
      tpu.vector_store %arg12[%swap3A_608], %swap3A_611 {strides = array<i32>} : memref<128xi32, #tpu.memory_space<vmem>>, vector<16xi32>,
      %get3A_612 = arith.index_cast %add3A_539 : i32 to index
      %get3A_613 = arith.constant 64 : index
      %get3A_614 = tpu.vector_load %arg9[%get3A_612, %get3A_613] {strides = array<i32>} : memref<80x128xi32, #tpu.memory_space<vmem>>, vector<1x16xi32>,
      %get3A_615 = vector.shape_cast %get3A_614 : vector<1x16xi32> to vector<16xi32>
      %shift_right_logical3A_616 = arith.constant 14 : i32
      %shift_right_logical3A_617 = vector.broadcast %shift_right_logical3A_616 : i32 to vector<16xi32>
      %shift_right_logical3A_618 = arith.shrui %get3A_615, %shift_right_logical3A_617 : vector<16xi32>
      %swap3A_619 = arith.constant 64 : index
      %swap3A_620 = tpu.vector_load %arg10[%swap3A_619] {strides = array<i32>} : memref<128xi32, #tpu.memory_space<vmem>>, vector<16xi32>,
      %swap3A_621 = vector.shape_cast %swap3A_620 : vector<16xi32> to vector<16xi32>
      %swap3A_622 = vector.shape_cast %shift_right_logical3A_618 : vector<16xi32> to vector<16xi32>
      tpu.vector_store %arg10[%swap3A_619], %swap3A_622 {strides = array<i32>} : memref<128xi32, #tpu.memory_space<vmem>>, vector<16xi32>,
      %and3A_623 = arith.constant 16383 : i32
      %and3A_624 = vector.broadcast %and3A_623 : i32 to vector<16xi32>
      %and3A_625 = arith.andi %get3A_615, %and3A_624 : vector<16xi32>
      %swap3A_626 = arith.constant 64 : index
      %swap3A_627 = tpu.vector_load %arg12[%swap3A_626] {strides = array<i32>} : memref<128xi32, #tpu.memory_space<vmem>>, vector<16xi32>,
      %swap3A_628 = vector.shape_cast %swap3A_627 : vector<16xi32> to vector<16xi32>
      %swap3A_629 = vector.shape_cast %and3A_625 : vector<16xi32> to vector<16xi32>
      tpu.vector_store %arg12[%swap3A_626], %swap3A_629 {strides = array<i32>} : memref<128xi32, #tpu.memory_space<vmem>>, vector<16xi32>,
      %get3A_630 = arith.index_cast %add3A_539 : i32 to index
      %get3A_631 = arith.constant 80 : index
      %get3A_632 = tpu.vector_load %arg9[%get3A_630, %get3A_631] {strides = array<i32>} : memref<80x128xi32, #tpu.memory_space<vmem>>, vector<1x16xi32>,
      %get3A_633 = vector.shape_cast %get3A_632 : vector<1x16xi32> to vector<16xi32>
      %shift_right_logical3A_634 = arith.constant 14 : i32
      %shift_right_logical3A_635 = vector.broadcast %shift_right_logical3A_634 : i32 to vector<16xi32>
      %shift_right_logical3A_636 = arith.shrui %get3A_633, %shift_right_logical3A_635 : vector<16xi32>
      %swap3A_637 = arith.constant 80 : index
      %swap3A_638 = tpu.vector_load %arg10[%swap3A_637] {strides = array<i32>} : memref<128xi32, #tpu.memory_space<vmem>>, vector<16xi32>,
      %swap3A_639 = vector.shape_cast %swap3A_638 : vector<16xi32> to vector<16xi32>
      %swap3A_640 = vector.shape_cast %shift_right_logical3A_636 : vector<16xi32> to vector<16xi32>
      tpu.vector_store %arg10[%swap3A_637], %swap3A_640 {strides = array<i32>} : memref<128xi32, #tpu.memory_space<vmem>>, vector<16xi32>,
      %and3A_641 = arith.constant 16383 : i32
      %and3A_642 = vector.broadcast %and3A_641 : i32 to vector<16xi32>
      %and3A_643 = arith.andi %get3A_633, %and3A_642 : vector<16xi32>
      %swap3A_644 = arith.constant 80 : index
      %swap3A_645 = tpu.vector_load %arg12[%swap3A_644] {strides = array<i32>} : memref<128xi32, #tpu.memory_space<vmem>>, vector<16xi32>,
      %swap3A_646 = vector.shape_cast %swap3A_645 : vector<16xi32> to vector<16xi32>
      %swap3A_647 = vector.shape_cast %and3A_643 : vector<16xi32> to vector<16xi32>
      tpu.vector_store %arg12[%swap3A_644], %swap3A_647 {strides = array<i32>} : memref<128xi32, #tpu.memory_space<vmem>>, vector<16xi32>,
      %get3A_648 = arith.index_cast %add3A_539 : i32 to index
      %get3A_649 = arith.constant 96 : index
      %get3A_650 = tpu.vector_load %arg9[%get3A_648, %get3A_649] {strides = array<i32>} : memref<80x128xi32, #tpu.memory_space<vmem>>, vector<1x16xi32>,
      %get3A_651 = vector.shape_cast %get3A_650 : vector<1x16xi32> to vector<16xi32>
      %shift_right_logical3A_652 = arith.constant 14 : i32
      %shift_right_logical3A_653 = vector.broadcast %shift_right_logical3A_652 : i32 to vector<16xi32>
      %shift_right_logical3A_654 = arith.shrui %get3A_651, %shift_right_logical3A_653 : vector<16xi32>
      %swap3A_655 = arith.constant 96 : index
      %swap3A_656 = tpu.vector_load %arg10[%swap3A_655] {strides = array<i32>} : memref<128xi32, #tpu.memory_space<vmem>>, vector<16xi32>,
      %swap3A_657 = vector.shape_cast %swap3A_656 : vector<16xi32> to vector<16xi32>
      %swap3A_658 = vector.shape_cast %shift_right_logical3A_654 : vector<16xi32> to vector<16xi32>
      tpu.vector_store %arg10[%swap3A_655], %swap3A_658 {strides = array<i32>} : memref<128xi32, #tpu.memory_space<vmem>>, vector<16xi32>,
      %and3A_659 = arith.constant 16383 : i32
      %and3A_660 = vector.broadcast %and3A_659 : i32 to vector<16xi32>
      %and3A_661 = arith.andi %get3A_651, %and3A_660 : vector<16xi32>
      %swap3A_662 = arith.constant 96 : index
      %swap3A_663 = tpu.vector_load %arg12[%swap3A_662] {strides = array<i32>} : memref<128xi32, #tpu.memory_space<vmem>>, vector<16xi32>,
      %swap3A_664 = vector.shape_cast %swap3A_663 : vector<16xi32> to vector<16xi32>
      %swap3A_665 = vector.shape_cast %and3A_661 : vector<16xi32> to vector<16xi32>
      tpu.vector_store %arg12[%swap3A_662], %swap3A_665 {strides = array<i32>} : memref<128xi32, #tpu.memory_space<vmem>>, vector<16xi32>,
      %get3A_666 = arith.index_cast %add3A_539 : i32 to index
      %get3A_667 = arith.constant 112 : index
      %get3A_668 = tpu.vector_load %arg9[%get3A_666, %get3A_667] {strides = array<i32>} : memref<80x128xi32, #tpu.memory_space<vmem>>, vector<1x16xi32>,
      %get3A_669 = vector.shape_cast %get3A_668 : vector<1x16xi32> to vector<16xi32>
      %shift_right_logical3A_670 = arith.constant 14 : i32
      %shift_right_logical3A_671 = vector.broadcast %shift_right_logical3A_670 : i32 to vector<16xi32>
      %shift_right_logical3A_672 = arith.shrui %get3A_669, %shift_right_logical3A_671 : vector<16xi32>
      %swap3A_673 = arith.constant 112 : index
      %swap3A_674 = tpu.vector_load %arg10[%swap3A_673] {strides = array<i32>} : memref<128xi32, #tpu.memory_space<vmem>>, vector<16xi32>,
      %swap3A_675 = vector.shape_cast %swap3A_674 : vector<16xi32> to vector<16xi32>
      %swap3A_676 = vector.shape_cast %shift_right_logical3A_672 : vector<16xi32> to vector<16xi32>
      tpu.vector_store %arg10[%swap3A_673], %swap3A_676 {strides = array<i32>} : memref<128xi32, #tpu.memory_space<vmem>>, vector<16xi32>,
      %and3A_677 = arith.constant 16383 : i32
      %and3A_678 = vector.broadcast %and3A_677 : i32 to vector<16xi32>
      %and3A_679 = arith.andi %get3A_669, %and3A_678 : vector<16xi32>
      %swap3A_680 = arith.constant 112 : index
      %swap3A_681 = tpu.vector_load %arg12[%swap3A_680] {strides = array<i32>} : memref<128xi32, #tpu.memory_space<vmem>>, vector<16xi32>,
      %swap3A_682 = vector.shape_cast %swap3A_681 : vector<16xi32> to vector<16xi32>
      %swap3A_683 = vector.shape_cast %and3A_679 : vector<16xi32> to vector<16xi32>
      tpu.vector_store %arg12[%swap3A_680], %swap3A_683 {strides = array<i32>} : memref<128xi32, #tpu.memory_space<vmem>>, vector<16xi32>,
      %dma_start3A_684 = arith.constant 0 : i32
      %dma_start3A_685 = arith.constant 0 : i32
      %dma_start3A_686 = tpu.memref_slice %arg2[%dma_start3A_684, %dma_start3A_685] : memref<10000x128xf32, #tpu.memory_space<hbm>> -> memref<10000x128xf32, #tpu.memory_space<hbm>>
      tpu.enqueue_indirect_dma source(%dma_start3A_686 : memref<10000x128xf32, #tpu.memory_space<hbm>>) target(%arg14 : memref<128x128xf32, #tpu.memory_space<vmem>>) offsets(%arg10 : memref<128xi32, #tpu.memory_space<vmem>>) semaphore(%arg18 : memref<!tpu.dma_semaphore, #tpu.memory_space<semaphore_mem>>)
      %dma_wait3A_687 = arith.constant 0 : i32
      %dma_wait3A_688 = arith.constant 0 : i32
      %dma_wait3A_689 = tpu.memref_slice %arg2[%dma_wait3A_687, %dma_wait3A_688] : memref<10000x128xf32, #tpu.memory_space<hbm>> -> memref<10000x128xf32, #tpu.memory_space<hbm>>
      tpu.wait_indirect_dma semaphore(%arg19 : memref<!tpu.dma_semaphore, #tpu.memory_space<semaphore_mem>>) src(%dma_wait3A_689 : memref<10000x128xf32, #tpu.memory_space<hbm>>) dst(%arg15 : memref<128x128xf32, #tpu.memory_space<vmem>>)
      "tpu.region"() ({
        %run_scoped3A = tpu.sem_alloc : memref<!tpu.dma_semaphore, #tpu.memory_space<semaphore_mem>>
        %dma_start3A_840 = arith.constant 0 : i32
        %dma_start3A_841 = arith.constant 0 : i32
        %dma_start3A_842 = tpu.memref_slice %arg7[%dma_start3A_840, %dma_start3A_841] : memref<10240x128xf32, #tpu.memory_space<vmem_shared>> -> memref<10240x128xf32, #tpu.memory_space<vmem_shared>>
        tpu.enqueue_indirect_dma source(%arg15 : memref<128x128xf32, #tpu.memory_space<vmem>>) target(%dma_start3A_842 : memref<10240x128xf32, #tpu.memory_space<vmem_shared>>) offsets(%arg13 : memref<128xi32, #tpu.memory_space<vmem>>) semaphore(%run_scoped3A : memref<!tpu.dma_semaphore, #tpu.memory_space<semaphore_mem>>) {add = true}
        %dma_wait3A_843 = arith.constant 0 : i32
        %dma_wait3A_844 = arith.constant 0 : i32
        %dma_wait3A_845 = tpu.memref_slice %arg7[%dma_wait3A_843, %dma_wait3A_844] : memref<10240x128xf32, #tpu.memory_space<vmem_shared>> -> memref<10240x128xf32, #tpu.memory_space<vmem_shared>>
        tpu.wait_indirect_dma semaphore(%run_scoped3A : memref<!tpu.dma_semaphore, #tpu.memory_space<semaphore_mem>>) src(%arg15 : memref<128x128xf32, #tpu.memory_space<vmem>>) dst(%dma_wait3A_845 : memref<10240x128xf32, #tpu.memory_space<vmem_shared>>)
        tpu.yield
      }) : () -> ()
      "tpu.region"() ({
        %run_scoped3A = tpu.sem_alloc : memref<!tpu.dma_semaphore, #tpu.memory_space<semaphore_mem>>
        %dma_start3A_840 = arith.constant 0 : i32
        %dma_start3A_841 = tpu.memref_slice %arg8[%dma_start3A_840] : memref<10240xf32, #tpu.memory_space<vmem_shared>> -> memref<10240xf32, #tpu.memory_space<vmem_shared>>
        tpu.enqueue_indirect_dma source(%arg16 : memref<128xf32, #tpu.memory_space<vmem>>) target(%dma_start3A_841 : memref<10240xf32, #tpu.memory_space<vmem_shared>>) offsets(%arg13 : memref<128xi32, #tpu.memory_space<vmem>>) semaphore(%run_scoped3A : memref<!tpu.dma_semaphore, #tpu.memory_space<semaphore_mem>>) {add = true}
        %dma_wait3A_842 = arith.constant 0 : i32
        %dma_wait3A_843 = tpu.memref_slice %arg8[%dma_wait3A_842] : memref<10240xf32, #tpu.memory_space<vmem_shared>> -> memref<10240xf32, #tpu.memory_space<vmem_shared>>
        tpu.wait_indirect_dma semaphore(%run_scoped3A : memref<!tpu.dma_semaphore, #tpu.memory_space<semaphore_mem>>) src(%arg16 : memref<128xf32, #tpu.memory_space<vmem>>) dst(%dma_wait3A_843 : memref<10240xf32, #tpu.memory_space<vmem_shared>>)
        tpu.yield
      }) : () -> ()
      %add3A_690 = arith.constant 3 : i32
      %add3A_691 = arith.addi %mul3A_534, %add3A_690 : i32
      %get3A_692 = arith.index_cast %add3A_691 : i32 to index
      %get3A_693 = arith.constant 0 : index
      %get3A_694 = tpu.vector_load %arg9[%get3A_692, %get3A_693] {strides = array<i32>} : memref<80x128xi32, #tpu.memory_space<vmem>>, vector<1x16xi32>,
      %get3A_695 = vector.shape_cast %get3A_694 : vector<1x16xi32> to vector<16xi32>
      %shift_right_logical3A_696 = arith.constant 14 : i32
      %shift_right_logical3A_697 = vector.broadcast %shift_right_logical3A_696 : i32 to vector<16xi32>
      %shift_right_logical3A_698 = arith.shrui %get3A_695, %shift_right_logical3A_697 : vector<16xi32>
      %swap3A_699 = arith.constant 0 : index
      %swap3A_700 = tpu.vector_load %arg11[%swap3A_699] {strides = array<i32>} : memref<128xi32, #tpu.memory_space<vmem>>, vector<16xi32>,
      %swap3A_701 = vector.shape_cast %swap3A_700 : vector<16xi32> to vector<16xi32>
      %swap3A_702 = vector.shape_cast %shift_right_logical3A_698 : vector<16xi32> to vector<16xi32>
      tpu.vector_store %arg11[%swap3A_699], %swap3A_702 {strides = array<i32>} : memref<128xi32, #tpu.memory_space<vmem>>, vector<16xi32>,
      %and3A_703 = arith.constant 16383 : i32
      %and3A_704 = vector.broadcast %and3A_703 : i32 to vector<16xi32>
      %and3A_705 = arith.andi %get3A_695, %and3A_704 : vector<16xi32>
      %swap3A_706 = arith.constant 0 : index
      %swap3A_707 = tpu.vector_load %arg13[%swap3A_706] {strides = array<i32>} : memref<128xi32, #tpu.memory_space<vmem>>, vector<16xi32>,
      %swap3A_708 = vector.shape_cast %swap3A_707 : vector<16xi32> to vector<16xi32>
      %swap3A_709 = vector.shape_cast %and3A_705 : vector<16xi32> to vector<16xi32>
      tpu.vector_store %arg13[%swap3A_706], %swap3A_709 {strides = array<i32>} : memref<128xi32, #tpu.memory_space<vmem>>, vector<16xi32>,
      %get3A_710 = arith.index_cast %add3A_691 : i32 to index
      %get3A_711 = arith.constant 16 : index
      %get3A_712 = tpu.vector_load %arg9[%get3A_710, %get3A_711] {strides = array<i32>} : memref<80x128xi32, #tpu.memory_space<vmem>>, vector<1x16xi32>,
      %get3A_713 = vector.shape_cast %get3A_712 : vector<1x16xi32> to vector<16xi32>
      %shift_right_logical3A_714 = arith.constant 14 : i32
      %shift_right_logical3A_715 = vector.broadcast %shift_right_logical3A_714 : i32 to vector<16xi32>
      %shift_right_logical3A_716 = arith.shrui %get3A_713, %shift_right_logical3A_715 : vector<16xi32>
      %swap3A_717 = arith.constant 16 : index
      %swap3A_718 = tpu.vector_load %arg11[%swap3A_717] {strides = array<i32>} : memref<128xi32, #tpu.memory_space<vmem>>, vector<16xi32>,
      %swap3A_719 = vector.shape_cast %swap3A_718 : vector<16xi32> to vector<16xi32>
      %swap3A_720 = vector.shape_cast %shift_right_logical3A_716 : vector<16xi32> to vector<16xi32>
      tpu.vector_store %arg11[%swap3A_717], %swap3A_720 {strides = array<i32>} : memref<128xi32, #tpu.memory_space<vmem>>, vector<16xi32>,
      %and3A_721 = arith.constant 16383 : i32
      %and3A_722 = vector.broadcast %and3A_721 : i32 to vector<16xi32>
      %and3A_723 = arith.andi %get3A_713, %and3A_722 : vector<16xi32>
      %swap3A_724 = arith.constant 16 : index
      %swap3A_725 = tpu.vector_load %arg13[%swap3A_724] {strides = array<i32>} : memref<128xi32, #tpu.memory_space<vmem>>, vector<16xi32>,
      %swap3A_726 = vector.shape_cast %swap3A_725 : vector<16xi32> to vector<16xi32>
      %swap3A_727 = vector.shape_cast %and3A_723 : vector<16xi32> to vector<16xi32>
      tpu.vector_store %arg13[%swap3A_724], %swap3A_727 {strides = array<i32>} : memref<128xi32, #tpu.memory_space<vmem>>, vector<16xi32>,
      %get3A_728 = arith.index_cast %add3A_691 : i32 to index
      %get3A_729 = arith.constant 32 : index
      %get3A_730 = tpu.vector_load %arg9[%get3A_728, %get3A_729] {strides = array<i32>} : memref<80x128xi32, #tpu.memory_space<vmem>>, vector<1x16xi32>,
      %get3A_731 = vector.shape_cast %get3A_730 : vector<1x16xi32> to vector<16xi32>
      %shift_right_logical3A_732 = arith.constant 14 : i32
      %shift_right_logical3A_733 = vector.broadcast %shift_right_logical3A_732 : i32 to vector<16xi32>
      %shift_right_logical3A_734 = arith.shrui %get3A_731, %shift_right_logical3A_733 : vector<16xi32>
      %swap3A_735 = arith.constant 32 : index
      %swap3A_736 = tpu.vector_load %arg11[%swap3A_735] {strides = array<i32>} : memref<128xi32, #tpu.memory_space<vmem>>, vector<16xi32>,
      %swap3A_737 = vector.shape_cast %swap3A_736 : vector<16xi32> to vector<16xi32>
      %swap3A_738 = vector.shape_cast %shift_right_logical3A_734 : vector<16xi32> to vector<16xi32>
      tpu.vector_store %arg11[%swap3A_735], %swap3A_738 {strides = array<i32>} : memref<128xi32, #tpu.memory_space<vmem>>, vector<16xi32>,
      %and3A_739 = arith.constant 16383 : i32
      %and3A_740 = vector.broadcast %and3A_739 : i32 to vector<16xi32>
      %and3A_741 = arith.andi %get3A_731, %and3A_740 : vector<16xi32>
      %swap3A_742 = arith.constant 32 : index
      %swap3A_743 = tpu.vector_load %arg13[%swap3A_742] {strides = array<i32>} : memref<128xi32, #tpu.memory_space<vmem>>, vector<16xi32>,
      %swap3A_744 = vector.shape_cast %swap3A_743 : vector<16xi32> to vector<16xi32>
      %swap3A_745 = vector.shape_cast %and3A_741 : vector<16xi32> to vector<16xi32>
      tpu.vector_store %arg13[%swap3A_742], %swap3A_745 {strides = array<i32>} : memref<128xi32, #tpu.memory_space<vmem>>, vector<16xi32>,
      %get3A_746 = arith.index_cast %add3A_691 : i32 to index
      %get3A_747 = arith.constant 48 : index
      %get3A_748 = tpu.vector_load %arg9[%get3A_746, %get3A_747] {strides = array<i32>} : memref<80x128xi32, #tpu.memory_space<vmem>>, vector<1x16xi32>,
      %get3A_749 = vector.shape_cast %get3A_748 : vector<1x16xi32> to vector<16xi32>
      %shift_right_logical3A_750 = arith.constant 14 : i32
      %shift_right_logical3A_751 = vector.broadcast %shift_right_logical3A_750 : i32 to vector<16xi32>
      %shift_right_logical3A_752 = arith.shrui %get3A_749, %shift_right_logical3A_751 : vector<16xi32>
      %swap3A_753 = arith.constant 48 : index
      %swap3A_754 = tpu.vector_load %arg11[%swap3A_753] {strides = array<i32>} : memref<128xi32, #tpu.memory_space<vmem>>, vector<16xi32>,
      %swap3A_755 = vector.shape_cast %swap3A_754 : vector<16xi32> to vector<16xi32>
      %swap3A_756 = vector.shape_cast %shift_right_logical3A_752 : vector<16xi32> to vector<16xi32>
      tpu.vector_store %arg11[%swap3A_753], %swap3A_756 {strides = array<i32>} : memref<128xi32, #tpu.memory_space<vmem>>, vector<16xi32>,
      %and3A_757 = arith.constant 16383 : i32
      %and3A_758 = vector.broadcast %and3A_757 : i32 to vector<16xi32>
      %and3A_759 = arith.andi %get3A_749, %and3A_758 : vector<16xi32>
      %swap3A_760 = arith.constant 48 : index
      %swap3A_761 = tpu.vector_load %arg13[%swap3A_760] {strides = array<i32>} : memref<128xi32, #tpu.memory_space<vmem>>, vector<16xi32>,
      %swap3A_762 = vector.shape_cast %swap3A_761 : vector<16xi32> to vector<16xi32>
      %swap3A_763 = vector.shape_cast %and3A_759 : vector<16xi32> to vector<16xi32>
      tpu.vector_store %arg13[%swap3A_760], %swap3A_763 {strides = array<i32>} : memref<128xi32, #tpu.memory_space<vmem>>, vector<16xi32>,
      %get3A_764 = arith.index_cast %add3A_691 : i32 to index
      %get3A_765 = arith.constant 64 : index
      %get3A_766 = tpu.vector_load %arg9[%get3A_764, %get3A_765] {strides = array<i32>} : memref<80x128xi32, #tpu.memory_space<vmem>>, vector<1x16xi32>,
      %get3A_767 = vector.shape_cast %get3A_766 : vector<1x16xi32> to vector<16xi32>
      %shift_right_logical3A_768 = arith.constant 14 : i32
      %shift_right_logical3A_769 = vector.broadcast %shift_right_logical3A_768 : i32 to vector<16xi32>
      %shift_right_logical3A_770 = arith.shrui %get3A_767, %shift_right_logical3A_769 : vector<16xi32>
      %swap3A_771 = arith.constant 64 : index
      %swap3A_772 = tpu.vector_load %arg11[%swap3A_771] {strides = array<i32>} : memref<128xi32, #tpu.memory_space<vmem>>, vector<16xi32>,
      %swap3A_773 = vector.shape_cast %swap3A_772 : vector<16xi32> to vector<16xi32>
      %swap3A_774 = vector.shape_cast %shift_right_logical3A_770 : vector<16xi32> to vector<16xi32>
      tpu.vector_store %arg11[%swap3A_771], %swap3A_774 {strides = array<i32>} : memref<128xi32, #tpu.memory_space<vmem>>, vector<16xi32>,
      %and3A_775 = arith.constant 16383 : i32
      %and3A_776 = vector.broadcast %and3A_775 : i32 to vector<16xi32>
      %and3A_777 = arith.andi %get3A_767, %and3A_776 : vector<16xi32>
      %swap3A_778 = arith.constant 64 : index
      %swap3A_779 = tpu.vector_load %arg13[%swap3A_778] {strides = array<i32>} : memref<128xi32, #tpu.memory_space<vmem>>, vector<16xi32>,
      %swap3A_780 = vector.shape_cast %swap3A_779 : vector<16xi32> to vector<16xi32>
      %swap3A_781 = vector.shape_cast %and3A_777 : vector<16xi32> to vector<16xi32>
      tpu.vector_store %arg13[%swap3A_778], %swap3A_781 {strides = array<i32>} : memref<128xi32, #tpu.memory_space<vmem>>, vector<16xi32>,
      %get3A_782 = arith.index_cast %add3A_691 : i32 to index
      %get3A_783 = arith.constant 80 : index
      %get3A_784 = tpu.vector_load %arg9[%get3A_782, %get3A_783] {strides = array<i32>} : memref<80x128xi32, #tpu.memory_space<vmem>>, vector<1x16xi32>,
      %get3A_785 = vector.shape_cast %get3A_784 : vector<1x16xi32> to vector<16xi32>
      %shift_right_logical3A_786 = arith.constant 14 : i32
      %shift_right_logical3A_787 = vector.broadcast %shift_right_logical3A_786 : i32 to vector<16xi32>
      %shift_right_logical3A_788 = arith.shrui %get3A_785, %shift_right_logical3A_787 : vector<16xi32>
      %swap3A_789 = arith.constant 80 : index
      %swap3A_790 = tpu.vector_load %arg11[%swap3A_789] {strides = array<i32>} : memref<128xi32, #tpu.memory_space<vmem>>, vector<16xi32>,
      %swap3A_791 = vector.shape_cast %swap3A_790 : vector<16xi32> to vector<16xi32>
      %swap3A_792 = vector.shape_cast %shift_right_logical3A_788 : vector<16xi32> to vector<16xi32>
      tpu.vector_store %arg11[%swap3A_789], %swap3A_792 {strides = array<i32>} : memref<128xi32, #tpu.memory_space<vmem>>, vector<16xi32>,
      %and3A_793 = arith.constant 16383 : i32
      %and3A_794 = vector.broadcast %and3A_793 : i32 to vector<16xi32>
      %and3A_795 = arith.andi %get3A_785, %and3A_794 : vector<16xi32>
      %swap3A_796 = arith.constant 80 : index
      %swap3A_797 = tpu.vector_load %arg13[%swap3A_796] {strides = array<i32>} : memref<128xi32, #tpu.memory_space<vmem>>, vector<16xi32>,
      %swap3A_798 = vector.shape_cast %swap3A_797 : vector<16xi32> to vector<16xi32>
      %swap3A_799 = vector.shape_cast %and3A_795 : vector<16xi32> to vector<16xi32>
      tpu.vector_store %arg13[%swap3A_796], %swap3A_799 {strides = array<i32>} : memref<128xi32, #tpu.memory_space<vmem>>, vector<16xi32>,
      %get3A_800 = arith.index_cast %add3A_691 : i32 to index
      %get3A_801 = arith.constant 96 : index
      %get3A_802 = tpu.vector_load %arg9[%get3A_800, %get3A_801] {strides = array<i32>} : memref<80x128xi32, #tpu.memory_space<vmem>>, vector<1x16xi32>,
      %get3A_803 = vector.shape_cast %get3A_802 : vector<1x16xi32> to vector<16xi32>
      %shift_right_logical3A_804 = arith.constant 14 : i32
      %shift_right_logical3A_805 = vector.broadcast %shift_right_logical3A_804 : i32 to vector<16xi32>
      %shift_right_logical3A_806 = arith.shrui %get3A_803, %shift_right_logical3A_805 : vector<16xi32>
      %swap3A_807 = arith.constant 96 : index
      %swap3A_808 = tpu.vector_load %arg11[%swap3A_807] {strides = array<i32>} : memref<128xi32, #tpu.memory_space<vmem>>, vector<16xi32>,
      %swap3A_809 = vector.shape_cast %swap3A_808 : vector<16xi32> to vector<16xi32>
      %swap3A_810 = vector.shape_cast %shift_right_logical3A_806 : vector<16xi32> to vector<16xi32>
      tpu.vector_store %arg11[%swap3A_807], %swap3A_810 {strides = array<i32>} : memref<128xi32, #tpu.memory_space<vmem>>, vector<16xi32>,
      %and3A_811 = arith.constant 16383 : i32
      %and3A_812 = vector.broadcast %and3A_811 : i32 to vector<16xi32>
      %and3A_813 = arith.andi %get3A_803, %and3A_812 : vector<16xi32>
      %swap3A_814 = arith.constant 96 : index
      %swap3A_815 = tpu.vector_load %arg13[%swap3A_814] {strides = array<i32>} : memref<128xi32, #tpu.memory_space<vmem>>, vector<16xi32>,
      %swap3A_816 = vector.shape_cast %swap3A_815 : vector<16xi32> to vector<16xi32>
      %swap3A_817 = vector.shape_cast %and3A_813 : vector<16xi32> to vector<16xi32>
      tpu.vector_store %arg13[%swap3A_814], %swap3A_817 {strides = array<i32>} : memref<128xi32, #tpu.memory_space<vmem>>, vector<16xi32>,
      %get3A_818 = arith.index_cast %add3A_691 : i32 to index
      %get3A_819 = arith.constant 112 : index
      %get3A_820 = tpu.vector_load %arg9[%get3A_818, %get3A_819] {strides = array<i32>} : memref<80x128xi32, #tpu.memory_space<vmem>>, vector<1x16xi32>,
      %get3A_821 = vector.shape_cast %get3A_820 : vector<1x16xi32> to vector<16xi32>
      %shift_right_logical3A_822 = arith.constant 14 : i32
      %shift_right_logical3A_823 = vector.broadcast %shift_right_logical3A_822 : i32 to vector<16xi32>
      %shift_right_logical3A_824 = arith.shrui %get3A_821, %shift_right_logical3A_823 : vector<16xi32>
      %swap3A_825 = arith.constant 112 : index
      %swap3A_826 = tpu.vector_load %arg11[%swap3A_825] {strides = array<i32>} : memref<128xi32, #tpu.memory_space<vmem>>, vector<16xi32>,
      %swap3A_827 = vector.shape_cast %swap3A_826 : vector<16xi32> to vector<16xi32>
      %swap3A_828 = vector.shape_cast %shift_right_logical3A_824 : vector<16xi32> to vector<16xi32>
      tpu.vector_store %arg11[%swap3A_825], %swap3A_828 {strides = array<i32>} : memref<128xi32, #tpu.memory_space<vmem>>, vector<16xi32>,
      %and3A_829 = arith.constant 16383 : i32
      %and3A_830 = vector.broadcast %and3A_829 : i32 to vector<16xi32>
      %and3A_831 = arith.andi %get3A_821, %and3A_830 : vector<16xi32>
      %swap3A_832 = arith.constant 112 : index
      %swap3A_833 = tpu.vector_load %arg13[%swap3A_832] {strides = array<i32>} : memref<128xi32, #tpu.memory_space<vmem>>, vector<16xi32>,
      %swap3A_834 = vector.shape_cast %swap3A_833 : vector<16xi32> to vector<16xi32>
      %swap3A_835 = vector.shape_cast %and3A_831 : vector<16xi32> to vector<16xi32>
      tpu.vector_store %arg13[%swap3A_832], %swap3A_835 {strides = array<i32>} : memref<128xi32, #tpu.memory_space<vmem>>, vector<16xi32>,
      %dma_start3A_836 = arith.constant 0 : i32
      %dma_start3A_837 = arith.constant 0 : i32
      %dma_start3A_838 = tpu.memref_slice %arg2[%dma_start3A_836, %dma_start3A_837] : memref<10000x128xf32, #tpu.memory_space<hbm>> -> memref<10000x128xf32, #tpu.memory_space<hbm>>
      tpu.enqueue_indirect_dma source(%dma_start3A_838 : memref<10000x128xf32, #tpu.memory_space<hbm>>) target(%arg15 : memref<128x128xf32, #tpu.memory_space<vmem>>) offsets(%arg11 : memref<128xi32, #tpu.memory_space<vmem>>) semaphore(%arg19 : memref<!tpu.dma_semaphore, #tpu.memory_space<semaphore_mem>>)
      %scan3A_839 = arith.constant 0 : i32
      scf.yield %scan3A_839 : i32
    }
    %scan3A_523 = arith.constant 39 : i32
    %dma_wait3A_524 = arith.constant 0 : i32
    %dma_wait3A_525 = arith.constant 0 : i32
    %dma_wait3A_526 = tpu.memref_slice %arg2[%dma_wait3A_524, %dma_wait3A_525] : memref<10000x128xf32, #tpu.memory_space<hbm>> -> memref<10000x128xf32, #tpu.memory_space<hbm>>
    tpu.wait_indirect_dma semaphore(%arg18 : memref<!tpu.dma_semaphore, #tpu.memory_space<semaphore_mem>>) src(%dma_wait3A_526 : memref<10000x128xf32, #tpu.memory_space<hbm>>) dst(%arg14 : memref<128x128xf32, #tpu.memory_space<vmem>>)
    "tpu.region"() ({
      %run_scoped3A = tpu.sem_alloc : memref<!tpu.dma_semaphore, #tpu.memory_space<semaphore_mem>>
      %dma_start3A_531 = arith.constant 0 : i32
      %dma_start3A_532 = arith.constant 0 : i32
      %dma_start3A_533 = tpu.memref_slice %arg7[%dma_start3A_531, %dma_start3A_532] : memref<10240x128xf32, #tpu.memory_space<vmem_shared>> -> memref<10240x128xf32, #tpu.memory_space<vmem_shared>>
      tpu.enqueue_indirect_dma source(%arg14 : memref<128x128xf32, #tpu.memory_space<vmem>>) target(%dma_start3A_533 : memref<10240x128xf32, #tpu.memory_space<vmem_shared>>) offsets(%arg12 : memref<128xi32, #tpu.memory_space<vmem>>) semaphore(%run_scoped3A : memref<!tpu.dma_semaphore, #tpu.memory_space<semaphore_mem>>) {add = true}
      %dma_wait3A_534 = arith.constant 0 : i32
      %dma_wait3A_535 = arith.constant 0 : i32
      %dma_wait3A_536 = tpu.memref_slice %arg7[%dma_wait3A_534, %dma_wait3A_535] : memref<10240x128xf32, #tpu.memory_space<vmem_shared>> -> memref<10240x128xf32, #tpu.memory_space<vmem_shared>>
      tpu.wait_indirect_dma semaphore(%run_scoped3A : memref<!tpu.dma_semaphore, #tpu.memory_space<semaphore_mem>>) src(%arg14 : memref<128x128xf32, #tpu.memory_space<vmem>>) dst(%dma_wait3A_536 : memref<10240x128xf32, #tpu.memory_space<vmem_shared>>)
      tpu.yield
    }) : () -> ()
    "tpu.region"() ({
      %run_scoped3A = tpu.sem_alloc : memref<!tpu.dma_semaphore, #tpu.memory_space<semaphore_mem>>
      %dma_start3A_531 = arith.constant 0 : i32
      %dma_start3A_532 = tpu.memref_slice %arg8[%dma_start3A_531] : memref<10240xf32, #tpu.memory_space<vmem_shared>> -> memref<10240xf32, #tpu.memory_space<vmem_shared>>
      tpu.enqueue_indirect_dma source(%arg16 : memref<128xf32, #tpu.memory_space<vmem>>) target(%dma_start3A_532 : memref<10240xf32, #tpu.memory_space<vmem_shared>>) offsets(%arg12 : memref<128xi32, #tpu.memory_space<vmem>>) semaphore(%run_scoped3A : memref<!tpu.dma_semaphore, #tpu.memory_space<semaphore_mem>>) {add = true}
      %dma_wait3A_533 = arith.constant 0 : i32
      %dma_wait3A_534 = tpu.memref_slice %arg8[%dma_wait3A_533] : memref<10240xf32, #tpu.memory_space<vmem_shared>> -> memref<10240xf32, #tpu.memory_space<vmem_shared>>
      tpu.wait_indirect_dma semaphore(%run_scoped3A : memref<!tpu.dma_semaphore, #tpu.memory_space<semaphore_mem>>) src(%arg16 : memref<128xf32, #tpu.memory_space<vmem>>) dst(%dma_wait3A_534 : memref<10240xf32, #tpu.memory_space<vmem_shared>>)
      tpu.yield
    }) : () -> ()
    %dma_wait3A_527 = arith.constant 0 : i32
    %dma_wait3A_528 = arith.constant 0 : i32
    %dma_wait3A_529 = tpu.memref_slice %arg2[%dma_wait3A_527, %dma_wait3A_528] : memref<10000x128xf32, #tpu.memory_space<hbm>> -> memref<10000x128xf32, #tpu.memory_space<hbm>>
    tpu.wait_indirect_dma semaphore(%arg19 : memref<!tpu.dma_semaphore, #tpu.memory_space<semaphore_mem>>) src(%dma_wait3A_529 : memref<10000x128xf32, #tpu.memory_space<hbm>>) dst(%arg15 : memref<128x128xf32, #tpu.memory_space<vmem>>)
    "tpu.region"() ({
      %run_scoped3A = tpu.sem_alloc : memref<!tpu.dma_semaphore, #tpu.memory_space<semaphore_mem>>
      %dma_start3A_531 = arith.constant 0 : i32
      %dma_start3A_532 = arith.constant 0 : i32
      %dma_start3A_533 = tpu.memref_slice %arg7[%dma_start3A_531, %dma_start3A_532] : memref<10240x128xf32, #tpu.memory_space<vmem_shared>> -> memref<10240x128xf32, #tpu.memory_space<vmem_shared>>
      tpu.enqueue_indirect_dma source(%arg15 : memref<128x128xf32, #tpu.memory_space<vmem>>) target(%dma_start3A_533 : memref<10240x128xf32, #tpu.memory_space<vmem_shared>>) offsets(%arg13 : memref<128xi32, #tpu.memory_space<vmem>>) semaphore(%run_scoped3A : memref<!tpu.dma_semaphore, #tpu.memory_space<semaphore_mem>>) {add = true}
      %dma_wait3A_534 = arith.constant 0 : i32
      %dma_wait3A_535 = arith.constant 0 : i32
      %dma_wait3A_536 = tpu.memref_slice %arg7[%dma_wait3A_534, %dma_wait3A_535] : memref<10240x128xf32, #tpu.memory_space<vmem_shared>> -> memref<10240x128xf32, #tpu.memory_space<vmem_shared>>
      tpu.wait_indirect_dma semaphore(%run_scoped3A : memref<!tpu.dma_semaphore, #tpu.memory_space<semaphore_mem>>) src(%arg15 : memref<128x128xf32, #tpu.memory_space<vmem>>) dst(%dma_wait3A_536 : memref<10240x128xf32, #tpu.memory_space<vmem_shared>>)
      tpu.yield
    }) : () -> ()
    "tpu.region"() ({
      %run_scoped3A = tpu.sem_alloc : memref<!tpu.dma_semaphore, #tpu.memory_space<semaphore_mem>>
      %dma_start3A_531 = arith.constant 0 : i32
      %dma_start3A_532 = tpu.memref_slice %arg8[%dma_start3A_531] : memref<10240xf32, #tpu.memory_space<vmem_shared>> -> memref<10240xf32, #tpu.memory_space<vmem_shared>>
      tpu.enqueue_indirect_dma source(%arg16 : memref<128xf32, #tpu.memory_space<vmem>>) target(%dma_start3A_532 : memref<10240xf32, #tpu.memory_space<vmem_shared>>) offsets(%arg13 : memref<128xi32, #tpu.memory_space<vmem>>) semaphore(%run_scoped3A : memref<!tpu.dma_semaphore, #tpu.memory_space<semaphore_mem>>) {add = true}
      %dma_wait3A_533 = arith.constant 0 : i32
      %dma_wait3A_534 = tpu.memref_slice %arg8[%dma_wait3A_533] : memref<10240xf32, #tpu.memory_space<vmem_shared>> -> memref<10240xf32, #tpu.memory_space<vmem_shared>>
      tpu.wait_indirect_dma semaphore(%run_scoped3A : memref<!tpu.dma_semaphore, #tpu.memory_space<semaphore_mem>>) src(%arg16 : memref<128xf32, #tpu.memory_space<vmem>>) dst(%dma_wait3A_534 : memref<10240xf32, #tpu.memory_space<vmem_shared>>)
      tpu.yield
    }) : () -> ()
    %barrier3A_530 = arith.constant 0 : index
    tpu.barrier barrier_id(%barrier3A_530)
    "tpu.region"() ({
      %run_scoped3A = tpu.sem_alloc : memref<!tpu.dma_semaphore, #tpu.memory_space<semaphore_mem>>
      %dma_start3A_531 = arith.constant 0 : i32
      %dma_start3A_532 = tpu.memref_slice %arg5[%arg0, %mul3A_2, %dma_start3A_531] : memref<2x10240x128xf32, #tpu.memory_space<hbm>> -> memref<1x640x128xf32, #tpu.memory_space<hbm>>
      %dma_start3A_533 = tpu.memref_squeeze %dma_start3A_532 : memref<1x640x128xf32, #tpu.memory_space<hbm>> -> memref<640x128xf32, #tpu.memory_space<hbm>>
      %dma_start3A_534 = arith.constant 0 : i32
      %dma_start3A_535 = tpu.memref_slice %arg7[%mul3A_2, %dma_start3A_534] : memref<10240x128xf32, #tpu.memory_space<vmem_shared>> -> memref<640x128xf32, #tpu.memory_space<vmem_shared>>
      tpu.enqueue_dma source(%dma_start3A_535 : memref<640x128xf32, #tpu.memory_space<vmem_shared>>) target(%dma_start3A_533 : memref<640x128xf32, #tpu.memory_space<hbm>>) target_semaphore(%run_scoped3A : memref<!tpu.dma_semaphore, #tpu.memory_space<semaphore_mem>>)
      %dma_wait3A_536 = arith.constant 0 : i32
      %dma_wait3A_537 = tpu.memref_slice %arg5[%arg0, %mul3A_2, %dma_wait3A_536] : memref<2x10240x128xf32, #tpu.memory_space<hbm>> -> memref<1x640x128xf32, #tpu.memory_space<hbm>>
      %dma_wait3A_538 = tpu.memref_squeeze %dma_wait3A_537 : memref<1x640x128xf32, #tpu.memory_space<hbm>> -> memref<640x128xf32, #tpu.memory_space<hbm>>
      %dma_wait3A_539 = arith.constant 0 : i32
      %dma_wait3A_540 = tpu.memref_slice %arg7[%mul3A_2, %dma_wait3A_539] : memref<10240x128xf32, #tpu.memory_space<vmem_shared>> -> memref<640x128xf32, #tpu.memory_space<vmem_shared>>
      tpu.wait_dma2 semaphore(%run_scoped3A : memref<!tpu.dma_semaphore, #tpu.memory_space<semaphore_mem>>) src(%dma_wait3A_540 : memref<640x128xf32, #tpu.memory_space<vmem_shared>>) dst(%dma_wait3A_538 : memref<640x128xf32, #tpu.memory_space<hbm>>)
      tpu.yield
    }) : () -> ()
    "tpu.region"() ({
      %run_scoped3A = tpu.sem_alloc : memref<!tpu.dma_semaphore, #tpu.memory_space<semaphore_mem>>
      %dma_start3A_531 = tpu.memref_slice %arg6[%arg0, %mul3A_2] : memref<2x10240xf32, #tpu.memory_space<hbm>> -> memref<1x640xf32, #tpu.memory_space<hbm>>
      %dma_start3A_532 = tpu.memref_squeeze %dma_start3A_531 : memref<1x640xf32, #tpu.memory_space<hbm>> -> memref<640xf32, #tpu.memory_space<hbm>>
      %dma_start3A_533 = tpu.memref_slice %arg8[%mul3A_2] : memref<10240xf32, #tpu.memory_space<vmem_shared>> -> memref<640xf32, #tpu.memory_space<vmem_shared>>
      tpu.enqueue_dma source(%dma_start3A_533 : memref<640xf32, #tpu.memory_space<vmem_shared>>) target(%dma_start3A_532 : memref<640xf32, #tpu.memory_space<hbm>>) target_semaphore(%run_scoped3A : memref<!tpu.dma_semaphore, #tpu.memory_space<semaphore_mem>>)
      %dma_wait3A_534 = tpu.memref_slice %arg6[%arg0, %mul3A_2] : memref<2x10240xf32, #tpu.memory_space<hbm>> -> memref<1x640xf32, #tpu.memory_space<hbm>>
      %dma_wait3A_535 = tpu.memref_squeeze %dma_wait3A_534 : memref<1x640xf32, #tpu.memory_space<hbm>> -> memref<640xf32, #tpu.memory_space<hbm>>
      %dma_wait3A_536 = tpu.memref_slice %arg8[%mul3A_2] : memref<10240xf32, #tpu.memory_space<vmem_shared>> -> memref<640xf32, #tpu.memory_space<vmem_shared>>
      tpu.wait_dma2 semaphore(%run_scoped3A : memref<!tpu.dma_semaphore, #tpu.memory_space<semaphore_mem>>) src(%dma_wait3A_536 : memref<640xf32, #tpu.memory_space<vmem_shared>>) dst(%dma_wait3A_535 : memref<640xf32, #tpu.memory_space<hbm>>)
      tpu.yield
    }) : () -> ()
    return
  }
}

#map = affine_map<(d0, d1) -> (0, 0)>
#map1 = affine_map<(d0, d1) -> (0, 0, 0)>
module attributes {stable_mosaic.version = 14 : i64} {
  func.func @sc_seg_sum(%arg0: i32, %arg1: i32, %arg2: memref<10000x128xf32, #tpu.memory_space<hbm>>, %arg3: memref<32x80x128xi32, #tpu.memory_space<hbm>>, %arg4: memref<640x128xf32, #tpu.memory_space<hbm>>, %arg5: memref<2x10240x128xf32, #tpu.memory_space<hbm>>, %arg6: memref<10240x128xf32, #tpu.memory_space<vmem_shared>>, %arg7: memref<80x128xi32, #tpu.memory_space<vmem>>, %arg8: memref<128xi32, #tpu.memory_space<vmem>>, %arg9: memref<128xi32, #tpu.memory_space<vmem>>, %arg10: memref<128xi32, #tpu.memory_space<vmem>>, %arg11: memref<128xi32, #tpu.memory_space<vmem>>, %arg12: memref<128x128xf32, #tpu.memory_space<vmem>>, %arg13: memref<128x128xf32, #tpu.memory_space<vmem>>, %arg14: memref<!tpu.dma_semaphore, #tpu.memory_space<semaphore_mem>>, %arg15: memref<!tpu.dma_semaphore, #tpu.memory_space<semaphore_mem>>, %arg16: memref<!tpu.dma_semaphore, #tpu.memory_space<semaphore_mem>>) attributes {dimension_semantics = [#tpu.dimension_semantics<core_parallel>, #tpu.dimension_semantics<subcore_parallel>], iteration_bounds = array<i64: 2, 16>, scalar_prefetch = 0 : i64, scratch_operands = 11 : i64, tpu.core_type = #tpu.core_type<sc_vector_subcore>, window_params = [{transform_indices = #map}, {transform_indices = #map1}, {transform_indices = #map}, {transform_indices = #map1}]} {
    %mul3A = arith.constant 2 : i32
    %mul3A_0 = arith.muli %arg1, %mul3A : i32
    %add3A = arith.addi %mul3A_0, %arg0 : i32
    %mul3A_1 = arith.constant 640 : i32
    %mul3A_2 = arith.muli %arg1, %mul3A_1 : i32
    %broadcast_in_dim3A = arith.constant 0.000000e+00 : f32
    %broadcast_in_dim3A_3 = vector.broadcast %broadcast_in_dim3A : f32 to vector<16xf32>
    %dma_start3A = arith.constant 0 : i32
    %dma_start3A_4 = arith.constant 0 : i32
    %dma_start3A_5 = tpu.memref_slice %arg3[%add3A, %dma_start3A, %dma_start3A_4] : memref<32x80x128xi32, #tpu.memory_space<hbm>> -> memref<1x80x128xi32, #tpu.memory_space<hbm>>
    %dma_start3A_6 = tpu.memref_squeeze %dma_start3A_5 : memref<1x80x128xi32, #tpu.memory_space<hbm>> -> memref<80x128xi32, #tpu.memory_space<hbm>>
    %dma_start3A_7 = arith.constant 0 : i32
    %dma_start3A_8 = arith.constant 0 : i32
    %dma_start3A_9 = tpu.memref_slice %arg3[%add3A, %dma_start3A_7, %dma_start3A_8] : memref<32x80x128xi32, #tpu.memory_space<hbm>> -> memref<1x80x128xi32, #tpu.memory_space<hbm>>
    %dma_start3A_10 = tpu.memref_squeeze %dma_start3A_9 : memref<1x80x128xi32, #tpu.memory_space<hbm>> -> memref<80x128xi32, #tpu.memory_space<hbm>>
    tpu.enqueue_dma source(%dma_start3A_10 : memref<80x128xi32, #tpu.memory_space<hbm>>) target(%arg7 : memref<80x128xi32, #tpu.memory_space<vmem>>) target_semaphore(%arg16 : memref<!tpu.dma_semaphore, #tpu.memory_space<semaphore_mem>>)
    "tpu.region"() ({
      %run_scoped3A = tpu.sem_alloc : memref<!tpu.dma_semaphore, #tpu.memory_space<semaphore_mem>>
      %dma_start3A_337 = arith.constant 0 : i32
      %dma_start3A_338 = tpu.memref_slice %arg6[%mul3A_2, %dma_start3A_337] : memref<10240x128xf32, #tpu.memory_space<vmem_shared>> -> memref<640x128xf32, #tpu.memory_space<vmem_shared>>
      tpu.enqueue_dma source(%arg4 : memref<640x128xf32, #tpu.memory_space<hbm>>) target(%dma_start3A_338 : memref<640x128xf32, #tpu.memory_space<vmem_shared>>) target_semaphore(%run_scoped3A : memref<!tpu.dma_semaphore, #tpu.memory_space<semaphore_mem>>)
      %dma_wait3A_339 = arith.constant 0 : i32
      %dma_wait3A_340 = tpu.memref_slice %arg6[%mul3A_2, %dma_wait3A_339] : memref<10240x128xf32, #tpu.memory_space<vmem_shared>> -> memref<640x128xf32, #tpu.memory_space<vmem_shared>>
      tpu.wait_dma2 semaphore(%run_scoped3A : memref<!tpu.dma_semaphore, #tpu.memory_space<semaphore_mem>>) src(%arg4 : memref<640x128xf32, #tpu.memory_space<hbm>>) dst(%dma_wait3A_340 : memref<640x128xf32, #tpu.memory_space<vmem_shared>>)
      tpu.yield
    }) : () -> ()
    %dma_wait3A = arith.constant 0 : i32
    %dma_wait3A_11 = arith.constant 0 : i32
    %dma_wait3A_12 = tpu.memref_slice %arg3[%add3A, %dma_wait3A, %dma_wait3A_11] : memref<32x80x128xi32, #tpu.memory_space<hbm>> -> memref<1x80x128xi32, #tpu.memory_space<hbm>>
    %dma_wait3A_13 = tpu.memref_squeeze %dma_wait3A_12 : memref<1x80x128xi32, #tpu.memory_space<hbm>> -> memref<80x128xi32, #tpu.memory_space<hbm>>
    %dma_wait3A_14 = arith.constant 0 : i32
    %dma_wait3A_15 = arith.constant 0 : i32
    %dma_wait3A_16 = tpu.memref_slice %arg3[%add3A, %dma_wait3A_14, %dma_wait3A_15] : memref<32x80x128xi32, #tpu.memory_space<hbm>> -> memref<1x80x128xi32, #tpu.memory_space<hbm>>
    %dma_wait3A_17 = tpu.memref_squeeze %dma_wait3A_16 : memref<1x80x128xi32, #tpu.memory_space<hbm>> -> memref<80x128xi32, #tpu.memory_space<hbm>>
    tpu.wait_dma2 semaphore(%arg16 : memref<!tpu.dma_semaphore, #tpu.memory_space<semaphore_mem>>) src(%dma_wait3A_17 : memref<80x128xi32, #tpu.memory_space<hbm>>) dst(%arg7 : memref<80x128xi32, #tpu.memory_space<vmem>>)
    %barrier3A = arith.constant 0 : index
    tpu.barrier barrier_id(%barrier3A)
    %get3A = arith.constant 0 : i32
    %get3A_18 = arith.index_cast %get3A : i32 to index
    %get3A_19 = arith.constant 0 : index
    %get3A_20 = tpu.vector_load %arg7[%get3A_18, %get3A_19] {strides = array<i32>} : memref<80x128xi32, #tpu.memory_space<vmem>>, vector<1x16xi32>,
    %get3A_21 = vector.shape_cast %get3A_20 : vector<1x16xi32> to vector<16xi32>
    %shift_right_logical3A = arith.constant 14 : i32
    %shift_right_logical3A_22 = vector.broadcast %shift_right_logical3A : i32 to vector<16xi32>
    %shift_right_logical3A_23 = arith.shrui %get3A_21, %shift_right_logical3A_22 : vector<16xi32>
    %swap3A = arith.constant 0 : index
    %swap3A_24 = tpu.vector_load %arg8[%swap3A] {strides = array<i32>} : memref<128xi32, #tpu.memory_space<vmem>>, vector<16xi32>,
    %swap3A_25 = vector.shape_cast %swap3A_24 : vector<16xi32> to vector<16xi32>
    %swap3A_26 = vector.shape_cast %shift_right_logical3A_23 : vector<16xi32> to vector<16xi32>
    tpu.vector_store %arg8[%swap3A], %swap3A_26 {strides = array<i32>} : memref<128xi32, #tpu.memory_space<vmem>>, vector<16xi32>,
    %and3A = arith.constant 16383 : i32
    %and3A_27 = vector.broadcast %and3A : i32 to vector<16xi32>
    %and3A_28 = arith.andi %get3A_21, %and3A_27 : vector<16xi32>
    %swap3A_29 = arith.constant 0 : index
    %swap3A_30 = tpu.vector_load %arg10[%swap3A_29] {strides = array<i32>} : memref<128xi32, #tpu.memory_space<vmem>>, vector<16xi32>,
    %swap3A_31 = vector.shape_cast %swap3A_30 : vector<16xi32> to vector<16xi32>
    %swap3A_32 = vector.shape_cast %and3A_28 : vector<16xi32> to vector<16xi32>
    tpu.vector_store %arg10[%swap3A_29], %swap3A_32 {strides = array<i32>} : memref<128xi32, #tpu.memory_space<vmem>>, vector<16xi32>,
    %get3A_33 = arith.constant 0 : i32
    %get3A_34 = arith.index_cast %get3A_33 : i32 to index
    %get3A_35 = arith.constant 16 : index
    %get3A_36 = tpu.vector_load %arg7[%get3A_34, %get3A_35] {strides = array<i32>} : memref<80x128xi32, #tpu.memory_space<vmem>>, vector<1x16xi32>,
    %get3A_37 = vector.shape_cast %get3A_36 : vector<1x16xi32> to vector<16xi32>
    %shift_right_logical3A_38 = arith.constant 14 : i32
    %shift_right_logical3A_39 = vector.broadcast %shift_right_logical3A_38 : i32 to vector<16xi32>
    %shift_right_logical3A_40 = arith.shrui %get3A_37, %shift_right_logical3A_39 : vector<16xi32>
    %swap3A_41 = arith.constant 16 : index
    %swap3A_42 = tpu.vector_load %arg8[%swap3A_41] {strides = array<i32>} : memref<128xi32, #tpu.memory_space<vmem>>, vector<16xi32>,
    %swap3A_43 = vector.shape_cast %swap3A_42 : vector<16xi32> to vector<16xi32>
    %swap3A_44 = vector.shape_cast %shift_right_logical3A_40 : vector<16xi32> to vector<16xi32>
    tpu.vector_store %arg8[%swap3A_41], %swap3A_44 {strides = array<i32>} : memref<128xi32, #tpu.memory_space<vmem>>, vector<16xi32>,
    %and3A_45 = arith.constant 16383 : i32
    %and3A_46 = vector.broadcast %and3A_45 : i32 to vector<16xi32>
    %and3A_47 = arith.andi %get3A_37, %and3A_46 : vector<16xi32>
    %swap3A_48 = arith.constant 16 : index
    %swap3A_49 = tpu.vector_load %arg10[%swap3A_48] {strides = array<i32>} : memref<128xi32, #tpu.memory_space<vmem>>, vector<16xi32>,
    %swap3A_50 = vector.shape_cast %swap3A_49 : vector<16xi32> to vector<16xi32>
    %swap3A_51 = vector.shape_cast %and3A_47 : vector<16xi32> to vector<16xi32>
    tpu.vector_store %arg10[%swap3A_48], %swap3A_51 {strides = array<i32>} : memref<128xi32, #tpu.memory_space<vmem>>, vector<16xi32>,
    %get3A_52 = arith.constant 0 : i32
    %get3A_53 = arith.index_cast %get3A_52 : i32 to index
    %get3A_54 = arith.constant 32 : index
    %get3A_55 = tpu.vector_load %arg7[%get3A_53, %get3A_54] {strides = array<i32>} : memref<80x128xi32, #tpu.memory_space<vmem>>, vector<1x16xi32>,
    %get3A_56 = vector.shape_cast %get3A_55 : vector<1x16xi32> to vector<16xi32>
    %shift_right_logical3A_57 = arith.constant 14 : i32
    %shift_right_logical3A_58 = vector.broadcast %shift_right_logical3A_57 : i32 to vector<16xi32>
    %shift_right_logical3A_59 = arith.shrui %get3A_56, %shift_right_logical3A_58 : vector<16xi32>
    %swap3A_60 = arith.constant 32 : index
    %swap3A_61 = tpu.vector_load %arg8[%swap3A_60] {strides = array<i32>} : memref<128xi32, #tpu.memory_space<vmem>>, vector<16xi32>,
    %swap3A_62 = vector.shape_cast %swap3A_61 : vector<16xi32> to vector<16xi32>
    %swap3A_63 = vector.shape_cast %shift_right_logical3A_59 : vector<16xi32> to vector<16xi32>
    tpu.vector_store %arg8[%swap3A_60], %swap3A_63 {strides = array<i32>} : memref<128xi32, #tpu.memory_space<vmem>>, vector<16xi32>,
    %and3A_64 = arith.constant 16383 : i32
    %and3A_65 = vector.broadcast %and3A_64 : i32 to vector<16xi32>
    %and3A_66 = arith.andi %get3A_56, %and3A_65 : vector<16xi32>
    %swap3A_67 = arith.constant 32 : index
    %swap3A_68 = tpu.vector_load %arg10[%swap3A_67] {strides = array<i32>} : memref<128xi32, #tpu.memory_space<vmem>>, vector<16xi32>,
    %swap3A_69 = vector.shape_cast %swap3A_68 : vector<16xi32> to vector<16xi32>
    %swap3A_70 = vector.shape_cast %and3A_66 : vector<16xi32> to vector<16xi32>
    tpu.vector_store %arg10[%swap3A_67], %swap3A_70 {strides = array<i32>} : memref<128xi32, #tpu.memory_space<vmem>>, vector<16xi32>,
    %get3A_71 = arith.constant 0 : i32
    %get3A_72 = arith.index_cast %get3A_71 : i32 to index
    %get3A_73 = arith.constant 48 : index
    %get3A_74 = tpu.vector_load %arg7[%get3A_72, %get3A_73] {strides = array<i32>} : memref<80x128xi32, #tpu.memory_space<vmem>>, vector<1x16xi32>,
    %get3A_75 = vector.shape_cast %get3A_74 : vector<1x16xi32> to vector<16xi32>
    %shift_right_logical3A_76 = arith.constant 14 : i32
    %shift_right_logical3A_77 = vector.broadcast %shift_right_logical3A_76 : i32 to vector<16xi32>
    %shift_right_logical3A_78 = arith.shrui %get3A_75, %shift_right_logical3A_77 : vector<16xi32>
    %swap3A_79 = arith.constant 48 : index
    %swap3A_80 = tpu.vector_load %arg8[%swap3A_79] {strides = array<i32>} : memref<128xi32, #tpu.memory_space<vmem>>, vector<16xi32>,
    %swap3A_81 = vector.shape_cast %swap3A_80 : vector<16xi32> to vector<16xi32>
    %swap3A_82 = vector.shape_cast %shift_right_logical3A_78 : vector<16xi32> to vector<16xi32>
    tpu.vector_store %arg8[%swap3A_79], %swap3A_82 {strides = array<i32>} : memref<128xi32, #tpu.memory_space<vmem>>, vector<16xi32>,
    %and3A_83 = arith.constant 16383 : i32
    %and3A_84 = vector.broadcast %and3A_83 : i32 to vector<16xi32>
    %and3A_85 = arith.andi %get3A_75, %and3A_84 : vector<16xi32>
    %swap3A_86 = arith.constant 48 : index
    %swap3A_87 = tpu.vector_load %arg10[%swap3A_86] {strides = array<i32>} : memref<128xi32, #tpu.memory_space<vmem>>, vector<16xi32>,
    %swap3A_88 = vector.shape_cast %swap3A_87 : vector<16xi32> to vector<16xi32>
    %swap3A_89 = vector.shape_cast %and3A_85 : vector<16xi32> to vector<16xi32>
    tpu.vector_store %arg10[%swap3A_86], %swap3A_89 {strides = array<i32>} : memref<128xi32, #tpu.memory_space<vmem>>, vector<16xi32>,
    %get3A_90 = arith.constant 0 : i32
    %get3A_91 = arith.index_cast %get3A_90 : i32 to index
    %get3A_92 = arith.constant 64 : index
    %get3A_93 = tpu.vector_load %arg7[%get3A_91, %get3A_92] {strides = array<i32>} : memref<80x128xi32, #tpu.memory_space<vmem>>, vector<1x16xi32>,
    %get3A_94 = vector.shape_cast %get3A_93 : vector<1x16xi32> to vector<16xi32>
    %shift_right_logical3A_95 = arith.constant 14 : i32
    %shift_right_logical3A_96 = vector.broadcast %shift_right_logical3A_95 : i32 to vector<16xi32>
    %shift_right_logical3A_97 = arith.shrui %get3A_94, %shift_right_logical3A_96 : vector<16xi32>
    %swap3A_98 = arith.constant 64 : index
    %swap3A_99 = tpu.vector_load %arg8[%swap3A_98] {strides = array<i32>} : memref<128xi32, #tpu.memory_space<vmem>>, vector<16xi32>,
    %swap3A_100 = vector.shape_cast %swap3A_99 : vector<16xi32> to vector<16xi32>
    %swap3A_101 = vector.shape_cast %shift_right_logical3A_97 : vector<16xi32> to vector<16xi32>
    tpu.vector_store %arg8[%swap3A_98], %swap3A_101 {strides = array<i32>} : memref<128xi32, #tpu.memory_space<vmem>>, vector<16xi32>,
    %and3A_102 = arith.constant 16383 : i32
    %and3A_103 = vector.broadcast %and3A_102 : i32 to vector<16xi32>
    %and3A_104 = arith.andi %get3A_94, %and3A_103 : vector<16xi32>
    %swap3A_105 = arith.constant 64 : index
    %swap3A_106 = tpu.vector_load %arg10[%swap3A_105] {strides = array<i32>} : memref<128xi32, #tpu.memory_space<vmem>>, vector<16xi32>,
    %swap3A_107 = vector.shape_cast %swap3A_106 : vector<16xi32> to vector<16xi32>
    %swap3A_108 = vector.shape_cast %and3A_104 : vector<16xi32> to vector<16xi32>
    tpu.vector_store %arg10[%swap3A_105], %swap3A_108 {strides = array<i32>} : memref<128xi32, #tpu.memory_space<vmem>>, vector<16xi32>,
    %get3A_109 = arith.constant 0 : i32
    %get3A_110 = arith.index_cast %get3A_109 : i32 to index
    %get3A_111 = arith.constant 80 : index
    %get3A_112 = tpu.vector_load %arg7[%get3A_110, %get3A_111] {strides = array<i32>} : memref<80x128xi32, #tpu.memory_space<vmem>>, vector<1x16xi32>,
    %get3A_113 = vector.shape_cast %get3A_112 : vector<1x16xi32> to vector<16xi32>
    %shift_right_logical3A_114 = arith.constant 14 : i32
    %shift_right_logical3A_115 = vector.broadcast %shift_right_logical3A_114 : i32 to vector<16xi32>
    %shift_right_logical3A_116 = arith.shrui %get3A_113, %shift_right_logical3A_115 : vector<16xi32>
    %swap3A_117 = arith.constant 80 : index
    %swap3A_118 = tpu.vector_load %arg8[%swap3A_117] {strides = array<i32>} : memref<128xi32, #tpu.memory_space<vmem>>, vector<16xi32>,
    %swap3A_119 = vector.shape_cast %swap3A_118 : vector<16xi32> to vector<16xi32>
    %swap3A_120 = vector.shape_cast %shift_right_logical3A_116 : vector<16xi32> to vector<16xi32>
    tpu.vector_store %arg8[%swap3A_117], %swap3A_120 {strides = array<i32>} : memref<128xi32, #tpu.memory_space<vmem>>, vector<16xi32>,
    %and3A_121 = arith.constant 16383 : i32
    %and3A_122 = vector.broadcast %and3A_121 : i32 to vector<16xi32>
    %and3A_123 = arith.andi %get3A_113, %and3A_122 : vector<16xi32>
    %swap3A_124 = arith.constant 80 : index
    %swap3A_125 = tpu.vector_load %arg10[%swap3A_124] {strides = array<i32>} : memref<128xi32, #tpu.memory_space<vmem>>, vector<16xi32>,
    %swap3A_126 = vector.shape_cast %swap3A_125 : vector<16xi32> to vector<16xi32>
    %swap3A_127 = vector.shape_cast %and3A_123 : vector<16xi32> to vector<16xi32>
    tpu.vector_store %arg10[%swap3A_124], %swap3A_127 {strides = array<i32>} : memref<128xi32, #tpu.memory_space<vmem>>, vector<16xi32>,
    %get3A_128 = arith.constant 0 : i32
    %get3A_129 = arith.index_cast %get3A_128 : i32 to index
    %get3A_130 = arith.constant 96 : index
    %get3A_131 = tpu.vector_load %arg7[%get3A_129, %get3A_130] {strides = array<i32>} : memref<80x128xi32, #tpu.memory_space<vmem>>, vector<1x16xi32>,
    %get3A_132 = vector.shape_cast %get3A_131 : vector<1x16xi32> to vector<16xi32>
    %shift_right_logical3A_133 = arith.constant 14 : i32
    %shift_right_logical3A_134 = vector.broadcast %shift_right_logical3A_133 : i32 to vector<16xi32>
    %shift_right_logical3A_135 = arith.shrui %get3A_132, %shift_right_logical3A_134 : vector<16xi32>
    %swap3A_136 = arith.constant 96 : index
    %swap3A_137 = tpu.vector_load %arg8[%swap3A_136] {strides = array<i32>} : memref<128xi32, #tpu.memory_space<vmem>>, vector<16xi32>,
    %swap3A_138 = vector.shape_cast %swap3A_137 : vector<16xi32> to vector<16xi32>
    %swap3A_139 = vector.shape_cast %shift_right_logical3A_135 : vector<16xi32> to vector<16xi32>
    tpu.vector_store %arg8[%swap3A_136], %swap3A_139 {strides = array<i32>} : memref<128xi32, #tpu.memory_space<vmem>>, vector<16xi32>,
    %and3A_140 = arith.constant 16383 : i32
    %and3A_141 = vector.broadcast %and3A_140 : i32 to vector<16xi32>
    %and3A_142 = arith.andi %get3A_132, %and3A_141 : vector<16xi32>
    %swap3A_143 = arith.constant 96 : index
    %swap3A_144 = tpu.vector_load %arg10[%swap3A_143] {strides = array<i32>} : memref<128xi32, #tpu.memory_space<vmem>>, vector<16xi32>,
    %swap3A_145 = vector.shape_cast %swap3A_144 : vector<16xi32> to vector<16xi32>
    %swap3A_146 = vector.shape_cast %and3A_142 : vector<16xi32> to vector<16xi32>
    tpu.vector_store %arg10[%swap3A_143], %swap3A_146 {strides = array<i32>} : memref<128xi32, #tpu.memory_space<vmem>>, vector<16xi32>,
    %get3A_147 = arith.constant 0 : i32
    %get3A_148 = arith.index_cast %get3A_147 : i32 to index
    %get3A_149 = arith.constant 112 : index
    %get3A_150 = tpu.vector_load %arg7[%get3A_148, %get3A_149] {strides = array<i32>} : memref<80x128xi32, #tpu.memory_space<vmem>>, vector<1x16xi32>,
    %get3A_151 = vector.shape_cast %get3A_150 : vector<1x16xi32> to vector<16xi32>
    %shift_right_logical3A_152 = arith.constant 14 : i32
    %shift_right_logical3A_153 = vector.broadcast %shift_right_logical3A_152 : i32 to vector<16xi32>
    %shift_right_logical3A_154 = arith.shrui %get3A_151, %shift_right_logical3A_153 : vector<16xi32>
    %swap3A_155 = arith.constant 112 : index
    %swap3A_156 = tpu.vector_load %arg8[%swap3A_155] {strides = array<i32>} : memref<128xi32, #tpu.memory_space<vmem>>, vector<16xi32>,
    %swap3A_157 = vector.shape_cast %swap3A_156 : vector<16xi32> to vector<16xi32>
    %swap3A_158 = vector.shape_cast %shift_right_logical3A_154 : vector<16xi32> to vector<16xi32>
    tpu.vector_store %arg8[%swap3A_155], %swap3A_158 {strides = array<i32>} : memref<128xi32, #tpu.memory_space<vmem>>, vector<16xi32>,
    %and3A_159 = arith.constant 16383 : i32
    %and3A_160 = vector.broadcast %and3A_159 : i32 to vector<16xi32>
    %and3A_161 = arith.andi %get3A_151, %and3A_160 : vector<16xi32>
    %swap3A_162 = arith.constant 112 : index
    %swap3A_163 = tpu.vector_load %arg10[%swap3A_162] {strides = array<i32>} : memref<128xi32, #tpu.memory_space<vmem>>, vector<16xi32>,
    %swap3A_164 = vector.shape_cast %swap3A_163 : vector<16xi32> to vector<16xi32>
    %swap3A_165 = vector.shape_cast %and3A_161 : vector<16xi32> to vector<16xi32>
    tpu.vector_store %arg10[%swap3A_162], %swap3A_165 {strides = array<i32>} : memref<128xi32, #tpu.memory_space<vmem>>, vector<16xi32>,
    %dma_start3A_166 = arith.constant 0 : i32
    %dma_start3A_167 = arith.constant 0 : i32
    %dma_start3A_168 = tpu.memref_slice %arg2[%dma_start3A_166, %dma_start3A_167] : memref<10000x128xf32, #tpu.memory_space<hbm>> -> memref<10000x128xf32, #tpu.memory_space<hbm>>
    tpu.enqueue_indirect_dma source(%dma_start3A_168 : memref<10000x128xf32, #tpu.memory_space<hbm>>) target(%arg12 : memref<128x128xf32, #tpu.memory_space<vmem>>) offsets(%arg8 : memref<128xi32, #tpu.memory_space<vmem>>) semaphore(%arg14 : memref<!tpu.dma_semaphore, #tpu.memory_space<semaphore_mem>>)
    %get3A_169 = arith.constant 1 : i32
    %get3A_170 = arith.index_cast %get3A_169 : i32 to index
    %get3A_171 = arith.constant 0 : index
    %get3A_172 = tpu.vector_load %arg7[%get3A_170, %get3A_171] {strides = array<i32>} : memref<80x128xi32, #tpu.memory_space<vmem>>, vector<1x16xi32>,
    %get3A_173 = vector.shape_cast %get3A_172 : vector<1x16xi32> to vector<16xi32>
    %shift_right_logical3A_174 = arith.constant 14 : i32
    %shift_right_logical3A_175 = vector.broadcast %shift_right_logical3A_174 : i32 to vector<16xi32>
    %shift_right_logical3A_176 = arith.shrui %get3A_173, %shift_right_logical3A_175 : vector<16xi32>
    %swap3A_177 = arith.constant 0 : index
    %swap3A_178 = tpu.vector_load %arg9[%swap3A_177] {strides = array<i32>} : memref<128xi32, #tpu.memory_space<vmem>>, vector<16xi32>,
    %swap3A_179 = vector.shape_cast %swap3A_178 : vector<16xi32> to vector<16xi32>
    %swap3A_180 = vector.shape_cast %shift_right_logical3A_176 : vector<16xi32> to vector<16xi32>
    tpu.vector_store %arg9[%swap3A_177], %swap3A_180 {strides = array<i32>} : memref<128xi32, #tpu.memory_space<vmem>>, vector<16xi32>,
    %and3A_181 = arith.constant 16383 : i32
    %and3A_182 = vector.broadcast %and3A_181 : i32 to vector<16xi32>
    %and3A_183 = arith.andi %get3A_173, %and3A_182 : vector<16xi32>
    %swap3A_184 = arith.constant 0 : index
    %swap3A_185 = tpu.vector_load %arg11[%swap3A_184] {strides = array<i32>} : memref<128xi32, #tpu.memory_space<vmem>>, vector<16xi32>,
    %swap3A_186 = vector.shape_cast %swap3A_185 : vector<16xi32> to vector<16xi32>
    %swap3A_187 = vector.shape_cast %and3A_183 : vector<16xi32> to vector<16xi32>
    tpu.vector_store %arg11[%swap3A_184], %swap3A_187 {strides = array<i32>} : memref<128xi32, #tpu.memory_space<vmem>>, vector<16xi32>,
    %get3A_188 = arith.constant 1 : i32
    %get3A_189 = arith.index_cast %get3A_188 : i32 to index
    %get3A_190 = arith.constant 16 : index
    %get3A_191 = tpu.vector_load %arg7[%get3A_189, %get3A_190] {strides = array<i32>} : memref<80x128xi32, #tpu.memory_space<vmem>>, vector<1x16xi32>,
    %get3A_192 = vector.shape_cast %get3A_191 : vector<1x16xi32> to vector<16xi32>
    %shift_right_logical3A_193 = arith.constant 14 : i32
    %shift_right_logical3A_194 = vector.broadcast %shift_right_logical3A_193 : i32 to vector<16xi32>
    %shift_right_logical3A_195 = arith.shrui %get3A_192, %shift_right_logical3A_194 : vector<16xi32>
    %swap3A_196 = arith.constant 16 : index
    %swap3A_197 = tpu.vector_load %arg9[%swap3A_196] {strides = array<i32>} : memref<128xi32, #tpu.memory_space<vmem>>, vector<16xi32>,
    %swap3A_198 = vector.shape_cast %swap3A_197 : vector<16xi32> to vector<16xi32>
    %swap3A_199 = vector.shape_cast %shift_right_logical3A_195 : vector<16xi32> to vector<16xi32>
    tpu.vector_store %arg9[%swap3A_196], %swap3A_199 {strides = array<i32>} : memref<128xi32, #tpu.memory_space<vmem>>, vector<16xi32>,
    %and3A_200 = arith.constant 16383 : i32
    %and3A_201 = vector.broadcast %and3A_200 : i32 to vector<16xi32>
    %and3A_202 = arith.andi %get3A_192, %and3A_201 : vector<16xi32>
    %swap3A_203 = arith.constant 16 : index
    %swap3A_204 = tpu.vector_load %arg11[%swap3A_203] {strides = array<i32>} : memref<128xi32, #tpu.memory_space<vmem>>, vector<16xi32>,
    %swap3A_205 = vector.shape_cast %swap3A_204 : vector<16xi32> to vector<16xi32>
    %swap3A_206 = vector.shape_cast %and3A_202 : vector<16xi32> to vector<16xi32>
    tpu.vector_store %arg11[%swap3A_203], %swap3A_206 {strides = array<i32>} : memref<128xi32, #tpu.memory_space<vmem>>, vector<16xi32>,
    %get3A_207 = arith.constant 1 : i32
    %get3A_208 = arith.index_cast %get3A_207 : i32 to index
    %get3A_209 = arith.constant 32 : index
    %get3A_210 = tpu.vector_load %arg7[%get3A_208, %get3A_209] {strides = array<i32>} : memref<80x128xi32, #tpu.memory_space<vmem>>, vector<1x16xi32>,
    %get3A_211 = vector.shape_cast %get3A_210 : vector<1x16xi32> to vector<16xi32>
    %shift_right_logical3A_212 = arith.constant 14 : i32
    %shift_right_logical3A_213 = vector.broadcast %shift_right_logical3A_212 : i32 to vector<16xi32>
    %shift_right_logical3A_214 = arith.shrui %get3A_211, %shift_right_logical3A_213 : vector<16xi32>
    %swap3A_215 = arith.constant 32 : index
    %swap3A_216 = tpu.vector_load %arg9[%swap3A_215] {strides = array<i32>} : memref<128xi32, #tpu.memory_space<vmem>>, vector<16xi32>,
    %swap3A_217 = vector.shape_cast %swap3A_216 : vector<16xi32> to vector<16xi32>
    %swap3A_218 = vector.shape_cast %shift_right_logical3A_214 : vector<16xi32> to vector<16xi32>
    tpu.vector_store %arg9[%swap3A_215], %swap3A_218 {strides = array<i32>} : memref<128xi32, #tpu.memory_space<vmem>>, vector<16xi32>,
    %and3A_219 = arith.constant 16383 : i32
    %and3A_220 = vector.broadcast %and3A_219 : i32 to vector<16xi32>
    %and3A_221 = arith.andi %get3A_211, %and3A_220 : vector<16xi32>
    %swap3A_222 = arith.constant 32 : index
    %swap3A_223 = tpu.vector_load %arg11[%swap3A_222] {strides = array<i32>} : memref<128xi32, #tpu.memory_space<vmem>>, vector<16xi32>,
    %swap3A_224 = vector.shape_cast %swap3A_223 : vector<16xi32> to vector<16xi32>
    %swap3A_225 = vector.shape_cast %and3A_221 : vector<16xi32> to vector<16xi32>
    tpu.vector_store %arg11[%swap3A_222], %swap3A_225 {strides = array<i32>} : memref<128xi32, #tpu.memory_space<vmem>>, vector<16xi32>,
    %get3A_226 = arith.constant 1 : i32
    %get3A_227 = arith.index_cast %get3A_226 : i32 to index
    %get3A_228 = arith.constant 48 : index
    %get3A_229 = tpu.vector_load %arg7[%get3A_227, %get3A_228] {strides = array<i32>} : memref<80x128xi32, #tpu.memory_space<vmem>>, vector<1x16xi32>,
    %get3A_230 = vector.shape_cast %get3A_229 : vector<1x16xi32> to vector<16xi32>
    %shift_right_logical3A_231 = arith.constant 14 : i32
    %shift_right_logical3A_232 = vector.broadcast %shift_right_logical3A_231 : i32 to vector<16xi32>
    %shift_right_logical3A_233 = arith.shrui %get3A_230, %shift_right_logical3A_232 : vector<16xi32>
    %swap3A_234 = arith.constant 48 : index
    %swap3A_235 = tpu.vector_load %arg9[%swap3A_234] {strides = array<i32>} : memref<128xi32, #tpu.memory_space<vmem>>, vector<16xi32>,
    %swap3A_236 = vector.shape_cast %swap3A_235 : vector<16xi32> to vector<16xi32>
    %swap3A_237 = vector.shape_cast %shift_right_logical3A_233 : vector<16xi32> to vector<16xi32>
    tpu.vector_store %arg9[%swap3A_234], %swap3A_237 {strides = array<i32>} : memref<128xi32, #tpu.memory_space<vmem>>, vector<16xi32>,
    %and3A_238 = arith.constant 16383 : i32
    %and3A_239 = vector.broadcast %and3A_238 : i32 to vector<16xi32>
    %and3A_240 = arith.andi %get3A_230, %and3A_239 : vector<16xi32>
    %swap3A_241 = arith.constant 48 : index
    %swap3A_242 = tpu.vector_load %arg11[%swap3A_241] {strides = array<i32>} : memref<128xi32, #tpu.memory_space<vmem>>, vector<16xi32>,
    %swap3A_243 = vector.shape_cast %swap3A_242 : vector<16xi32> to vector<16xi32>
    %swap3A_244 = vector.shape_cast %and3A_240 : vector<16xi32> to vector<16xi32>
    tpu.vector_store %arg11[%swap3A_241], %swap3A_244 {strides = array<i32>} : memref<128xi32, #tpu.memory_space<vmem>>, vector<16xi32>,
    %get3A_245 = arith.constant 1 : i32
    %get3A_246 = arith.index_cast %get3A_245 : i32 to index
    %get3A_247 = arith.constant 64 : index
    %get3A_248 = tpu.vector_load %arg7[%get3A_246, %get3A_247] {strides = array<i32>} : memref<80x128xi32, #tpu.memory_space<vmem>>, vector<1x16xi32>,
    %get3A_249 = vector.shape_cast %get3A_248 : vector<1x16xi32> to vector<16xi32>
    %shift_right_logical3A_250 = arith.constant 14 : i32
    %shift_right_logical3A_251 = vector.broadcast %shift_right_logical3A_250 : i32 to vector<16xi32>
    %shift_right_logical3A_252 = arith.shrui %get3A_249, %shift_right_logical3A_251 : vector<16xi32>
    %swap3A_253 = arith.constant 64 : index
    %swap3A_254 = tpu.vector_load %arg9[%swap3A_253] {strides = array<i32>} : memref<128xi32, #tpu.memory_space<vmem>>, vector<16xi32>,
    %swap3A_255 = vector.shape_cast %swap3A_254 : vector<16xi32> to vector<16xi32>
    %swap3A_256 = vector.shape_cast %shift_right_logical3A_252 : vector<16xi32> to vector<16xi32>
    tpu.vector_store %arg9[%swap3A_253], %swap3A_256 {strides = array<i32>} : memref<128xi32, #tpu.memory_space<vmem>>, vector<16xi32>,
    %and3A_257 = arith.constant 16383 : i32
    %and3A_258 = vector.broadcast %and3A_257 : i32 to vector<16xi32>
    %and3A_259 = arith.andi %get3A_249, %and3A_258 : vector<16xi32>
    %swap3A_260 = arith.constant 64 : index
    %swap3A_261 = tpu.vector_load %arg11[%swap3A_260] {strides = array<i32>} : memref<128xi32, #tpu.memory_space<vmem>>, vector<16xi32>,
    %swap3A_262 = vector.shape_cast %swap3A_261 : vector<16xi32> to vector<16xi32>
    %swap3A_263 = vector.shape_cast %and3A_259 : vector<16xi32> to vector<16xi32>
    tpu.vector_store %arg11[%swap3A_260], %swap3A_263 {strides = array<i32>} : memref<128xi32, #tpu.memory_space<vmem>>, vector<16xi32>,
    %get3A_264 = arith.constant 1 : i32
    %get3A_265 = arith.index_cast %get3A_264 : i32 to index
    %get3A_266 = arith.constant 80 : index
    %get3A_267 = tpu.vector_load %arg7[%get3A_265, %get3A_266] {strides = array<i32>} : memref<80x128xi32, #tpu.memory_space<vmem>>, vector<1x16xi32>,
    %get3A_268 = vector.shape_cast %get3A_267 : vector<1x16xi32> to vector<16xi32>
    %shift_right_logical3A_269 = arith.constant 14 : i32
    %shift_right_logical3A_270 = vector.broadcast %shift_right_logical3A_269 : i32 to vector<16xi32>
    %shift_right_logical3A_271 = arith.shrui %get3A_268, %shift_right_logical3A_270 : vector<16xi32>
    %swap3A_272 = arith.constant 80 : index
    %swap3A_273 = tpu.vector_load %arg9[%swap3A_272] {strides = array<i32>} : memref<128xi32, #tpu.memory_space<vmem>>, vector<16xi32>,
    %swap3A_274 = vector.shape_cast %swap3A_273 : vector<16xi32> to vector<16xi32>
    %swap3A_275 = vector.shape_cast %shift_right_logical3A_271 : vector<16xi32> to vector<16xi32>
    tpu.vector_store %arg9[%swap3A_272], %swap3A_275 {strides = array<i32>} : memref<128xi32, #tpu.memory_space<vmem>>, vector<16xi32>,
    %and3A_276 = arith.constant 16383 : i32
    %and3A_277 = vector.broadcast %and3A_276 : i32 to vector<16xi32>
    %and3A_278 = arith.andi %get3A_268, %and3A_277 : vector<16xi32>
    %swap3A_279 = arith.constant 80 : index
    %swap3A_280 = tpu.vector_load %arg11[%swap3A_279] {strides = array<i32>} : memref<128xi32, #tpu.memory_space<vmem>>, vector<16xi32>,
    %swap3A_281 = vector.shape_cast %swap3A_280 : vector<16xi32> to vector<16xi32>
    %swap3A_282 = vector.shape_cast %and3A_278 : vector<16xi32> to vector<16xi32>
    tpu.vector_store %arg11[%swap3A_279], %swap3A_282 {strides = array<i32>} : memref<128xi32, #tpu.memory_space<vmem>>, vector<16xi32>,
    %get3A_283 = arith.constant 1 : i32
    %get3A_284 = arith.index_cast %get3A_283 : i32 to index
    %get3A_285 = arith.constant 96 : index
    %get3A_286 = tpu.vector_load %arg7[%get3A_284, %get3A_285] {strides = array<i32>} : memref<80x128xi32, #tpu.memory_space<vmem>>, vector<1x16xi32>,
    %get3A_287 = vector.shape_cast %get3A_286 : vector<1x16xi32> to vector<16xi32>
    %shift_right_logical3A_288 = arith.constant 14 : i32
    %shift_right_logical3A_289 = vector.broadcast %shift_right_logical3A_288 : i32 to vector<16xi32>
    %shift_right_logical3A_290 = arith.shrui %get3A_287, %shift_right_logical3A_289 : vector<16xi32>
    %swap3A_291 = arith.constant 96 : index
    %swap3A_292 = tpu.vector_load %arg9[%swap3A_291] {strides = array<i32>} : memref<128xi32, #tpu.memory_space<vmem>>, vector<16xi32>,
    %swap3A_293 = vector.shape_cast %swap3A_292 : vector<16xi32> to vector<16xi32>
    %swap3A_294 = vector.shape_cast %shift_right_logical3A_290 : vector<16xi32> to vector<16xi32>
    tpu.vector_store %arg9[%swap3A_291], %swap3A_294 {strides = array<i32>} : memref<128xi32, #tpu.memory_space<vmem>>, vector<16xi32>,
    %and3A_295 = arith.constant 16383 : i32
    %and3A_296 = vector.broadcast %and3A_295 : i32 to vector<16xi32>
    %and3A_297 = arith.andi %get3A_287, %and3A_296 : vector<16xi32>
    %swap3A_298 = arith.constant 96 : index
    %swap3A_299 = tpu.vector_load %arg11[%swap3A_298] {strides = array<i32>} : memref<128xi32, #tpu.memory_space<vmem>>, vector<16xi32>,
    %swap3A_300 = vector.shape_cast %swap3A_299 : vector<16xi32> to vector<16xi32>
    %swap3A_301 = vector.shape_cast %and3A_297 : vector<16xi32> to vector<16xi32>
    tpu.vector_store %arg11[%swap3A_298], %swap3A_301 {strides = array<i32>} : memref<128xi32, #tpu.memory_space<vmem>>, vector<16xi32>,
    %get3A_302 = arith.constant 1 : i32
    %get3A_303 = arith.index_cast %get3A_302 : i32 to index
    %get3A_304 = arith.constant 112 : index
    %get3A_305 = tpu.vector_load %arg7[%get3A_303, %get3A_304] {strides = array<i32>} : memref<80x128xi32, #tpu.memory_space<vmem>>, vector<1x16xi32>,
    %get3A_306 = vector.shape_cast %get3A_305 : vector<1x16xi32> to vector<16xi32>
    %shift_right_logical3A_307 = arith.constant 14 : i32
    %shift_right_logical3A_308 = vector.broadcast %shift_right_logical3A_307 : i32 to vector<16xi32>
    %shift_right_logical3A_309 = arith.shrui %get3A_306, %shift_right_logical3A_308 : vector<16xi32>
    %swap3A_310 = arith.constant 112 : index
    %swap3A_311 = tpu.vector_load %arg9[%swap3A_310] {strides = array<i32>} : memref<128xi32, #tpu.memory_space<vmem>>, vector<16xi32>,
    %swap3A_312 = vector.shape_cast %swap3A_311 : vector<16xi32> to vector<16xi32>
    %swap3A_313 = vector.shape_cast %shift_right_logical3A_309 : vector<16xi32> to vector<16xi32>
    tpu.vector_store %arg9[%swap3A_310], %swap3A_313 {strides = array<i32>} : memref<128xi32, #tpu.memory_space<vmem>>, vector<16xi32>,
    %and3A_314 = arith.constant 16383 : i32
    %and3A_315 = vector.broadcast %and3A_314 : i32 to vector<16xi32>
    %and3A_316 = arith.andi %get3A_306, %and3A_315 : vector<16xi32>
    %swap3A_317 = arith.constant 112 : index
    %swap3A_318 = tpu.vector_load %arg11[%swap3A_317] {strides = array<i32>} : memref<128xi32, #tpu.memory_space<vmem>>, vector<16xi32>,
    %swap3A_319 = vector.shape_cast %swap3A_318 : vector<16xi32> to vector<16xi32>
    %swap3A_320 = vector.shape_cast %and3A_316 : vector<16xi32> to vector<16xi32>
    tpu.vector_store %arg11[%swap3A_317], %swap3A_320 {strides = array<i32>} : memref<128xi32, #tpu.memory_space<vmem>>, vector<16xi32>,
    %dma_start3A_321 = arith.constant 0 : i32
    %dma_start3A_322 = arith.constant 0 : i32
    %dma_start3A_323 = tpu.memref_slice %arg2[%dma_start3A_321, %dma_start3A_322] : memref<10000x128xf32, #tpu.memory_space<hbm>> -> memref<10000x128xf32, #tpu.memory_space<hbm>>
    tpu.enqueue_indirect_dma source(%dma_start3A_323 : memref<10000x128xf32, #tpu.memory_space<hbm>>) target(%arg13 : memref<128x128xf32, #tpu.memory_space<vmem>>) offsets(%arg9 : memref<128xi32, #tpu.memory_space<vmem>>) semaphore(%arg15 : memref<!tpu.dma_semaphore, #tpu.memory_space<semaphore_mem>>)
    %scan3A = arith.constant 0 : i32
    %scan3A_324 = arith.constant 0 : i32
    %scan3A_325 = arith.constant 39 : i32
    %scan3A_326 = arith.addi %scan3A_324, %scan3A_325 : i32
    %scan3A_327 = arith.constant 1 : i32
    %scan3A_328 = scf.for %scan3A_337 = %scan3A_324 to %scan3A_326 step %scan3A_327 iter_args(%scan3A_338 = %scan3A) -> (i32)  : i32 {
      %mul3A_339 = arith.constant 2 : i32
      %mul3A_340 = arith.muli %mul3A_339, %scan3A_337 : i32
      %dma_wait3A_341 = arith.constant 0 : i32
      %dma_wait3A_342 = arith.constant 0 : i32
      %dma_wait3A_343 = tpu.memref_slice %arg2[%dma_wait3A_341, %dma_wait3A_342] : memref<10000x128xf32, #tpu.memory_space<hbm>> -> memref<10000x128xf32, #tpu.memory_space<hbm>>
      tpu.wait_indirect_dma semaphore(%arg14 : memref<!tpu.dma_semaphore, #tpu.memory_space<semaphore_mem>>) src(%dma_wait3A_343 : memref<10000x128xf32, #tpu.memory_space<hbm>>) dst(%arg12 : memref<128x128xf32, #tpu.memory_space<vmem>>)
      "tpu.region"() ({
        %run_scoped3A = tpu.sem_alloc : memref<!tpu.dma_semaphore, #tpu.memory_space<semaphore_mem>>
        %dma_start3A_646 = arith.constant 0 : i32
        %dma_start3A_647 = arith.constant 0 : i32
        %dma_start3A_648 = tpu.memref_slice %arg6[%dma_start3A_646, %dma_start3A_647] : memref<10240x128xf32, #tpu.memory_space<vmem_shared>> -> memref<10240x128xf32, #tpu.memory_space<vmem_shared>>
        tpu.enqueue_indirect_dma source(%arg12 : memref<128x128xf32, #tpu.memory_space<vmem>>) target(%dma_start3A_648 : memref<10240x128xf32, #tpu.memory_space<vmem_shared>>) offsets(%arg10 : memref<128xi32, #tpu.memory_space<vmem>>) semaphore(%run_scoped3A : memref<!tpu.dma_semaphore, #tpu.memory_space<semaphore_mem>>) {add = true}
        %dma_wait3A_649 = arith.constant 0 : i32
        %dma_wait3A_650 = arith.constant 0 : i32
        %dma_wait3A_651 = tpu.memref_slice %arg6[%dma_wait3A_649, %dma_wait3A_650] : memref<10240x128xf32, #tpu.memory_space<vmem_shared>> -> memref<10240x128xf32, #tpu.memory_space<vmem_shared>>
        tpu.wait_indirect_dma semaphore(%run_scoped3A : memref<!tpu.dma_semaphore, #tpu.memory_space<semaphore_mem>>) src(%arg12 : memref<128x128xf32, #tpu.memory_space<vmem>>) dst(%dma_wait3A_651 : memref<10240x128xf32, #tpu.memory_space<vmem_shared>>)
        tpu.yield
      }) : () -> ()
      %add3A_344 = arith.constant 2 : i32
      %add3A_345 = arith.addi %mul3A_340, %add3A_344 : i32
      %get3A_346 = arith.index_cast %add3A_345 : i32 to index
      %get3A_347 = arith.constant 0 : index
      %get3A_348 = tpu.vector_load %arg7[%get3A_346, %get3A_347] {strides = array<i32>} : memref<80x128xi32, #tpu.memory_space<vmem>>, vector<1x16xi32>,
      %get3A_349 = vector.shape_cast %get3A_348 : vector<1x16xi32> to vector<16xi32>
      %shift_right_logical3A_350 = arith.constant 14 : i32
      %shift_right_logical3A_351 = vector.broadcast %shift_right_logical3A_350 : i32 to vector<16xi32>
      %shift_right_logical3A_352 = arith.shrui %get3A_349, %shift_right_logical3A_351 : vector<16xi32>
      %swap3A_353 = arith.constant 0 : index
      %swap3A_354 = tpu.vector_load %arg8[%swap3A_353] {strides = array<i32>} : memref<128xi32, #tpu.memory_space<vmem>>, vector<16xi32>,
      %swap3A_355 = vector.shape_cast %swap3A_354 : vector<16xi32> to vector<16xi32>
      %swap3A_356 = vector.shape_cast %shift_right_logical3A_352 : vector<16xi32> to vector<16xi32>
      tpu.vector_store %arg8[%swap3A_353], %swap3A_356 {strides = array<i32>} : memref<128xi32, #tpu.memory_space<vmem>>, vector<16xi32>,
      %and3A_357 = arith.constant 16383 : i32
      %and3A_358 = vector.broadcast %and3A_357 : i32 to vector<16xi32>
      %and3A_359 = arith.andi %get3A_349, %and3A_358 : vector<16xi32>
      %swap3A_360 = arith.constant 0 : index
      %swap3A_361 = tpu.vector_load %arg10[%swap3A_360] {strides = array<i32>} : memref<128xi32, #tpu.memory_space<vmem>>, vector<16xi32>,
      %swap3A_362 = vector.shape_cast %swap3A_361 : vector<16xi32> to vector<16xi32>
      %swap3A_363 = vector.shape_cast %and3A_359 : vector<16xi32> to vector<16xi32>
      tpu.vector_store %arg10[%swap3A_360], %swap3A_363 {strides = array<i32>} : memref<128xi32, #tpu.memory_space<vmem>>, vector<16xi32>,
      %get3A_364 = arith.index_cast %add3A_345 : i32 to index
      %get3A_365 = arith.constant 16 : index
      %get3A_366 = tpu.vector_load %arg7[%get3A_364, %get3A_365] {strides = array<i32>} : memref<80x128xi32, #tpu.memory_space<vmem>>, vector<1x16xi32>,
      %get3A_367 = vector.shape_cast %get3A_366 : vector<1x16xi32> to vector<16xi32>
      %shift_right_logical3A_368 = arith.constant 14 : i32
      %shift_right_logical3A_369 = vector.broadcast %shift_right_logical3A_368 : i32 to vector<16xi32>
      %shift_right_logical3A_370 = arith.shrui %get3A_367, %shift_right_logical3A_369 : vector<16xi32>
      %swap3A_371 = arith.constant 16 : index
      %swap3A_372 = tpu.vector_load %arg8[%swap3A_371] {strides = array<i32>} : memref<128xi32, #tpu.memory_space<vmem>>, vector<16xi32>,
      %swap3A_373 = vector.shape_cast %swap3A_372 : vector<16xi32> to vector<16xi32>
      %swap3A_374 = vector.shape_cast %shift_right_logical3A_370 : vector<16xi32> to vector<16xi32>
      tpu.vector_store %arg8[%swap3A_371], %swap3A_374 {strides = array<i32>} : memref<128xi32, #tpu.memory_space<vmem>>, vector<16xi32>,
      %and3A_375 = arith.constant 16383 : i32
      %and3A_376 = vector.broadcast %and3A_375 : i32 to vector<16xi32>
      %and3A_377 = arith.andi %get3A_367, %and3A_376 : vector<16xi32>
      %swap3A_378 = arith.constant 16 : index
      %swap3A_379 = tpu.vector_load %arg10[%swap3A_378] {strides = array<i32>} : memref<128xi32, #tpu.memory_space<vmem>>, vector<16xi32>,
      %swap3A_380 = vector.shape_cast %swap3A_379 : vector<16xi32> to vector<16xi32>
      %swap3A_381 = vector.shape_cast %and3A_377 : vector<16xi32> to vector<16xi32>
      tpu.vector_store %arg10[%swap3A_378], %swap3A_381 {strides = array<i32>} : memref<128xi32, #tpu.memory_space<vmem>>, vector<16xi32>,
      %get3A_382 = arith.index_cast %add3A_345 : i32 to index
      %get3A_383 = arith.constant 32 : index
      %get3A_384 = tpu.vector_load %arg7[%get3A_382, %get3A_383] {strides = array<i32>} : memref<80x128xi32, #tpu.memory_space<vmem>>, vector<1x16xi32>,
      %get3A_385 = vector.shape_cast %get3A_384 : vector<1x16xi32> to vector<16xi32>
      %shift_right_logical3A_386 = arith.constant 14 : i32
      %shift_right_logical3A_387 = vector.broadcast %shift_right_logical3A_386 : i32 to vector<16xi32>
      %shift_right_logical3A_388 = arith.shrui %get3A_385, %shift_right_logical3A_387 : vector<16xi32>
      %swap3A_389 = arith.constant 32 : index
      %swap3A_390 = tpu.vector_load %arg8[%swap3A_389] {strides = array<i32>} : memref<128xi32, #tpu.memory_space<vmem>>, vector<16xi32>,
      %swap3A_391 = vector.shape_cast %swap3A_390 : vector<16xi32> to vector<16xi32>
      %swap3A_392 = vector.shape_cast %shift_right_logical3A_388 : vector<16xi32> to vector<16xi32>
      tpu.vector_store %arg8[%swap3A_389], %swap3A_392 {strides = array<i32>} : memref<128xi32, #tpu.memory_space<vmem>>, vector<16xi32>,
      %and3A_393 = arith.constant 16383 : i32
      %and3A_394 = vector.broadcast %and3A_393 : i32 to vector<16xi32>
      %and3A_395 = arith.andi %get3A_385, %and3A_394 : vector<16xi32>
      %swap3A_396 = arith.constant 32 : index
      %swap3A_397 = tpu.vector_load %arg10[%swap3A_396] {strides = array<i32>} : memref<128xi32, #tpu.memory_space<vmem>>, vector<16xi32>,
      %swap3A_398 = vector.shape_cast %swap3A_397 : vector<16xi32> to vector<16xi32>
      %swap3A_399 = vector.shape_cast %and3A_395 : vector<16xi32> to vector<16xi32>
      tpu.vector_store %arg10[%swap3A_396], %swap3A_399 {strides = array<i32>} : memref<128xi32, #tpu.memory_space<vmem>>, vector<16xi32>,
      %get3A_400 = arith.index_cast %add3A_345 : i32 to index
      %get3A_401 = arith.constant 48 : index
      %get3A_402 = tpu.vector_load %arg7[%get3A_400, %get3A_401] {strides = array<i32>} : memref<80x128xi32, #tpu.memory_space<vmem>>, vector<1x16xi32>,
      %get3A_403 = vector.shape_cast %get3A_402 : vector<1x16xi32> to vector<16xi32>
      %shift_right_logical3A_404 = arith.constant 14 : i32
      %shift_right_logical3A_405 = vector.broadcast %shift_right_logical3A_404 : i32 to vector<16xi32>
      %shift_right_logical3A_406 = arith.shrui %get3A_403, %shift_right_logical3A_405 : vector<16xi32>
      %swap3A_407 = arith.constant 48 : index
      %swap3A_408 = tpu.vector_load %arg8[%swap3A_407] {strides = array<i32>} : memref<128xi32, #tpu.memory_space<vmem>>, vector<16xi32>,
      %swap3A_409 = vector.shape_cast %swap3A_408 : vector<16xi32> to vector<16xi32>
      %swap3A_410 = vector.shape_cast %shift_right_logical3A_406 : vector<16xi32> to vector<16xi32>
      tpu.vector_store %arg8[%swap3A_407], %swap3A_410 {strides = array<i32>} : memref<128xi32, #tpu.memory_space<vmem>>, vector<16xi32>,
      %and3A_411 = arith.constant 16383 : i32
      %and3A_412 = vector.broadcast %and3A_411 : i32 to vector<16xi32>
      %and3A_413 = arith.andi %get3A_403, %and3A_412 : vector<16xi32>
      %swap3A_414 = arith.constant 48 : index
      %swap3A_415 = tpu.vector_load %arg10[%swap3A_414] {strides = array<i32>} : memref<128xi32, #tpu.memory_space<vmem>>, vector<16xi32>,
      %swap3A_416 = vector.shape_cast %swap3A_415 : vector<16xi32> to vector<16xi32>
      %swap3A_417 = vector.shape_cast %and3A_413 : vector<16xi32> to vector<16xi32>
      tpu.vector_store %arg10[%swap3A_414], %swap3A_417 {strides = array<i32>} : memref<128xi32, #tpu.memory_space<vmem>>, vector<16xi32>,
      %get3A_418 = arith.index_cast %add3A_345 : i32 to index
      %get3A_419 = arith.constant 64 : index
      %get3A_420 = tpu.vector_load %arg7[%get3A_418, %get3A_419] {strides = array<i32>} : memref<80x128xi32, #tpu.memory_space<vmem>>, vector<1x16xi32>,
      %get3A_421 = vector.shape_cast %get3A_420 : vector<1x16xi32> to vector<16xi32>
      %shift_right_logical3A_422 = arith.constant 14 : i32
      %shift_right_logical3A_423 = vector.broadcast %shift_right_logical3A_422 : i32 to vector<16xi32>
      %shift_right_logical3A_424 = arith.shrui %get3A_421, %shift_right_logical3A_423 : vector<16xi32>
      %swap3A_425 = arith.constant 64 : index
      %swap3A_426 = tpu.vector_load %arg8[%swap3A_425] {strides = array<i32>} : memref<128xi32, #tpu.memory_space<vmem>>, vector<16xi32>,
      %swap3A_427 = vector.shape_cast %swap3A_426 : vector<16xi32> to vector<16xi32>
      %swap3A_428 = vector.shape_cast %shift_right_logical3A_424 : vector<16xi32> to vector<16xi32>
      tpu.vector_store %arg8[%swap3A_425], %swap3A_428 {strides = array<i32>} : memref<128xi32, #tpu.memory_space<vmem>>, vector<16xi32>,
      %and3A_429 = arith.constant 16383 : i32
      %and3A_430 = vector.broadcast %and3A_429 : i32 to vector<16xi32>
      %and3A_431 = arith.andi %get3A_421, %and3A_430 : vector<16xi32>
      %swap3A_432 = arith.constant 64 : index
      %swap3A_433 = tpu.vector_load %arg10[%swap3A_432] {strides = array<i32>} : memref<128xi32, #tpu.memory_space<vmem>>, vector<16xi32>,
      %swap3A_434 = vector.shape_cast %swap3A_433 : vector<16xi32> to vector<16xi32>
      %swap3A_435 = vector.shape_cast %and3A_431 : vector<16xi32> to vector<16xi32>
      tpu.vector_store %arg10[%swap3A_432], %swap3A_435 {strides = array<i32>} : memref<128xi32, #tpu.memory_space<vmem>>, vector<16xi32>,
      %get3A_436 = arith.index_cast %add3A_345 : i32 to index
      %get3A_437 = arith.constant 80 : index
      %get3A_438 = tpu.vector_load %arg7[%get3A_436, %get3A_437] {strides = array<i32>} : memref<80x128xi32, #tpu.memory_space<vmem>>, vector<1x16xi32>,
      %get3A_439 = vector.shape_cast %get3A_438 : vector<1x16xi32> to vector<16xi32>
      %shift_right_logical3A_440 = arith.constant 14 : i32
      %shift_right_logical3A_441 = vector.broadcast %shift_right_logical3A_440 : i32 to vector<16xi32>
      %shift_right_logical3A_442 = arith.shrui %get3A_439, %shift_right_logical3A_441 : vector<16xi32>
      %swap3A_443 = arith.constant 80 : index
      %swap3A_444 = tpu.vector_load %arg8[%swap3A_443] {strides = array<i32>} : memref<128xi32, #tpu.memory_space<vmem>>, vector<16xi32>,
      %swap3A_445 = vector.shape_cast %swap3A_444 : vector<16xi32> to vector<16xi32>
      %swap3A_446 = vector.shape_cast %shift_right_logical3A_442 : vector<16xi32> to vector<16xi32>
      tpu.vector_store %arg8[%swap3A_443], %swap3A_446 {strides = array<i32>} : memref<128xi32, #tpu.memory_space<vmem>>, vector<16xi32>,
      %and3A_447 = arith.constant 16383 : i32
      %and3A_448 = vector.broadcast %and3A_447 : i32 to vector<16xi32>
      %and3A_449 = arith.andi %get3A_439, %and3A_448 : vector<16xi32>
      %swap3A_450 = arith.constant 80 : index
      %swap3A_451 = tpu.vector_load %arg10[%swap3A_450] {strides = array<i32>} : memref<128xi32, #tpu.memory_space<vmem>>, vector<16xi32>,
      %swap3A_452 = vector.shape_cast %swap3A_451 : vector<16xi32> to vector<16xi32>
      %swap3A_453 = vector.shape_cast %and3A_449 : vector<16xi32> to vector<16xi32>
      tpu.vector_store %arg10[%swap3A_450], %swap3A_453 {strides = array<i32>} : memref<128xi32, #tpu.memory_space<vmem>>, vector<16xi32>,
      %get3A_454 = arith.index_cast %add3A_345 : i32 to index
      %get3A_455 = arith.constant 96 : index
      %get3A_456 = tpu.vector_load %arg7[%get3A_454, %get3A_455] {strides = array<i32>} : memref<80x128xi32, #tpu.memory_space<vmem>>, vector<1x16xi32>,
      %get3A_457 = vector.shape_cast %get3A_456 : vector<1x16xi32> to vector<16xi32>
      %shift_right_logical3A_458 = arith.constant 14 : i32
      %shift_right_logical3A_459 = vector.broadcast %shift_right_logical3A_458 : i32 to vector<16xi32>
      %shift_right_logical3A_460 = arith.shrui %get3A_457, %shift_right_logical3A_459 : vector<16xi32>
      %swap3A_461 = arith.constant 96 : index
      %swap3A_462 = tpu.vector_load %arg8[%swap3A_461] {strides = array<i32>} : memref<128xi32, #tpu.memory_space<vmem>>, vector<16xi32>,
      %swap3A_463 = vector.shape_cast %swap3A_462 : vector<16xi32> to vector<16xi32>
      %swap3A_464 = vector.shape_cast %shift_right_logical3A_460 : vector<16xi32> to vector<16xi32>
      tpu.vector_store %arg8[%swap3A_461], %swap3A_464 {strides = array<i32>} : memref<128xi32, #tpu.memory_space<vmem>>, vector<16xi32>,
      %and3A_465 = arith.constant 16383 : i32
      %and3A_466 = vector.broadcast %and3A_465 : i32 to vector<16xi32>
      %and3A_467 = arith.andi %get3A_457, %and3A_466 : vector<16xi32>
      %swap3A_468 = arith.constant 96 : index
      %swap3A_469 = tpu.vector_load %arg10[%swap3A_468] {strides = array<i32>} : memref<128xi32, #tpu.memory_space<vmem>>, vector<16xi32>,
      %swap3A_470 = vector.shape_cast %swap3A_469 : vector<16xi32> to vector<16xi32>
      %swap3A_471 = vector.shape_cast %and3A_467 : vector<16xi32> to vector<16xi32>
      tpu.vector_store %arg10[%swap3A_468], %swap3A_471 {strides = array<i32>} : memref<128xi32, #tpu.memory_space<vmem>>, vector<16xi32>,
      %get3A_472 = arith.index_cast %add3A_345 : i32 to index
      %get3A_473 = arith.constant 112 : index
      %get3A_474 = tpu.vector_load %arg7[%get3A_472, %get3A_473] {strides = array<i32>} : memref<80x128xi32, #tpu.memory_space<vmem>>, vector<1x16xi32>,
      %get3A_475 = vector.shape_cast %get3A_474 : vector<1x16xi32> to vector<16xi32>
      %shift_right_logical3A_476 = arith.constant 14 : i32
      %shift_right_logical3A_477 = vector.broadcast %shift_right_logical3A_476 : i32 to vector<16xi32>
      %shift_right_logical3A_478 = arith.shrui %get3A_475, %shift_right_logical3A_477 : vector<16xi32>
      %swap3A_479 = arith.constant 112 : index
      %swap3A_480 = tpu.vector_load %arg8[%swap3A_479] {strides = array<i32>} : memref<128xi32, #tpu.memory_space<vmem>>, vector<16xi32>,
      %swap3A_481 = vector.shape_cast %swap3A_480 : vector<16xi32> to vector<16xi32>
      %swap3A_482 = vector.shape_cast %shift_right_logical3A_478 : vector<16xi32> to vector<16xi32>
      tpu.vector_store %arg8[%swap3A_479], %swap3A_482 {strides = array<i32>} : memref<128xi32, #tpu.memory_space<vmem>>, vector<16xi32>,
      %and3A_483 = arith.constant 16383 : i32
      %and3A_484 = vector.broadcast %and3A_483 : i32 to vector<16xi32>
      %and3A_485 = arith.andi %get3A_475, %and3A_484 : vector<16xi32>
      %swap3A_486 = arith.constant 112 : index
      %swap3A_487 = tpu.vector_load %arg10[%swap3A_486] {strides = array<i32>} : memref<128xi32, #tpu.memory_space<vmem>>, vector<16xi32>,
      %swap3A_488 = vector.shape_cast %swap3A_487 : vector<16xi32> to vector<16xi32>
      %swap3A_489 = vector.shape_cast %and3A_485 : vector<16xi32> to vector<16xi32>
      tpu.vector_store %arg10[%swap3A_486], %swap3A_489 {strides = array<i32>} : memref<128xi32, #tpu.memory_space<vmem>>, vector<16xi32>,
      %dma_start3A_490 = arith.constant 0 : i32
      %dma_start3A_491 = arith.constant 0 : i32
      %dma_start3A_492 = tpu.memref_slice %arg2[%dma_start3A_490, %dma_start3A_491] : memref<10000x128xf32, #tpu.memory_space<hbm>> -> memref<10000x128xf32, #tpu.memory_space<hbm>>
      tpu.enqueue_indirect_dma source(%dma_start3A_492 : memref<10000x128xf32, #tpu.memory_space<hbm>>) target(%arg12 : memref<128x128xf32, #tpu.memory_space<vmem>>) offsets(%arg8 : memref<128xi32, #tpu.memory_space<vmem>>) semaphore(%arg14 : memref<!tpu.dma_semaphore, #tpu.memory_space<semaphore_mem>>)
      %dma_wait3A_493 = arith.constant 0 : i32
      %dma_wait3A_494 = arith.constant 0 : i32
      %dma_wait3A_495 = tpu.memref_slice %arg2[%dma_wait3A_493, %dma_wait3A_494] : memref<10000x128xf32, #tpu.memory_space<hbm>> -> memref<10000x128xf32, #tpu.memory_space<hbm>>
      tpu.wait_indirect_dma semaphore(%arg15 : memref<!tpu.dma_semaphore, #tpu.memory_space<semaphore_mem>>) src(%dma_wait3A_495 : memref<10000x128xf32, #tpu.memory_space<hbm>>) dst(%arg13 : memref<128x128xf32, #tpu.memory_space<vmem>>)
      "tpu.region"() ({
        %run_scoped3A = tpu.sem_alloc : memref<!tpu.dma_semaphore, #tpu.memory_space<semaphore_mem>>
        %dma_start3A_646 = arith.constant 0 : i32
        %dma_start3A_647 = arith.constant 0 : i32
        %dma_start3A_648 = tpu.memref_slice %arg6[%dma_start3A_646, %dma_start3A_647] : memref<10240x128xf32, #tpu.memory_space<vmem_shared>> -> memref<10240x128xf32, #tpu.memory_space<vmem_shared>>
        tpu.enqueue_indirect_dma source(%arg13 : memref<128x128xf32, #tpu.memory_space<vmem>>) target(%dma_start3A_648 : memref<10240x128xf32, #tpu.memory_space<vmem_shared>>) offsets(%arg11 : memref<128xi32, #tpu.memory_space<vmem>>) semaphore(%run_scoped3A : memref<!tpu.dma_semaphore, #tpu.memory_space<semaphore_mem>>) {add = true}
        %dma_wait3A_649 = arith.constant 0 : i32
        %dma_wait3A_650 = arith.constant 0 : i32
        %dma_wait3A_651 = tpu.memref_slice %arg6[%dma_wait3A_649, %dma_wait3A_650] : memref<10240x128xf32, #tpu.memory_space<vmem_shared>> -> memref<10240x128xf32, #tpu.memory_space<vmem_shared>>
        tpu.wait_indirect_dma semaphore(%run_scoped3A : memref<!tpu.dma_semaphore, #tpu.memory_space<semaphore_mem>>) src(%arg13 : memref<128x128xf32, #tpu.memory_space<vmem>>) dst(%dma_wait3A_651 : memref<10240x128xf32, #tpu.memory_space<vmem_shared>>)
        tpu.yield
      }) : () -> ()
      %add3A_496 = arith.constant 3 : i32
      %add3A_497 = arith.addi %mul3A_340, %add3A_496 : i32
      %get3A_498 = arith.index_cast %add3A_497 : i32 to index
      %get3A_499 = arith.constant 0 : index
      %get3A_500 = tpu.vector_load %arg7[%get3A_498, %get3A_499] {strides = array<i32>} : memref<80x128xi32, #tpu.memory_space<vmem>>, vector<1x16xi32>,
      %get3A_501 = vector.shape_cast %get3A_500 : vector<1x16xi32> to vector<16xi32>
      %shift_right_logical3A_502 = arith.constant 14 : i32
      %shift_right_logical3A_503 = vector.broadcast %shift_right_logical3A_502 : i32 to vector<16xi32>
      %shift_right_logical3A_504 = arith.shrui %get3A_501, %shift_right_logical3A_503 : vector<16xi32>
      %swap3A_505 = arith.constant 0 : index
      %swap3A_506 = tpu.vector_load %arg9[%swap3A_505] {strides = array<i32>} : memref<128xi32, #tpu.memory_space<vmem>>, vector<16xi32>,
      %swap3A_507 = vector.shape_cast %swap3A_506 : vector<16xi32> to vector<16xi32>
      %swap3A_508 = vector.shape_cast %shift_right_logical3A_504 : vector<16xi32> to vector<16xi32>
      tpu.vector_store %arg9[%swap3A_505], %swap3A_508 {strides = array<i32>} : memref<128xi32, #tpu.memory_space<vmem>>, vector<16xi32>,
      %and3A_509 = arith.constant 16383 : i32
      %and3A_510 = vector.broadcast %and3A_509 : i32 to vector<16xi32>
      %and3A_511 = arith.andi %get3A_501, %and3A_510 : vector<16xi32>
      %swap3A_512 = arith.constant 0 : index
      %swap3A_513 = tpu.vector_load %arg11[%swap3A_512] {strides = array<i32>} : memref<128xi32, #tpu.memory_space<vmem>>, vector<16xi32>,
      %swap3A_514 = vector.shape_cast %swap3A_513 : vector<16xi32> to vector<16xi32>
      %swap3A_515 = vector.shape_cast %and3A_511 : vector<16xi32> to vector<16xi32>
      tpu.vector_store %arg11[%swap3A_512], %swap3A_515 {strides = array<i32>} : memref<128xi32, #tpu.memory_space<vmem>>, vector<16xi32>,
      %get3A_516 = arith.index_cast %add3A_497 : i32 to index
      %get3A_517 = arith.constant 16 : index
      %get3A_518 = tpu.vector_load %arg7[%get3A_516, %get3A_517] {strides = array<i32>} : memref<80x128xi32, #tpu.memory_space<vmem>>, vector<1x16xi32>,
      %get3A_519 = vector.shape_cast %get3A_518 : vector<1x16xi32> to vector<16xi32>
      %shift_right_logical3A_520 = arith.constant 14 : i32
      %shift_right_logical3A_521 = vector.broadcast %shift_right_logical3A_520 : i32 to vector<16xi32>
      %shift_right_logical3A_522 = arith.shrui %get3A_519, %shift_right_logical3A_521 : vector<16xi32>
      %swap3A_523 = arith.constant 16 : index
      %swap3A_524 = tpu.vector_load %arg9[%swap3A_523] {strides = array<i32>} : memref<128xi32, #tpu.memory_space<vmem>>, vector<16xi32>,
      %swap3A_525 = vector.shape_cast %swap3A_524 : vector<16xi32> to vector<16xi32>
      %swap3A_526 = vector.shape_cast %shift_right_logical3A_522 : vector<16xi32> to vector<16xi32>
      tpu.vector_store %arg9[%swap3A_523], %swap3A_526 {strides = array<i32>} : memref<128xi32, #tpu.memory_space<vmem>>, vector<16xi32>,
      %and3A_527 = arith.constant 16383 : i32
      %and3A_528 = vector.broadcast %and3A_527 : i32 to vector<16xi32>
      %and3A_529 = arith.andi %get3A_519, %and3A_528 : vector<16xi32>
      %swap3A_530 = arith.constant 16 : index
      %swap3A_531 = tpu.vector_load %arg11[%swap3A_530] {strides = array<i32>} : memref<128xi32, #tpu.memory_space<vmem>>, vector<16xi32>,
      %swap3A_532 = vector.shape_cast %swap3A_531 : vector<16xi32> to vector<16xi32>
      %swap3A_533 = vector.shape_cast %and3A_529 : vector<16xi32> to vector<16xi32>
      tpu.vector_store %arg11[%swap3A_530], %swap3A_533 {strides = array<i32>} : memref<128xi32, #tpu.memory_space<vmem>>, vector<16xi32>,
      %get3A_534 = arith.index_cast %add3A_497 : i32 to index
      %get3A_535 = arith.constant 32 : index
      %get3A_536 = tpu.vector_load %arg7[%get3A_534, %get3A_535] {strides = array<i32>} : memref<80x128xi32, #tpu.memory_space<vmem>>, vector<1x16xi32>,
      %get3A_537 = vector.shape_cast %get3A_536 : vector<1x16xi32> to vector<16xi32>
      %shift_right_logical3A_538 = arith.constant 14 : i32
      %shift_right_logical3A_539 = vector.broadcast %shift_right_logical3A_538 : i32 to vector<16xi32>
      %shift_right_logical3A_540 = arith.shrui %get3A_537, %shift_right_logical3A_539 : vector<16xi32>
      %swap3A_541 = arith.constant 32 : index
      %swap3A_542 = tpu.vector_load %arg9[%swap3A_541] {strides = array<i32>} : memref<128xi32, #tpu.memory_space<vmem>>, vector<16xi32>,
      %swap3A_543 = vector.shape_cast %swap3A_542 : vector<16xi32> to vector<16xi32>
      %swap3A_544 = vector.shape_cast %shift_right_logical3A_540 : vector<16xi32> to vector<16xi32>
      tpu.vector_store %arg9[%swap3A_541], %swap3A_544 {strides = array<i32>} : memref<128xi32, #tpu.memory_space<vmem>>, vector<16xi32>,
      %and3A_545 = arith.constant 16383 : i32
      %and3A_546 = vector.broadcast %and3A_545 : i32 to vector<16xi32>
      %and3A_547 = arith.andi %get3A_537, %and3A_546 : vector<16xi32>
      %swap3A_548 = arith.constant 32 : index
      %swap3A_549 = tpu.vector_load %arg11[%swap3A_548] {strides = array<i32>} : memref<128xi32, #tpu.memory_space<vmem>>, vector<16xi32>,
      %swap3A_550 = vector.shape_cast %swap3A_549 : vector<16xi32> to vector<16xi32>
      %swap3A_551 = vector.shape_cast %and3A_547 : vector<16xi32> to vector<16xi32>
      tpu.vector_store %arg11[%swap3A_548], %swap3A_551 {strides = array<i32>} : memref<128xi32, #tpu.memory_space<vmem>>, vector<16xi32>,
      %get3A_552 = arith.index_cast %add3A_497 : i32 to index
      %get3A_553 = arith.constant 48 : index
      %get3A_554 = tpu.vector_load %arg7[%get3A_552, %get3A_553] {strides = array<i32>} : memref<80x128xi32, #tpu.memory_space<vmem>>, vector<1x16xi32>,
      %get3A_555 = vector.shape_cast %get3A_554 : vector<1x16xi32> to vector<16xi32>
      %shift_right_logical3A_556 = arith.constant 14 : i32
      %shift_right_logical3A_557 = vector.broadcast %shift_right_logical3A_556 : i32 to vector<16xi32>
      %shift_right_logical3A_558 = arith.shrui %get3A_555, %shift_right_logical3A_557 : vector<16xi32>
      %swap3A_559 = arith.constant 48 : index
      %swap3A_560 = tpu.vector_load %arg9[%swap3A_559] {strides = array<i32>} : memref<128xi32, #tpu.memory_space<vmem>>, vector<16xi32>,
      %swap3A_561 = vector.shape_cast %swap3A_560 : vector<16xi32> to vector<16xi32>
      %swap3A_562 = vector.shape_cast %shift_right_logical3A_558 : vector<16xi32> to vector<16xi32>
      tpu.vector_store %arg9[%swap3A_559], %swap3A_562 {strides = array<i32>} : memref<128xi32, #tpu.memory_space<vmem>>, vector<16xi32>,
      %and3A_563 = arith.constant 16383 : i32
      %and3A_564 = vector.broadcast %and3A_563 : i32 to vector<16xi32>
      %and3A_565 = arith.andi %get3A_555, %and3A_564 : vector<16xi32>
      %swap3A_566 = arith.constant 48 : index
      %swap3A_567 = tpu.vector_load %arg11[%swap3A_566] {strides = array<i32>} : memref<128xi32, #tpu.memory_space<vmem>>, vector<16xi32>,
      %swap3A_568 = vector.shape_cast %swap3A_567 : vector<16xi32> to vector<16xi32>
      %swap3A_569 = vector.shape_cast %and3A_565 : vector<16xi32> to vector<16xi32>
      tpu.vector_store %arg11[%swap3A_566], %swap3A_569 {strides = array<i32>} : memref<128xi32, #tpu.memory_space<vmem>>, vector<16xi32>,
      %get3A_570 = arith.index_cast %add3A_497 : i32 to index
      %get3A_571 = arith.constant 64 : index
      %get3A_572 = tpu.vector_load %arg7[%get3A_570, %get3A_571] {strides = array<i32>} : memref<80x128xi32, #tpu.memory_space<vmem>>, vector<1x16xi32>,
      %get3A_573 = vector.shape_cast %get3A_572 : vector<1x16xi32> to vector<16xi32>
      %shift_right_logical3A_574 = arith.constant 14 : i32
      %shift_right_logical3A_575 = vector.broadcast %shift_right_logical3A_574 : i32 to vector<16xi32>
      %shift_right_logical3A_576 = arith.shrui %get3A_573, %shift_right_logical3A_575 : vector<16xi32>
      %swap3A_577 = arith.constant 64 : index
      %swap3A_578 = tpu.vector_load %arg9[%swap3A_577] {strides = array<i32>} : memref<128xi32, #tpu.memory_space<vmem>>, vector<16xi32>,
      %swap3A_579 = vector.shape_cast %swap3A_578 : vector<16xi32> to vector<16xi32>
      %swap3A_580 = vector.shape_cast %shift_right_logical3A_576 : vector<16xi32> to vector<16xi32>
      tpu.vector_store %arg9[%swap3A_577], %swap3A_580 {strides = array<i32>} : memref<128xi32, #tpu.memory_space<vmem>>, vector<16xi32>,
      %and3A_581 = arith.constant 16383 : i32
      %and3A_582 = vector.broadcast %and3A_581 : i32 to vector<16xi32>
      %and3A_583 = arith.andi %get3A_573, %and3A_582 : vector<16xi32>
      %swap3A_584 = arith.constant 64 : index
      %swap3A_585 = tpu.vector_load %arg11[%swap3A_584] {strides = array<i32>} : memref<128xi32, #tpu.memory_space<vmem>>, vector<16xi32>,
      %swap3A_586 = vector.shape_cast %swap3A_585 : vector<16xi32> to vector<16xi32>
      %swap3A_587 = vector.shape_cast %and3A_583 : vector<16xi32> to vector<16xi32>
      tpu.vector_store %arg11[%swap3A_584], %swap3A_587 {strides = array<i32>} : memref<128xi32, #tpu.memory_space<vmem>>, vector<16xi32>,
      %get3A_588 = arith.index_cast %add3A_497 : i32 to index
      %get3A_589 = arith.constant 80 : index
      %get3A_590 = tpu.vector_load %arg7[%get3A_588, %get3A_589] {strides = array<i32>} : memref<80x128xi32, #tpu.memory_space<vmem>>, vector<1x16xi32>,
      %get3A_591 = vector.shape_cast %get3A_590 : vector<1x16xi32> to vector<16xi32>
      %shift_right_logical3A_592 = arith.constant 14 : i32
      %shift_right_logical3A_593 = vector.broadcast %shift_right_logical3A_592 : i32 to vector<16xi32>
      %shift_right_logical3A_594 = arith.shrui %get3A_591, %shift_right_logical3A_593 : vector<16xi32>
      %swap3A_595 = arith.constant 80 : index
      %swap3A_596 = tpu.vector_load %arg9[%swap3A_595] {strides = array<i32>} : memref<128xi32, #tpu.memory_space<vmem>>, vector<16xi32>,
      %swap3A_597 = vector.shape_cast %swap3A_596 : vector<16xi32> to vector<16xi32>
      %swap3A_598 = vector.shape_cast %shift_right_logical3A_594 : vector<16xi32> to vector<16xi32>
      tpu.vector_store %arg9[%swap3A_595], %swap3A_598 {strides = array<i32>} : memref<128xi32, #tpu.memory_space<vmem>>, vector<16xi32>,
      %and3A_599 = arith.constant 16383 : i32
      %and3A_600 = vector.broadcast %and3A_599 : i32 to vector<16xi32>
      %and3A_601 = arith.andi %get3A_591, %and3A_600 : vector<16xi32>
      %swap3A_602 = arith.constant 80 : index
      %swap3A_603 = tpu.vector_load %arg11[%swap3A_602] {strides = array<i32>} : memref<128xi32, #tpu.memory_space<vmem>>, vector<16xi32>,
      %swap3A_604 = vector.shape_cast %swap3A_603 : vector<16xi32> to vector<16xi32>
      %swap3A_605 = vector.shape_cast %and3A_601 : vector<16xi32> to vector<16xi32>
      tpu.vector_store %arg11[%swap3A_602], %swap3A_605 {strides = array<i32>} : memref<128xi32, #tpu.memory_space<vmem>>, vector<16xi32>,
      %get3A_606 = arith.index_cast %add3A_497 : i32 to index
      %get3A_607 = arith.constant 96 : index
      %get3A_608 = tpu.vector_load %arg7[%get3A_606, %get3A_607] {strides = array<i32>} : memref<80x128xi32, #tpu.memory_space<vmem>>, vector<1x16xi32>,
      %get3A_609 = vector.shape_cast %get3A_608 : vector<1x16xi32> to vector<16xi32>
      %shift_right_logical3A_610 = arith.constant 14 : i32
      %shift_right_logical3A_611 = vector.broadcast %shift_right_logical3A_610 : i32 to vector<16xi32>
      %shift_right_logical3A_612 = arith.shrui %get3A_609, %shift_right_logical3A_611 : vector<16xi32>
      %swap3A_613 = arith.constant 96 : index
      %swap3A_614 = tpu.vector_load %arg9[%swap3A_613] {strides = array<i32>} : memref<128xi32, #tpu.memory_space<vmem>>, vector<16xi32>,
      %swap3A_615 = vector.shape_cast %swap3A_614 : vector<16xi32> to vector<16xi32>
      %swap3A_616 = vector.shape_cast %shift_right_logical3A_612 : vector<16xi32> to vector<16xi32>
      tpu.vector_store %arg9[%swap3A_613], %swap3A_616 {strides = array<i32>} : memref<128xi32, #tpu.memory_space<vmem>>, vector<16xi32>,
      %and3A_617 = arith.constant 16383 : i32
      %and3A_618 = vector.broadcast %and3A_617 : i32 to vector<16xi32>
      %and3A_619 = arith.andi %get3A_609, %and3A_618 : vector<16xi32>
      %swap3A_620 = arith.constant 96 : index
      %swap3A_621 = tpu.vector_load %arg11[%swap3A_620] {strides = array<i32>} : memref<128xi32, #tpu.memory_space<vmem>>, vector<16xi32>,
      %swap3A_622 = vector.shape_cast %swap3A_621 : vector<16xi32> to vector<16xi32>
      %swap3A_623 = vector.shape_cast %and3A_619 : vector<16xi32> to vector<16xi32>
      tpu.vector_store %arg11[%swap3A_620], %swap3A_623 {strides = array<i32>} : memref<128xi32, #tpu.memory_space<vmem>>, vector<16xi32>,
      %get3A_624 = arith.index_cast %add3A_497 : i32 to index
      %get3A_625 = arith.constant 112 : index
      %get3A_626 = tpu.vector_load %arg7[%get3A_624, %get3A_625] {strides = array<i32>} : memref<80x128xi32, #tpu.memory_space<vmem>>, vector<1x16xi32>,
      %get3A_627 = vector.shape_cast %get3A_626 : vector<1x16xi32> to vector<16xi32>
      %shift_right_logical3A_628 = arith.constant 14 : i32
      %shift_right_logical3A_629 = vector.broadcast %shift_right_logical3A_628 : i32 to vector<16xi32>
      %shift_right_logical3A_630 = arith.shrui %get3A_627, %shift_right_logical3A_629 : vector<16xi32>
      %swap3A_631 = arith.constant 112 : index
      %swap3A_632 = tpu.vector_load %arg9[%swap3A_631] {strides = array<i32>} : memref<128xi32, #tpu.memory_space<vmem>>, vector<16xi32>,
      %swap3A_633 = vector.shape_cast %swap3A_632 : vector<16xi32> to vector<16xi32>
      %swap3A_634 = vector.shape_cast %shift_right_logical3A_630 : vector<16xi32> to vector<16xi32>
      tpu.vector_store %arg9[%swap3A_631], %swap3A_634 {strides = array<i32>} : memref<128xi32, #tpu.memory_space<vmem>>, vector<16xi32>,
      %and3A_635 = arith.constant 16383 : i32
      %and3A_636 = vector.broadcast %and3A_635 : i32 to vector<16xi32>
      %and3A_637 = arith.andi %get3A_627, %and3A_636 : vector<16xi32>
      %swap3A_638 = arith.constant 112 : index
      %swap3A_639 = tpu.vector_load %arg11[%swap3A_638] {strides = array<i32>} : memref<128xi32, #tpu.memory_space<vmem>>, vector<16xi32>,
      %swap3A_640 = vector.shape_cast %swap3A_639 : vector<16xi32> to vector<16xi32>
      %swap3A_641 = vector.shape_cast %and3A_637 : vector<16xi32> to vector<16xi32>
      tpu.vector_store %arg11[%swap3A_638], %swap3A_641 {strides = array<i32>} : memref<128xi32, #tpu.memory_space<vmem>>, vector<16xi32>,
      %dma_start3A_642 = arith.constant 0 : i32
      %dma_start3A_643 = arith.constant 0 : i32
      %dma_start3A_644 = tpu.memref_slice %arg2[%dma_start3A_642, %dma_start3A_643] : memref<10000x128xf32, #tpu.memory_space<hbm>> -> memref<10000x128xf32, #tpu.memory_space<hbm>>
      tpu.enqueue_indirect_dma source(%dma_start3A_644 : memref<10000x128xf32, #tpu.memory_space<hbm>>) target(%arg13 : memref<128x128xf32, #tpu.memory_space<vmem>>) offsets(%arg9 : memref<128xi32, #tpu.memory_space<vmem>>) semaphore(%arg15 : memref<!tpu.dma_semaphore, #tpu.memory_space<semaphore_mem>>)
      %scan3A_645 = arith.constant 0 : i32
      scf.yield %scan3A_645 : i32
    }
    %scan3A_329 = arith.constant 39 : i32
    %dma_wait3A_330 = arith.constant 0 : i32
    %dma_wait3A_331 = arith.constant 0 : i32
    %dma_wait3A_332 = tpu.memref_slice %arg2[%dma_wait3A_330, %dma_wait3A_331] : memref<10000x128xf32, #tpu.memory_space<hbm>> -> memref<10000x128xf32, #tpu.memory_space<hbm>>
    tpu.wait_indirect_dma semaphore(%arg14 : memref<!tpu.dma_semaphore, #tpu.memory_space<semaphore_mem>>) src(%dma_wait3A_332 : memref<10000x128xf32, #tpu.memory_space<hbm>>) dst(%arg12 : memref<128x128xf32, #tpu.memory_space<vmem>>)
    "tpu.region"() ({
      %run_scoped3A = tpu.sem_alloc : memref<!tpu.dma_semaphore, #tpu.memory_space<semaphore_mem>>
      %dma_start3A_337 = arith.constant 0 : i32
      %dma_start3A_338 = arith.constant 0 : i32
      %dma_start3A_339 = tpu.memref_slice %arg6[%dma_start3A_337, %dma_start3A_338] : memref<10240x128xf32, #tpu.memory_space<vmem_shared>> -> memref<10240x128xf32, #tpu.memory_space<vmem_shared>>
      tpu.enqueue_indirect_dma source(%arg12 : memref<128x128xf32, #tpu.memory_space<vmem>>) target(%dma_start3A_339 : memref<10240x128xf32, #tpu.memory_space<vmem_shared>>) offsets(%arg10 : memref<128xi32, #tpu.memory_space<vmem>>) semaphore(%run_scoped3A : memref<!tpu.dma_semaphore, #tpu.memory_space<semaphore_mem>>) {add = true}
      %dma_wait3A_340 = arith.constant 0 : i32
      %dma_wait3A_341 = arith.constant 0 : i32
      %dma_wait3A_342 = tpu.memref_slice %arg6[%dma_wait3A_340, %dma_wait3A_341] : memref<10240x128xf32, #tpu.memory_space<vmem_shared>> -> memref<10240x128xf32, #tpu.memory_space<vmem_shared>>
      tpu.wait_indirect_dma semaphore(%run_scoped3A : memref<!tpu.dma_semaphore, #tpu.memory_space<semaphore_mem>>) src(%arg12 : memref<128x128xf32, #tpu.memory_space<vmem>>) dst(%dma_wait3A_342 : memref<10240x128xf32, #tpu.memory_space<vmem_shared>>)
      tpu.yield
    }) : () -> ()
    %dma_wait3A_333 = arith.constant 0 : i32
    %dma_wait3A_334 = arith.constant 0 : i32
    %dma_wait3A_335 = tpu.memref_slice %arg2[%dma_wait3A_333, %dma_wait3A_334] : memref<10000x128xf32, #tpu.memory_space<hbm>> -> memref<10000x128xf32, #tpu.memory_space<hbm>>
    tpu.wait_indirect_dma semaphore(%arg15 : memref<!tpu.dma_semaphore, #tpu.memory_space<semaphore_mem>>) src(%dma_wait3A_335 : memref<10000x128xf32, #tpu.memory_space<hbm>>) dst(%arg13 : memref<128x128xf32, #tpu.memory_space<vmem>>)
    "tpu.region"() ({
      %run_scoped3A = tpu.sem_alloc : memref<!tpu.dma_semaphore, #tpu.memory_space<semaphore_mem>>
      %dma_start3A_337 = arith.constant 0 : i32
      %dma_start3A_338 = arith.constant 0 : i32
      %dma_start3A_339 = tpu.memref_slice %arg6[%dma_start3A_337, %dma_start3A_338] : memref<10240x128xf32, #tpu.memory_space<vmem_shared>> -> memref<10240x128xf32, #tpu.memory_space<vmem_shared>>
      tpu.enqueue_indirect_dma source(%arg13 : memref<128x128xf32, #tpu.memory_space<vmem>>) target(%dma_start3A_339 : memref<10240x128xf32, #tpu.memory_space<vmem_shared>>) offsets(%arg11 : memref<128xi32, #tpu.memory_space<vmem>>) semaphore(%run_scoped3A : memref<!tpu.dma_semaphore, #tpu.memory_space<semaphore_mem>>) {add = true}
      %dma_wait3A_340 = arith.constant 0 : i32
      %dma_wait3A_341 = arith.constant 0 : i32
      %dma_wait3A_342 = tpu.memref_slice %arg6[%dma_wait3A_340, %dma_wait3A_341] : memref<10240x128xf32, #tpu.memory_space<vmem_shared>> -> memref<10240x128xf32, #tpu.memory_space<vmem_shared>>
      tpu.wait_indirect_dma semaphore(%run_scoped3A : memref<!tpu.dma_semaphore, #tpu.memory_space<semaphore_mem>>) src(%arg13 : memref<128x128xf32, #tpu.memory_space<vmem>>) dst(%dma_wait3A_342 : memref<10240x128xf32, #tpu.memory_space<vmem_shared>>)
      tpu.yield
    }) : () -> ()
    %barrier3A_336 = arith.constant 0 : index
    tpu.barrier barrier_id(%barrier3A_336)
    "tpu.region"() ({
      %run_scoped3A = tpu.sem_alloc : memref<!tpu.dma_semaphore, #tpu.memory_space<semaphore_mem>>
      %dma_start3A_337 = arith.constant 0 : i32
      %dma_start3A_338 = tpu.memref_slice %arg5[%arg0, %mul3A_2, %dma_start3A_337] : memref<2x10240x128xf32, #tpu.memory_space<hbm>> -> memref<1x640x128xf32, #tpu.memory_space<hbm>>
      %dma_start3A_339 = tpu.memref_squeeze %dma_start3A_338 : memref<1x640x128xf32, #tpu.memory_space<hbm>> -> memref<640x128xf32, #tpu.memory_space<hbm>>
      %dma_start3A_340 = arith.constant 0 : i32
      %dma_start3A_341 = tpu.memref_slice %arg6[%mul3A_2, %dma_start3A_340] : memref<10240x128xf32, #tpu.memory_space<vmem_shared>> -> memref<640x128xf32, #tpu.memory_space<vmem_shared>>
      tpu.enqueue_dma source(%dma_start3A_341 : memref<640x128xf32, #tpu.memory_space<vmem_shared>>) target(%dma_start3A_339 : memref<640x128xf32, #tpu.memory_space<hbm>>) target_semaphore(%run_scoped3A : memref<!tpu.dma_semaphore, #tpu.memory_space<semaphore_mem>>)
      %dma_wait3A_342 = arith.constant 0 : i32
      %dma_wait3A_343 = tpu.memref_slice %arg5[%arg0, %mul3A_2, %dma_wait3A_342] : memref<2x10240x128xf32, #tpu.memory_space<hbm>> -> memref<1x640x128xf32, #tpu.memory_space<hbm>>
      %dma_wait3A_344 = tpu.memref_squeeze %dma_wait3A_343 : memref<1x640x128xf32, #tpu.memory_space<hbm>> -> memref<640x128xf32, #tpu.memory_space<hbm>>
      %dma_wait3A_345 = arith.constant 0 : i32
      %dma_wait3A_346 = tpu.memref_slice %arg6[%mul3A_2, %dma_wait3A_345] : memref<10240x128xf32, #tpu.memory_space<vmem_shared>> -> memref<640x128xf32, #tpu.memory_space<vmem_shared>>
      tpu.wait_dma2 semaphore(%run_scoped3A : memref<!tpu.dma_semaphore, #tpu.memory_space<semaphore_mem>>) src(%dma_wait3A_346 : memref<640x128xf32, #tpu.memory_space<vmem_shared>>) dst(%dma_wait3A_344 : memref<640x128xf32, #tpu.memory_space<hbm>>)
      tpu.yield
    }) : () -> ()
    return
  }
}

module attributes {stable_mosaic.version = 14 : i64} {
  func.func @_tc_weight_body(%arg0: memref<10000x128xf32, #tpu.memory_space<vmem>>, %arg1: memref<1x128xf32, #tpu.memory_space<vmem>>, %arg2: memref<10000x128xf32, #tpu.memory_space<vmem>>) attributes {dimension_semantics = [], scalar_prefetch = 0 : i64, scratch_operands = 0 : i64, tpu.core_type = #tpu.core_type<tc>} {
    %get3A = arith.constant 0 : index
    %get3A_0 = arith.constant 0 : index
    %get3A_1 = vector.load %arg1[%get3A, %get3A_0] : memref<1x128xf32, #tpu.memory_space<vmem>>, vector<1x128xf32>
    %get3A_2 = vector.shape_cast %get3A_1 : vector<1x128xf32> to vector<128xf32>
    %reduce_max3A = vector.shape_cast %get3A_2 : vector<128xf32> to vector<1x128xf32>
    %reduce_max3A_3 = arith.constant dense<0xFF800000> : vector<1xf32>
    %reduce_max3A_4 = vector.multi_reduction <maximumf>, %reduce_max3A, %reduce_max3A_3 [1] : vector<1x128xf32> to vector<1xf32>
    %reduce_max3A_5 = vector.shape_cast %reduce_max3A_4 : vector<1xf32> to vector<1x1xf32>
    %reduce_max3A_6 = vector.extract %reduce_max3A_5[0, 0] : f32 from vector<1x1xf32>
    %sub3A = vector.broadcast %reduce_max3A_6 : f32 to vector<128xf32>
    %sub3A_7 = arith.subf %get3A_2, %sub3A : vector<128xf32>
    %exp3A = math.exp %sub3A_7 : vector<128xf32>
    %reduce_sum3A = vector.shape_cast %exp3A : vector<128xf32> to vector<1x128xf32>
    %reduce_sum3A_8 = arith.constant dense<0.000000e+00> : vector<1xf32>
    %reduce_sum3A_9 = vector.multi_reduction <add>, %reduce_sum3A, %reduce_sum3A_8 [1] : vector<1x128xf32> to vector<1xf32>
    %reduce_sum3A_10 = vector.shape_cast %reduce_sum3A_9 : vector<1xf32> to vector<1x1xf32>
    %reduce_sum3A_11 = vector.extract %reduce_sum3A_10[0, 0] : f32 from vector<1x1xf32>
    %div3A = vector.broadcast %reduce_sum3A_11 : f32 to vector<128xf32>
    %div3A_12 = arith.divf %exp3A, %div3A : vector<128xf32>
    %get3A_13 = arith.constant 0 : index
    %get3A_14 = arith.constant 0 : index
    %get3A_15 = vector.load %arg0[%get3A_13, %get3A_14] : memref<10000x128xf32, #tpu.memory_space<vmem>>, vector<10000x128xf32>
    %broadcast_in_dim3A = vector.shape_cast %div3A_12 : vector<128xf32> to vector<1x128xf32>
    %mul3A = vector.broadcast %broadcast_in_dim3A : vector<1x128xf32> to vector<10000x128xf32>
    %mul3A_16 = arith.mulf %get3A_15, %mul3A : vector<10000x128xf32>
    %swap3A = arith.constant 0 : index
    %swap3A_17 = arith.constant 0 : index
    %swap3A_18 = vector.load %arg2[%swap3A, %swap3A_17] : memref<10000x128xf32, #tpu.memory_space<vmem>>, vector<10000x128xf32>
    tpu.vector_store %arg2[%swap3A, %swap3A_17], %mul3A_16 {strides = array<i32>} : memref<10000x128xf32, #tpu.memory_space<vmem>>, vector<10000x128xf32>,
    return
  }
}

module attributes {stable_mosaic.version = 14 : i64} {
  func.func @_tc_sage_body(%arg0: memref<10000x128xf32, #tpu.memory_space<vmem>>, %arg1: memref<2x10240x128xf32, #tpu.memory_space<vmem>>, %arg2: memref<10240x2xf32, #tpu.memory_space<vmem>>, %arg3: memref<128x128xf32, #tpu.memory_space<vmem>>, %arg4: memref<128x128xf32, #tpu.memory_space<vmem>>, %arg5: memref<1x128xf32, #tpu.memory_space<vmem>>, %arg6: memref<10000x128xf32, #tpu.memory_space<vmem>>) attributes {dimension_semantics = [], scalar_prefetch = 0 : i64, scratch_operands = 0 : i64, tpu.core_type = #tpu.core_type<tc>} {
    %get3A = arith.constant 0 : index
    %get3A_0 = arith.constant 0 : index
    %get3A_1 = arith.constant 0 : index
    %get3A_2 = vector.load %arg1[%get3A, %get3A_0, %get3A_1] : memref<2x10240x128xf32, #tpu.memory_space<vmem>>, vector<1x10000x128xf32>
    %get3A_3 = vector.shape_cast %get3A_2 : vector<1x10000x128xf32> to vector<10000x128xf32>
    %get3A_4 = arith.constant 1 : index
    %get3A_5 = arith.constant 0 : index
    %get3A_6 = arith.constant 0 : index
    %get3A_7 = vector.load %arg1[%get3A_4, %get3A_5, %get3A_6] : memref<2x10240x128xf32, #tpu.memory_space<vmem>>, vector<1x10000x128xf32>
    %get3A_8 = vector.shape_cast %get3A_7 : vector<1x10000x128xf32> to vector<10000x128xf32>
    %add3A = arith.addf %get3A_3, %get3A_8 : vector<10000x128xf32>
    %get3A_9 = arith.constant 0 : index
    %get3A_10 = arith.constant 0 : index
    %get3A_11 = vector.load %arg2[%get3A_9, %get3A_10] : memref<10240x2xf32, #tpu.memory_space<vmem>>, vector<10000x1xf32>
    %get3A_12 = arith.constant 0 : index
    %get3A_13 = arith.constant 1 : index
    %get3A_14 = vector.load %arg2[%get3A_12, %get3A_13] : memref<10240x2xf32, #tpu.memory_space<vmem>>, vector<10000x1xf32>
    %add3A_15 = arith.addf %get3A_11, %get3A_14 : vector<10000x1xf32>
    %max3A = arith.constant 1.000000e+00 : f32
    %max3A_16 = vector.broadcast %max3A : f32 to vector<10000x1xf32>
    %max3A_17 = arith.maximumf %add3A_15, %max3A_16 : vector<10000x1xf32>
    %div3A = vector.broadcast %max3A_17 : vector<10000x1xf32> to vector<10000x128xf32>
    %div3A_18 = arith.divf %add3A, %div3A : vector<10000x128xf32>
    %get3A_19 = arith.constant 0 : index
    %get3A_20 = arith.constant 0 : index
    %get3A_21 = vector.load %arg0[%get3A_19, %get3A_20] : memref<10000x128xf32, #tpu.memory_space<vmem>>, vector<10000x128xf32>
    %get3A_22 = arith.constant 0 : index
    %get3A_23 = arith.constant 0 : index
    %get3A_24 = vector.load %arg3[%get3A_22, %get3A_23] : memref<128x128xf32, #tpu.memory_space<vmem>>, vector<128x128xf32>
    %dot_general3A = arith.constant dense<0.000000e+00> : vector<10000x128xf32>
    %dot_general3A_25 = tpu.matmul %get3A_21, %get3A_24, %dot_general3A {dimension_numbers = #tpu.dot_dimension_numbers<[1], [1], [0], [0], [0, 0, 1, 0], [], []>, transpose_lhs_hint = false} : vector<10000x128xf32>, vector<128x128xf32>, vector<10000x128xf32> -> vector<10000x128xf32>
    %get3A_26 = arith.constant 0 : index
    %get3A_27 = arith.constant 0 : index
    %get3A_28 = vector.load %arg4[%get3A_26, %get3A_27] : memref<128x128xf32, #tpu.memory_space<vmem>>, vector<128x128xf32>
    %dot_general3A_29 = arith.constant dense<0.000000e+00> : vector<10000x128xf32>
    %dot_general3A_30 = tpu.matmul %div3A_18, %get3A_28, %dot_general3A_29 {dimension_numbers = #tpu.dot_dimension_numbers<[1], [1], [0], [0], [0, 0, 1, 0], [], []>, transpose_lhs_hint = false} : vector<10000x128xf32>, vector<128x128xf32>, vector<10000x128xf32> -> vector<10000x128xf32>
    %add3A_31 = arith.addf %dot_general3A_25, %dot_general3A_30 : vector<10000x128xf32>
    %get3A_32 = arith.constant 0 : index
    %get3A_33 = arith.constant 0 : index
    %get3A_34 = vector.load %arg5[%get3A_32, %get3A_33] : memref<1x128xf32, #tpu.memory_space<vmem>>, vector<1x128xf32>
    %get3A_35 = vector.shape_cast %get3A_34 : vector<1x128xf32> to vector<128xf32>
    %broadcast_in_dim3A = vector.shape_cast %get3A_35 : vector<128xf32> to vector<1x128xf32>
    %add3A_36 = vector.broadcast %broadcast_in_dim3A : vector<1x128xf32> to vector<10000x128xf32>
    %add3A_37 = arith.addf %add3A_31, %add3A_36 : vector<10000x128xf32>
    %max3A_38 = arith.constant 0.000000e+00 : f32
    %max3A_39 = vector.broadcast %max3A_38 : f32 to vector<10000x128xf32>
    %max3A_40 = arith.maximumf %add3A_37, %max3A_39 : vector<10000x128xf32>
    %add3A_41 = arith.addf %max3A_40, %get3A_21 : vector<10000x128xf32>
    %swap3A = arith.constant 0 : index
    %swap3A_42 = arith.constant 0 : index
    %swap3A_43 = vector.load %arg6[%swap3A, %swap3A_42] : memref<10000x128xf32, #tpu.memory_space<vmem>>, vector<10000x128xf32>
    tpu.vector_store %arg6[%swap3A, %swap3A_42], %add3A_41 {strides = array<i32>} : memref<10000x128xf32, #tpu.memory_space<vmem>>, vector<10000x128xf32>,
    return
  }
}

module attributes {stable_mosaic.version = 14 : i64} {
  func.func @_tc_sage_body(%arg0: memref<10000x128xf32, #tpu.memory_space<vmem>>, %arg1: memref<2x10240x128xf32, #tpu.memory_space<vmem>>, %arg2: memref<10240x2xf32, #tpu.memory_space<vmem>>, %arg3: memref<128x128xf32, #tpu.memory_space<vmem>>, %arg4: memref<128x128xf32, #tpu.memory_space<vmem>>, %arg5: memref<1x128xf32, #tpu.memory_space<vmem>>, %arg6: memref<10000x128xf32, #tpu.memory_space<vmem>>) attributes {dimension_semantics = [], scalar_prefetch = 0 : i64, scratch_operands = 0 : i64, tpu.core_type = #tpu.core_type<tc>} {
    %get3A = arith.constant 0 : index
    %get3A_0 = arith.constant 0 : index
    %get3A_1 = arith.constant 0 : index
    %get3A_2 = vector.load %arg1[%get3A, %get3A_0, %get3A_1] : memref<2x10240x128xf32, #tpu.memory_space<vmem>>, vector<1x10000x128xf32>
    %get3A_3 = vector.shape_cast %get3A_2 : vector<1x10000x128xf32> to vector<10000x128xf32>
    %get3A_4 = arith.constant 1 : index
    %get3A_5 = arith.constant 0 : index
    %get3A_6 = arith.constant 0 : index
    %get3A_7 = vector.load %arg1[%get3A_4, %get3A_5, %get3A_6] : memref<2x10240x128xf32, #tpu.memory_space<vmem>>, vector<1x10000x128xf32>
    %get3A_8 = vector.shape_cast %get3A_7 : vector<1x10000x128xf32> to vector<10000x128xf32>
    %add3A = arith.addf %get3A_3, %get3A_8 : vector<10000x128xf32>
    %get3A_9 = arith.constant 0 : index
    %get3A_10 = arith.constant 0 : index
    %get3A_11 = vector.load %arg2[%get3A_9, %get3A_10] : memref<10240x2xf32, #tpu.memory_space<vmem>>, vector<10000x1xf32>
    %get3A_12 = arith.constant 0 : index
    %get3A_13 = arith.constant 1 : index
    %get3A_14 = vector.load %arg2[%get3A_12, %get3A_13] : memref<10240x2xf32, #tpu.memory_space<vmem>>, vector<10000x1xf32>
    %add3A_15 = arith.addf %get3A_11, %get3A_14 : vector<10000x1xf32>
    %max3A = arith.constant 1.000000e+00 : f32
    %max3A_16 = vector.broadcast %max3A : f32 to vector<10000x1xf32>
    %max3A_17 = arith.maximumf %add3A_15, %max3A_16 : vector<10000x1xf32>
    %div3A = vector.broadcast %max3A_17 : vector<10000x1xf32> to vector<10000x128xf32>
    %div3A_18 = arith.divf %add3A, %div3A : vector<10000x128xf32>
    %get3A_19 = arith.constant 0 : index
    %get3A_20 = arith.constant 0 : index
    %get3A_21 = vector.load %arg0[%get3A_19, %get3A_20] : memref<10000x128xf32, #tpu.memory_space<vmem>>, vector<10000x128xf32>
    %get3A_22 = arith.constant 0 : index
    %get3A_23 = arith.constant 0 : index
    %get3A_24 = vector.load %arg3[%get3A_22, %get3A_23] : memref<128x128xf32, #tpu.memory_space<vmem>>, vector<128x128xf32>
    %dot_general3A = arith.constant dense<0.000000e+00> : vector<10000x128xf32>
    %dot_general3A_25 = tpu.matmul %get3A_21, %get3A_24, %dot_general3A {dimension_numbers = #tpu.dot_dimension_numbers<[1], [1], [0], [0], [0, 0, 1, 0], [], []>, transpose_lhs_hint = false} : vector<10000x128xf32>, vector<128x128xf32>, vector<10000x128xf32> -> vector<10000x128xf32>
    %get3A_26 = arith.constant 0 : index
    %get3A_27 = arith.constant 0 : index
    %get3A_28 = vector.load %arg4[%get3A_26, %get3A_27] : memref<128x128xf32, #tpu.memory_space<vmem>>, vector<128x128xf32>
    %dot_general3A_29 = arith.constant dense<0.000000e+00> : vector<10000x128xf32>
    %dot_general3A_30 = tpu.matmul %div3A_18, %get3A_28, %dot_general3A_29 {dimension_numbers = #tpu.dot_dimension_numbers<[1], [1], [0], [0], [0, 0, 1, 0], [], []>, transpose_lhs_hint = false} : vector<10000x128xf32>, vector<128x128xf32>, vector<10000x128xf32> -> vector<10000x128xf32>
    %add3A_31 = arith.addf %dot_general3A_25, %dot_general3A_30 : vector<10000x128xf32>
    %get3A_32 = arith.constant 0 : index
    %get3A_33 = arith.constant 0 : index
    %get3A_34 = vector.load %arg5[%get3A_32, %get3A_33] : memref<1x128xf32, #tpu.memory_space<vmem>>, vector<1x128xf32>
    %get3A_35 = vector.shape_cast %get3A_34 : vector<1x128xf32> to vector<128xf32>
    %broadcast_in_dim3A = vector.shape_cast %get3A_35 : vector<128xf32> to vector<1x128xf32>
    %add3A_36 = vector.broadcast %broadcast_in_dim3A : vector<1x128xf32> to vector<10000x128xf32>
    %add3A_37 = arith.addf %add3A_31, %add3A_36 : vector<10000x128xf32>
    %max3A_38 = arith.constant 0.000000e+00 : f32
    %max3A_39 = vector.broadcast %max3A_38 : f32 to vector<10000x128xf32>
    %max3A_40 = arith.maximumf %add3A_37, %max3A_39 : vector<10000x128xf32>
    %add3A_41 = arith.addf %max3A_40, %get3A_21 : vector<10000x128xf32>
    %swap3A = arith.constant 0 : index
    %swap3A_42 = arith.constant 0 : index
    %swap3A_43 = vector.load %arg6[%swap3A, %swap3A_42] : memref<10000x128xf32, #tpu.memory_space<vmem>>, vector<10000x128xf32>
    tpu.vector_store %arg6[%swap3A, %swap3A_42], %add3A_41 {strides = array<i32>} : memref<10000x128xf32, #tpu.memory_space<vmem>>, vector<10000x128xf32>,
    return
  }
}

</mosaic_0001>

<sc_bundles>
// kernel: sc_seg_sum.3.cloned.1.call-start
scs
__scs_entry_jumppad:
0x0: {  	(pc) =	sbr.rel $0x88, $3  }
0x1: {  	(tag) =	ssettag $0x0;
	lr =	simm.s32 $0x1  }
0x2: {  	[smem:$0x3F98] =	sst lr;
	_ =	strace $0xD0000000  }
0x3: {  	_ = 	snop  }
0x4: {  	_ = 	snop  }
0x5: {  	_ = 	snop  }
0x6: {  	_ = 	snop  }
0x7: {  	_ = 	snop  }
__scs_overlays_trampoline_lowered:
0x8: {  	[smem:$0x3FA7] =	sst s0  }
0x9: {  	[smem:$0x3FA8] =	sst s1  }
0xa: {  	[smem:$0x3FA9] =	sst s2  }
0xb: {  	[smem:$0x3FAA] =	sst s3  }
0xc: {  	[smem:$0x3FAB] =	sst s4  }
0xd: {  	[smem:$0x3FAC] =	sst s5  }
0xe: {  	[smem:$0x3FAD] =	sst s6  }
0xf: {  	[smem:$0x3FAE] =	sst s7  }
0x10: {  	[smem:$0x3FAF] =	sst s8  }
0x11: {  	[smem:$0x3FB0] =	sst s9;
	s0 =	simm.s32 @!p0 $0x0  }
0x12: {  	s1 =	sld [smem:$0x3F96];
	s0 =	simm.s32 @p0 $0x1  }
0x13: {  	[smem:$0x3FB1] =	sst s0;
	s0 =	simm.s32 @!p1 $0x0  }
0x14: {  	s2 =	sld [smem:$0x3F95];
	s0 =	simm.s32 @p1 $0x1  }
0x15: {  	[smem:$0x3FB2] =	sst s0;
	s0 =	simm.s32 @!p2 $0x0  }
0x16: {  	s3 =	sld [smem:$0x3FDB];
	s0 =	simm.s32 @p2 $0x1  }
0x17: {  	s4 =	simm.s32 $0x1BF5;
	[smem:$0x3FB4] =	sst s0  }
0x18: {  	s0 =	sld [smem:$0x3F97];
	_ =	swait.ge [sflag:s4], $0x0  }
0x19: {  	s7 =	sld [smem:$0x3F98]  }
0x1a: {  	s8 =	sadd.s32 $0xFFFFE003, lr  }
0x1b: {  	s9 =	sadd.s32 $0xFFFFFEF7, lr;
	s5 =	simm.s32 $0xFFFFFFFF;
	p2 =	slt.u32 s8, $0xFFFFF086  }
0x1c: {  	p1 =	slt.u32 s9, $0xF7A;
	s5 =	simm.s32 @!p2 $0x0  }
0x1d: {  	s5 =	simm.s32 @p1 $0x1;
	p0 =	seq.s32 s7, s2  }
0x1e: {  	s7 =	smul.u32 @!p0 $0xF7A, s2;
	p2 =	seq.s32 @!p0 s5, $0x0  }
0x1f: {  	s9 =	smul.u32 $0xF7A, s1;
	s8 =	simm.s32 @!p0 $0x1BF5;
	p2 =	por !p2, p0  }
0x20: {  	[sflag:s8] =	ssyncset.s32 @!p0 $0xFFFFF086;
	s6 =	sadd.s32 @!p0 s3, s7;
	s7 =	simm.s32 @!p0 $0x108  }
0x21: {  	s3 =	sadd.s32 s3, s9;
	s6 =	sadd.s32 @!p0 $0x88, s6;
	s7 =	simm.s32 @p2 $0x1082  }
0x22: {  	[simem:s7], [sflag:s8] =	dma.local @!p0 [hbm:s6], $0xF7A  }
0x23: {  	s9 =	sor.u32 $0xD0000000, s2;
	s6 =	simm.s32 $0x108;
	_ =	swait.ge @!p0 [sflag:s8], $0x0  }
0x24: {  	s3 =	sadd.s32 $0x88, s3;
	s6 =	simm.s32 @!p1 $0x1082;
	[sflag:s4] =	ssyncset.s32 $0xFFFFF086  }
0x25: {  	[simem:s6], [sflag:s4] =	dma.local [hbm:s3], $0xF7A  }
0x26: {  	[smem:$0x3F98] =	sst s1;
	(tag) =	ssettag s2;
	_ =	strace s9  }
0x27: {  	s1 =	sld [smem:$0x3FA8]  }
0x28: {  	s2 =	sld [smem:$0x3FA9]  }
0x29: {  	s4 =	sld [smem:$0x3FAB]  }
0x2a: {  	p0 =	seq.s32 s5, $0x0;
	s5 =	sld [smem:$0x3FAC]  }
0x2b: {  	s6 =	sld [smem:$0x3FAD]  }
0x2c: {  	s7 =	sld [smem:$0x3FAE]  }
0x2d: {  	s3 =	simm.s32 $0x108;
	s8 =	sld [smem:$0x3FAF]  }
0x2e: {  	s3 =	simm.s32 @!p0 $0x1082;
	s9 =	sld [smem:$0x3FB0]  }
0x2f: {  	lr =	sadd.s32 s0, s3;
	s0 =	sld [smem:$0x3FA7]  }
0x30: {  	s3 =	sld [smem:$0x3FAA]  }
0x31: {  	[smem:$0x3FB3] =	sst s10  }
0x32: {  	s10 =	sld [smem:$0x3FB1];
	_ =	sdelay $0x3  }
0x33: {  	p0 =	seq.s32 s10, $0x1;
	s10 =	sld [smem:$0x3FB3];
	_ =	sdelay $0x3  }
0x34: {  	[smem:$0x3FB3] =	sst s10  }
0x35: {  	s10 =	sld [smem:$0x3FB2];
	_ =	sdelay $0x3  }
0x36: {  	p1 =	seq.s32 s10, $0x1;
	s10 =	sld [smem:$0x3FB3];
	_ =	sdelay $0x3  }
0x37: {  	[smem:$0x3FB3] =	sst s10  }
0x38: {  	s10 =	sld [smem:$0x3FB4]  }
0x39: {  	_ = 	snop;
	(pc) =	sbr.ind lr, $3  }
0x3a: {  	_ = 	snop  }
0x3b: {  	_ = 	snop  }
0x3c: {  	p2 =	seq.s32 s10, $0x1;
	s10 =	sld [smem:$0x3FB3]  }
0x3d: {  	_ =	shalt  }
0x3e: {  	_ =	shalt  }
0x3f: {  	_ =	shalt  }
0x40: {  	_ =	shalt  }
0x41: {  	_ =	shalt  }
0x42: {  	_ =	shalt  }
0x43: {  	_ =	shalt  }
0x44: {  	_ =	shalt  }
0x45: {  	_ =	shalt  }
0x46: {  	_ =	shalt  }
0x47: {  	_ =	shalt  }
0x48: {  	_ =	shalt  }
0x49: {  	_ =	shalt  }
0x4a: {  	_ =	shalt  }
0x4b: {  	_ =	shalt  }
0x4c: {  	_ =	shalt  }
0x4d: {  	_ =	shalt  }
0x4e: {  	_ =	shalt  }
0x4f: {  	_ =	shalt  }
0x50: {  	_ =	shalt  }
0x51: {  	_ =	shalt  }
0x52: {  	_ =	shalt  }
0x53: {  	_ =	shalt  }
0x54: {  	_ =	shalt  }
0x55: {  	_ =	shalt  }
0x56: {  	_ =	shalt  }
0x57: {  	_ =	shalt  }
0x58: {  	_ =	shalt  }
0x59: {  	_ =	shalt  }
0x5a: {  	_ =	shalt  }
0x5b: {  	_ =	shalt  }
0x5c: {  	_ =	shalt  }
0x5d: {  	_ =	shalt  }
0x5e: {  	_ =	shalt  }
0x5f: {  	_ =	shalt  }
0x60: {  	_ =	shalt  }
0x61: {  	_ =	shalt  }
0x62: {  	_ =	shalt  }
0x63: {  	_ =	shalt  }
0x64: {  	_ =	shalt  }
0x65: {  	_ =	shalt  }
0x66: {  	_ =	shalt  }
0x67: {  	_ =	shalt  }
0x68: {  	_ =	shalt  }
0x69: {  	_ =	shalt  }
0x6a: {  	_ =	shalt  }
0x6b: {  	_ =	shalt  }
0x6c: {  	_ =	shalt  }
0x6d: {  	_ =	shalt  }
0x6e: {  	_ =	shalt  }
0x6f: {  	_ =	shalt  }
0x70: {  	_ =	shalt  }
0x71: {  	_ =	shalt  }
0x72: {  	_ =	shalt  }
0x73: {  	_ =	shalt  }
0x74: {  	_ =	shalt  }
0x75: {  	_ =	shalt  }
0x76: {  	_ =	shalt  }
0x77: {  	_ =	shalt  }
0x78: {  	_ =	shalt  }
0x79: {  	_ =	shalt  }
0x7a: {  	_ =	shalt  }
0x7b: {  	_ =	shalt  }
0x7c: {  	_ =	shalt  }
0x7d: {  	_ =	shalt  }
0x7e: {  	_ =	shalt  }
0x7f: {  	_ =	shalt  }
0x80: {  	_ =	shalt  }
0x81: {  	_ =	shalt  }
0x82: {  	_ =	shalt  }
0x83: {  	_ =	shalt  }
0x84: {  	_ =	shalt  }
0x85: {  	_ =	shalt  }
0x86: {  	_ =	shalt  }
0x87: {  	_ =	shalt  }
.Lfunc_end0:
.L_simem_size_0:
called_computation.1_lowered:
.L_overlay_start_0:
0x88: {  	s2 =	sld [smem:$0x3FD9]  }
0x89: {  	s3 =	sld [smem:$0x3FFE];
	_ =	sdelay $0x1  }
0x8a: {  	s1 =	srdreg.scid  }
0x8b: {  	s0 =	sand.u32 $0x1, s1  }
0x8c: {  	s17 =	sshll.u32 s0, $0xA;
	s2 =	sadd.s32 s3, s2  }
0x8d: {  	s2 =	sadd.s32 s2, s17  }
0x8e: {  	[smem:$0x3FBF] =	sst s2  }
0x8f: {  	_ = 	snop  }
0x90: {  	s2 =	sld [smem:$0x3FD0];
	(tm) =	ssettm $0x1  }
0x91: {  	s18 =	sld [smem:$0x3FFB];
	_ =	sdelay $0x3  }
0x92: {  	_ =	strace s18  }
0x93: {  	s3 =	sld [smem:$0x3FFC];
	_ =	sdelay $0x3  }
0x94: {  	_ =	strace s3  }
0x95: {  	s3 =	sld [smem:$0x3FFD];
	_ =	sdelay $0x3  }
0x96: {  	_ =	strace s3  }
0x97: {  	_ =	strace $0x8FFFFFFF  }
0x98: {  	s19 =	sld [smem:$0x3FDB];
	_ =	sdelay $0x1  }
0x99: {  	s4 =	simm.s32 $_scs_section_size  }
0x9a: {  	s5 =	simm.s32 $_size__tile_overlayer_lowered;
	s6 =	simm.s32 $_tile_overlayer_lowered  }
0x9b: {  	s22 =	simm.s32 $0x1BFF;
	s21 =	sshll.u32 s6, $0x1;
	s3 =	sadd.s32 s4, s19  }
0x9c: {  	s7 =	simm.s32 $0x0;
	s20 =	sshll.u32 s5, $0x1;
	s5 =	sadd.s32 s21, s3  }
0x9d: {  	[timem:s7], [sflag:s22] =	dma.local [hbm:s5], s20  }
0x9e: {  	_ =	swait.ge [sflag:s22], s20  }
0x9f: {  	s4 =	ssub.s32 $0x0, s20;
	[sflag:s22] =	ssyncset.done $0x0  }
0xa0: {  	[sflag:s22] =	ssyncadd.s32 s4;
	_ =	sdelay $0x1  }
0xa1: {  	s23 =	simm.s32 $0x1B8B  }
0xa2: {  	_ =	swait.ge [sflag:s23], $0x1  }
0xa3: {  	[sflag:s23] =	ssyncset.done $0x0  }
0xa4: {  	s25 =	simm.s32 $0x1B8E;
	s24 =	sld [smem:$0x3FFE];
	[sflag:s23] =	ssyncadd.s32 $0xFFFFFFFF  }
0xa5: {  	s26 =	simm.s32 $execute0_lowered;
	[smem:$0x3FD2] =	sst s25  }
0xa6: {  	s5 =	sshll.u32 s26, $0x1;
	_ =	strace $0x80000049;
	[dreg:$0x1] =	wrdreg $0xFFFFFFFF  }
0xa7: {  	s28 =	simm.s32 $_size_execute0_lowered;
	s3 =	sadd.s32 s3, s5;
	[dreg:$0x0] =	wrdreg $0x0  }
0xa8: {  	s5 =	sshll.u32 s28, $0x1;
	[dreg:$0x2] =	wrdreg s3  }
0xa9: {  	[dreg:$0x3] =	wrdreg s5  }
0xaa: {  	[dreg:$0x4] =	wrdreg $0xC0  }
0xab: {  	_ =	task [dreg:s7], $0x5FFFF  }
0xac: {  	[dreg:$0x1] =	wrdreg $0xFFFFFFFF  }
0xad: {  	[dreg:$0x0] =	wrdreg $0x60  }
0xae: {  	[dreg:$0x2] =	wrdreg s2  }
0xaf: {  	[dreg:$0x3] =	wrdreg s24  }
0xb0: {  	[dreg:$0x4] =	wrdreg $0x0  }
0xb1: {  	[dreg:$0x5] =	wrdreg $0x9  }
0xb2: {  	_ =	task.clear_ibuf [dreg:s7], $0x6FFFF;
	_ =	strace $0x90000049  }
0xb3: {  	s29 =	simm.s32 $0x9;
	_ =	strace $0x8000004B  }
0xb4: {  	_ =	swait.ge [sflag:s29], $0x1  }
0xb5: {  	[sflag:s29] =	ssyncadd.s32 $0xFFFFFFFF  }
0xb6: {  	_ =	strace $0x9000004B  }
0xb7: {  	_ =	sfence  }
0xb8: {  	s30 =	sld [smem:$0x0];
	_ =	sdelay $0x2  }
0xb9: {  	s31 =	sshll.u32 s1, $0xD;
	s1 =	sshrl.u32 s1, $0x2  }
0xba: {  	s3 =	sand.u32 $0x4000, s31;
	s1 =	sadd.s32 s1, s30  }
0xbb: {  	s0 =	sor.u32 s3, s0;
	s1 =	sshll.u32 s1, $0x11  }
0xbc: {  	s0 =	sor.u32 s1, s0  }
0xbd: {  	s0 =	sadd.s32 $0x8F2B, s0  }
0xbe: {  	[sflag:s0] =	ssyncadd.remote.s32 $0x1  }
0xbf: {  	_ =	sfence.sel $0xFFFF  }
0xc0: {  	[dreg:$0x0] =	wrdreg $0xFFFFFFFF;
	(pc) =	sbr.abs _section_cstart, $3  }
0xc1: {  	[dreg:$0x1] =	wrdreg $0xFFFFFFFF  }
0xc2: {  	_ =	task.clear_ibuf [dreg:s7], $0x2FFFF;
	_ =	strace $0x9FFFFFFF  }
0xc3: {  	(tm) =	ssettm $0x7FFFFFFF  }
tec
execute0_lowered:
.L_overlay_start_1:
0x0: {  	(tag) =	ssettag $0x1  }
0x1: {  	s1 =	rddreg [dreg:$0x0]  }
0x2: {  	s2 =	srdreg.scid;
	s6 =	rddreg [dreg:$0x1]  }
0x3: {  	s0 =	stileid.u32;
	s3 =	rddreg [dreg:$0x2];
	s4 =	simm.s32 $0x0  }
0x4: {  	s12 =	simm.s32 $0x4;
	s13 =	simm.s32 $0x3;
	s14 =	simm.s32 $0x80  }
0x5: {  	s15 =	simm.s32 $0x16800;
	s16 =	simm.s32 $0x16A00;
	s17 =	simm.s32 $0x16880  }
0x6: {  	s18 =	simm.s32 $0x1AA00;
	s19 =	simm.s32 $0x1;
	s20 =	simm.s32 $0x16900  }
0x7: {  	s21 =	simm.s32 $0x2;
	s22 =	simm.s32 $0x16980;
	s23 =	simm.s32 $0x0  }
0x8: {  	s5 =	sand.u32 $0x1, s2;
	s28 =	sshll.u32 s0, $0x1;
	s9 =	smul.u32 $0x14000, s0  }
0x9: {  	[smem:$0x7FF] =	sst s4;
	s11 =	smul.u32 $0x50000, s0;
	s31 =	sshll.u32 s0, $0x6  }
0xa: {  	s2 =	sor.u32 s5, s28;
	s8 =	smul.u32 $0x140000, s5;
	s29 =	ssub.s32 $0x2, s5  }
0xb: {  	s5 =	sadd.s32 $0xCE00, s6;
	s7 =	smul.u32 $0x500, s2;
	s2 =	rddreg [dreg:$0x3]  }
0xc: {  	_ =	strace $0x8000004A;
	s10 =	sshrl.u32 s29, $0x1;
	s30 =	sshrl.u32 s11, $0x2  }
0xd: {  	s8 =	sadd.s32 s9, s8;
	s9 =	ssub.s32 s29, s10;
	s11 =	sadd.s32 s30, s3  }
0xe: {  	s10 =	simm.s32 $0x14000;
	s7 =	sadd.s32 s7, s6;
	s8 =	sshrl.u32 s8, $0x3  }
0xf: {  	s9 =	smax.u32 s9, $0x1;
	s11 =	sshrl.u32 s11, $0x3;
	s8 =	sadd.s32 s8, s6  }
0x10: {  	s6 =	sadd.s32 $0x2E00, s7;
	s7 =	sor.u32 $0x1C04, s31;
	s8 =	sadd.s32 $0xF600, s8  }
.LBB2_1:
0x11: {  	[tilespmem:s10], [sflag:$0x3] =	stream.linear.gather [hbm4b:s6+s4], $0x2800, $0x38;
	[tilespmem:$0x1EA00] =	vst v63  }
0x12: {  	[spmem:s11], [sflag:s7] =	dma.local [hbm:s5], $0x2800  }
0x13: {  	_ =	swait.ge [sflag:s12], $0x2800  }
0x14: {  	[sflag:s12] =	ssyncset.done $0x0  }
0x15: {  	[sflag:s12] =	ssyncadd.s32 $0xFFFFD800  }
0x16: {  	_ =	swait.ge [sflag:s13], $0x2800  }
0x17: {  	[sflag:s13] =	ssyncset.done $0x0  }
0x18: {  	[sflag:s13] =	ssyncadd.s32 $0xFFFFD800  }
0x19: {  	[bflag:$0x0] =	sbarrier.arrive $0xFFFF  }
0x1a: {  	v0 =	vld [tilespmem:$0x14000];
	_ =	sdelay $0x1  }
0x1b: {  	v1 =	vld [tilespmem:$0x14010];
	_ =	sdelay $0x1  }
0x1c: {  	v2 =	vld [tilespmem:$0x14020]  }
0x1d: {  	v3 =	vshrl.u32 v0, $0xE  }
0x1e: {  	v6 =	vld [tilespmem:$0x14030];
	v0 =	vand.u32 $0x3FFF, v0;
	[tilespmem:$0x16800] =	vst v3  }
0x1f: {  	v7 =	vshrl.u32 v1, $0xE;
	[tilespmem:$0x16900] =	vst v0  }
0x20: {  	v9 =	vld [tilespmem:$0x14040];
	v8 =	vand.u32 $0x3FFF, v1;
	[tilespmem:$0x16810] =	vst v7  }
0x21: {  	v10 =	vshrl.u32 v2, $0xE;
	[tilespmem:$0x16910] =	vst v8  }
0x22: {  	v12 =	vld [tilespmem:$0x14050];
	v11 =	vand.u32 $0x3FFF, v2;
	[tilespmem:$0x16820] =	vst v10  }
0x23: {  	v13 =	vshrl.u32 v6, $0xE;
	[tilespmem:$0x16920] =	vst v11  }
0x24: {  	v15 =	vld [tilespmem:$0x14060];
	v14 =	vand.u32 $0x3FFF, v6;
	[tilespmem:$0x16830] =	vst v13  }
0x25: {  	v16 =	vshrl.u32 v9, $0xE;
	[tilespmem:$0x16930] =	vst v14  }
0x26: {  	v18 =	vld [tilespmem:$0x14070];
	v17 =	vand.u32 $0x3FFF, v9;
	[tilespmem:$0x16840] =	vst v16  }
0x27: {  	v19 =	vshrl.u32 v12, $0xE;
	[tilespmem:$0x16940] =	vst v17  }
0x28: {  	v20 =	vand.u32 $0x3FFF, v12;
	[tilespmem:$0x16850] =	vst v19  }
0x29: {  	v21 =	vshrl.u32 v15, $0xE;
	[tilespmem:$0x16950] =	vst v20  }
0x2a: {  	v22 =	vand.u32 $0x3FFF, v15;
	[tilespmem:$0x16860] =	vst v21  }
0x2b: {  	v23 =	vshrl.u32 v18, $0xE;
	[tilespmem:$0x16960] =	vst v22  }
0x2c: {  	v24 =	vand.u32 $0x3FFF, v18;
	[tilespmem:$0x16870] =	vst v23  }
0x2d: {  	[tilespmem:$0x16970] =	vst v24  }
0x2e: {  	[tilespmem:s16], [sflag:$0x1] =	stream.indirect.gather [hbm4b:s1+s14], $0x80, s15, s14, $0xb8;
	[tilespmem:$0x1EA00] =	vst v63  }
0x2f: {  	v25 =	vld [tilespmem:$0x14080];
	_ =	sdelay $0x1  }
0x30: {  	v26 =	vld [tilespmem:$0x14090];
	_ =	sdelay $0x1  }
0x31: {  	v27 =	vld [tilespmem:$0x140A0]  }
0x32: {  	v28 =	vshrl.u32 v25, $0xE  }
0x33: {  	v29 =	vld [tilespmem:$0x140B0];
	v0 =	vand.u32 $0x3FFF, v25;
	[tilespmem:$0x16880] =	vst v28  }
0x34: {  	v30 =	vshrl.u32 v26, $0xE;
	[tilespmem:$0x16980] =	vst v0  }
0x35: {  	v32 =	vld [tilespmem:$0x140C0];
	v31 =	vand.u32 $0x3FFF, v26;
	[tilespmem:$0x16890] =	vst v30  }
0x36: {  	v33 =	vshrl.u32 v27, $0xE;
	[tilespmem:$0x16990] =	vst v31  }
0x37: {  	v35 =	vld [tilespmem:$0x140D0];
	v34 =	vand.u32 $0x3FFF, v27;
	[tilespmem:$0x168A0] =	vst v33  }
0x38: {  	v36 =	vshrl.u32 v29, $0xE;
	[tilespmem:$0x169A0] =	vst v34  }
0x39: {  	v38 =	vld [tilespmem:$0x140E0];
	v37 =	vand.u32 $0x3FFF, v29;
	[tilespmem:$0x168B0] =	vst v36  }
0x3a: {  	v39 =	vshrl.u32 v32, $0xE;
	[tilespmem:$0x169B0] =	vst v37  }
0x3b: {  	v41 =	vld [tilespmem:$0x140F0];
	v40 =	vand.u32 $0x3FFF, v32;
	[tilespmem:$0x168C0] =	vst v39  }
0x3c: {  	v42 =	vshrl.u32 v35, $0xE;
	[tilespmem:$0x169C0] =	vst v40  }
0x3d: {  	v43 =	vand.u32 $0x3FFF, v35;
	[tilespmem:$0x168D0] =	vst v42  }
0x3e: {  	v44 =	vshrl.u32 v38, $0xE;
	[tilespmem:$0x169D0] =	vst v43  }
0x3f: {  	v45 =	vand.u32 $0x3FFF, v38;
	[tilespmem:$0x168E0] =	vst v44  }
0x40: {  	v46 =	vshrl.u32 v41, $0xE;
	[tilespmem:$0x169E0] =	vst v45  }
0x41: {  	v47 =	vand.u32 $0x3FFF, v41;
	[tilespmem:$0x168F0] =	vst v46  }
0x42: {  	[tilespmem:$0x169F0] =	vst v47  }
0x43: {  	[tilespmem:s18], [sflag:$0x2] =	stream.indirect.gather [hbm4b:s1+s14], $0x80, s17, s14, $0xb8;
	[tilespmem:$0x1EA00] =	vst v63  }
0x44: {  	_ =	swait.ge [sflag:s19], $0x4000  }
0x45: {  	[sflag:s19] =	ssyncset.done $0x0  }
0x46: {  	[sflag:s19] =	ssyncadd.s32 $0xFFFFC000  }
0x47: {  	[spmem:s3] =	stream.indirect.scatter.add.f32 [tilespmem:s16], [sflag:$0x4], $0x80, s20, s14, $0xb8;
	[tilespmem:$0x1EA00] =	vst v63  }
0x48: {  	_ =	swait.ge [sflag:s12], $0x4000  }
0x49: {  	[sflag:s12] =	ssyncset.done $0x0  }
0x4a: {  	s24 =	simm.s32 $0x1F0;
	[sflag:s12] =	ssyncadd.s32 $0xFFFFC000  }
0x4b: {  	v48 =	vld [tilespmem:s24+$0x13F10];
	_ =	sdelay $0x4  }
0x4c: {  	v49 =	vshrl.u32 v48, $0xE  }
0x4d: {  	v0 =	vand.u32 $0x3FFF, v48;
	[tilespmem:$0x16800] =	vst v49  }
0x4e: {  	[tilespmem:$0x16900] =	vst v0  }
0x4f: {  	v0 =	vld [tilespmem:s24+$0x13F20];
	_ =	sdelay $0x4  }
0x50: {  	v50 =	vshrl.u32 v0, $0xE  }
0x51: {  	v0 =	vand.u32 $0x3FFF, v0;
	[tilespmem:$0x16810] =	vst v50  }
0x52: {  	[tilespmem:$0x16910] =	vst v0  }
0x53: {  	v0 =	vld [tilespmem:s24+$0x13F30];
	_ =	sdelay $0x4  }
0x54: {  	v51 =	vshrl.u32 v0, $0xE  }
0x55: {  	v0 =	vand.u32 $0x3FFF, v0;
	[tilespmem:$0x16820] =	vst v51  }
0x56: {  	[tilespmem:$0x16920] =	vst v0  }
0x57: {  	v0 =	vld [tilespmem:s24+$0x13F40];
	_ =	sdelay $0x4  }
0x58: {  	v52 =	vshrl.u32 v0, $0xE  }
0x59: {  	v0 =	vand.u32 $0x3FFF, v0;
	[tilespmem:$0x16830] =	vst v52  }
0x5a: {  	[tilespmem:$0x16930] =	vst v0  }
0x5b: {  	v0 =	vld [tilespmem:s24+$0x13F50];
	_ =	sdelay $0x4  }
0x5c: {  	v53 =	vshrl.u32 v0, $0xE  }
0x5d: {  	v0 =	vand.u32 $0x3FFF, v0;
	[tilespmem:$0x16840] =	vst v53  }
0x5e: {  	[tilespmem:$0x16940] =	vst v0  }
0x5f: {  	v0 =	vld [tilespmem:s24+$0x13F60];
	_ =	sdelay $0x4  }
0x60: {  	v54 =	vshrl.u32 v0, $0xE  }
0x61: {  	v0 =	vand.u32 $0x3FFF, v0;
	[tilespmem:$0x16850] =	vst v54  }
0x62: {  	[tilespmem:$0x16950] =	vst v0  }
0x63: {  	v0 =	vld [tilespmem:s24+$0x13F70];
	_ =	sdelay $0x4  }
0x64: {  	v55 =	vshrl.u32 v0, $0xE  }
0x65: {  	v0 =	vand.u32 $0x3FFF, v0;
	[tilespmem:$0x16860] =	vst v55  }
0x66: {  	[tilespmem:$0x16960] =	vst v0  }
0x67: {  	v0 =	vld [tilespmem:s24+$0x13F80];
	_ =	sdelay $0x4  }
0x68: {  	v56 =	vshrl.u32 v0, $0xE  }
0x69: {  	v0 =	vand.u32 $0x3FFF, v0;
	[tilespmem:$0x16870] =	vst v56  }
0x6a: {  	[tilespmem:$0x16970] =	vst v0  }
0x6b: {  	[tilespmem:s16], [sflag:$0x1] =	stream.indirect.gather [hbm4b:s1+s14], $0x80, s15, s14, $0xb8;
	[tilespmem:$0x1EA00] =	vst v63  }
0x6c: {  	_ =	swait.ge [sflag:s21], $0x4000  }
0x6d: {  	[sflag:s21] =	ssyncset.done $0x0  }
0x6e: {  	[sflag:s21] =	ssyncadd.s32 $0xFFFFC000  }
0x6f: {  	[spmem:s3] =	stream.indirect.scatter.add.f32 [tilespmem:s18], [sflag:$0x4], $0x80, s22, s14, $0xb8;
	[tilespmem:$0x1EA00] =	vst v63  }
0x70: {  	_ =	swait.ge [sflag:s12], $0x4000  }
0x71: {  	[sflag:s12] =	ssyncset.done $0x0  }
0x72: {  	[sflag:s12] =	ssyncadd.s32 $0xFFFFC000  }
0x73: {  	v57 =	vld [tilespmem:s24+$0x13F90];
	_ =	sdelay $0x4  }
0x74: {  	v58 =	vshrl.u32 v57, $0xE  }
0x75: {  	v0 =	vand.u32 $0x3FFF, v57;
	[tilespmem:$0x16880] =	vst v58  }
0x76: {  	[tilespmem:$0x16980] =	vst v0  }
0x77: {  	v0 =	vld [tilespmem:s24+$0x13FA0];
	_ =	sdelay $0x4  }
0x78: {  	v59 =	vshrl.u32 v0, $0xE  }
0x79: {  	v0 =	vand.u32 $0x3FFF, v0;
	[tilespmem:$0x16890] =	vst v59  }
0x7a: {  	[tilespmem:$0x16990] =	vst v0  }
0x7b: {  	v0 =	vld [tilespmem:s24+$0x13FB0];
	_ =	sdelay $0x4  }
0x7c: {  	v60 =	vshrl.u32 v0, $0xE  }
0x7d: {  	v0 =	vand.u32 $0x3FFF, v0;
	[tilespmem:$0x168A0] =	vst v60  }
0x7e: {  	[tilespmem:$0x169A0] =	vst v0  }
0x7f: {  	v0 =	vld [tilespmem:s24+$0x13FC0];
	_ =	sdelay $0x4  }
0x80: {  	v61 =	vshrl.u32 v0, $0xE  }
0x81: {  	v0 =	vand.u32 $0x3FFF, v0;
	[tilespmem:$0x168B0] =	vst v61  }
0x82: {  	[tilespmem:$0x169B0] =	vst v0  }
0x83: {  	v0 =	vld [tilespmem:s24+$0x13FD0];
	_ =	sdelay $0x4  }
0x84: {  	v62 =	vshrl.u32 v0, $0xE  }
0x85: {  	v0 =	vand.u32 $0x3FFF, v0;
	[tilespmem:$0x168C0] =	vst v62  }
0x86: {  	[tilespmem:$0x169C0] =	vst v0  }
0x87: {  	v0 =	vld [tilespmem:s24+$0x13FE0];
	_ =	sdelay $0x4  }
0x88: {  	v63 =	vshrl.u32 v0, $0xE  }
0x89: {  	v0 =	vand.u32 $0x3FFF, v0;
	[tilespmem:$0x168D0] =	vst v63  }
0x8a: {  	s25 =	simm.s32 $0xBC0;
	[tilespmem:$0x169D0] =	vst v0  }
.LBB2_2:
0x8b: {  	p0 =	sne.s32 s25, $0x9FC0;
	v0 =	vld [tilespmem:s24+$0x13FF0];
	s26 =	smov.u32 s25;
	s25 =	sadd.s32 $0x400, s25  }
0x8c: {  	_ =	sdelay $0x3  }
0x8d: {  	v1 =	vshrl.u32 v0, $0xE;
	v0 =	vand.u32 $0x3FFF, v0  }
0x8e: {  	[tilespmem:$0x168E0] =	vst v1  }
0x8f: {  	[tilespmem:$0x169E0] =	vst v0  }
0x90: {  	v0 =	vld [tilespmem:s24+$0x14000];
	_ =	sdelay $0x4  }
0x91: {  	v1 =	vshrl.u32 v0, $0xE;
	v0 =	vand.u32 $0x3FFF, v0  }
0x92: {  	[tilespmem:$0x168F0] =	vst v1  }
0x93: {  	[tilespmem:$0x169F0] =	vst v0  }
0x94: {  	[tilespmem:s18], [sflag:$0x2] =	stream.indirect.gather [hbm4b:s1+s14], $0x80, s17, s14, $0xb8;
	[tilespmem:$0x1EA00] =	vst v63  }
0x95: {  	_ =	swait.ge [sflag:s19], $0x4000  }
0x96: {  	[sflag:s19] =	ssyncset.done $0x0  }
0x97: {  	[sflag:s19] =	ssyncadd.s32 $0xFFFFC000  }
0x98: {  	[spmem:s3] =	stream.indirect.scatter.add.f32 [tilespmem:s16], [sflag:$0x4], $0x80, s20, s14, $0xb8;
	[tilespmem:$0x1EA00] =	vst v63  }
0x99: {  	_ =	swait.ge [sflag:s12], $0x4000  }
0x9a: {  	[sflag:s12] =	ssyncset.done $0x0  }
0x9b: {  	s24 =	sshra.s32 s26, $0x2;
	[sflag:s12] =	ssyncadd.s32 $0xFFFFC000  }
0x9c: {  	v0 =	vld [tilespmem:s24+$0x13F10];
	_ =	sdelay $0x4  }
0x9d: {  	v1 =	vshrl.u32 v0, $0xE;
	v0 =	vand.u32 $0x3FFF, v0  }
0x9e: {  	[tilespmem:$0x16800] =	vst v1  }
0x9f: {  	[tilespmem:$0x16900] =	vst v0  }
0xa0: {  	v0 =	vld [tilespmem:s24+$0x13F20];
	_ =	sdelay $0x4  }
0xa1: {  	v1 =	vshrl.u32 v0, $0xE;
	v0 =	vand.u32 $0x3FFF, v0  }
0xa2: {  	[tilespmem:$0x16810] =	vst v1  }
0xa3: {  	[tilespmem:$0x16910] =	vst v0  }
0xa4: {  	v0 =	vld [tilespmem:s24+$0x13F30];
	_ =	sdelay $0x4  }
0xa5: {  	v1 =	vshrl.u32 v0, $0xE;
	v0 =	vand.u32 $0x3FFF, v0  }
0xa6: {  	[tilespmem:$0x16820] =	vst v1  }
0xa7: {  	[tilespmem:$0x16920] =	vst v0  }
0xa8: {  	v0 =	vld [tilespmem:s24+$0x13F40];
	_ =	sdelay $0x4  }
0xa9: {  	v1 =	vshrl.u32 v0, $0xE;
	v0 =	vand.u32 $0x3FFF, v0  }
0xaa: {  	[tilespmem:$0x16830] =	vst v1  }
0xab: {  	[tilespmem:$0x16930] =	vst v0  }
0xac: {  	v0 =	vld [tilespmem:s24+$0x13F50];
	_ =	sdelay $0x4  }
0xad: {  	v1 =	vshrl.u32 v0, $0xE;
	v0 =	vand.u32 $0x3FFF, v0  }
0xae: {  	[tilespmem:$0x16840] =	vst v1  }
0xaf: {  	[tilespmem:$0x16940] =	vst v0  }
0xb0: {  	v0 =	vld [tilespmem:s24+$0x13F60];
	_ =	sdelay $0x4  }
0xb1: {  	v1 =	vshrl.u32 v0, $0xE;
	v0 =	vand.u32 $0x3FFF, v0  }
0xb2: {  	[tilespmem:$0x16850] =	vst v1  }
0xb3: {  	[tilespmem:$0x16950] =	vst v0  }
0xb4: {  	v0 =	vld [tilespmem:s24+$0x13F70];
	_ =	sdelay $0x4  }
0xb5: {  	v1 =	vshrl.u32 v0, $0xE;
	v0 =	vand.u32 $0x3FFF, v0  }
0xb6: {  	[tilespmem:$0x16860] =	vst v1  }
0xb7: {  	[tilespmem:$0x16960] =	vst v0  }
0xb8: {  	v0 =	vld [tilespmem:s24+$0x13F80];
	_ =	sdelay $0x4  }
0xb9: {  	v1 =	vshrl.u32 v0, $0xE;
	v0 =	vand.u32 $0x3FFF, v0  }
0xba: {  	[tilespmem:$0x16870] =	vst v1  }
0xbb: {  	[tilespmem:$0x16970] =	vst v0  }
0xbc: {  	[tilespmem:s16], [sflag:$0x1] =	stream.indirect.gather [hbm4b:s1+s14], $0x80, s15, s14, $0xb8;
	[tilespmem:$0x1EA00] =	vst v63  }
0xbd: {  	_ =	swait.ge [sflag:s21], $0x4000  }
0xbe: {  	[sflag:s21] =	ssyncset.done $0x0  }
0xbf: {  	[sflag:s21] =	ssyncadd.s32 $0xFFFFC000  }
0xc0: {  	[spmem:s3] =	stream.indirect.scatter.add.f32 [tilespmem:s18], [sflag:$0x4], $0x80, s22, s14, $0xb8;
	[tilespmem:$0x1EA00] =	vst v63  }
0xc1: {  	_ =	swait.ge [sflag:s12], $0x4000  }
0xc2: {  	[sflag:s12] =	ssyncset.done $0x0  }
0xc3: {  	[sflag:s12] =	ssyncadd.s32 $0xFFFFC000  }
0xc4: {  	v0 =	vld [tilespmem:s24+$0x13F90];
	_ =	sdelay $0x4  }
0xc5: {  	v1 =	vshrl.u32 v0, $0xE;
	v0 =	vand.u32 $0x3FFF, v0  }
0xc6: {  	[tilespmem:$0x16880] =	vst v1  }
0xc7: {  	[tilespmem:$0x16980] =	vst v0  }
0xc8: {  	v0 =	vld [tilespmem:s24+$0x13FA0];
	_ =	sdelay $0x4  }
0xc9: {  	v1 =	vshrl.u32 v0, $0xE;
	v0 =	vand.u32 $0x3FFF, v0  }
0xca: {  	[tilespmem:$0x16890] =	vst v1  }
0xcb: {  	[tilespmem:$0x16990] =	vst v0  }
0xcc: {  	v0 =	vld [tilespmem:s24+$0x13FB0];
	_ =	sdelay $0x4  }
0xcd: {  	v1 =	vshrl.u32 v0, $0xE;
	v0 =	vand.u32 $0x3FFF, v0  }
0xce: {  	[tilespmem:$0x168A0] =	vst v1  }
0xcf: {  	[tilespmem:$0x169A0] =	vst v0  }
0xd0: {  	v0 =	vld [tilespmem:s24+$0x13FC0];
	_ =	sdelay $0x4  }
0xd1: {  	v1 =	vshrl.u32 v0, $0xE;
	v0 =	vand.u32 $0x3FFF, v0  }
0xd2: {  	[tilespmem:$0x168B0] =	vst v1  }
0xd3: {  	[tilespmem:$0x169B0] =	vst v0  }
0xd4: {  	v0 =	vld [tilespmem:s24+$0x13FD0];
	_ =	sdelay $0x4  }
0xd5: {  	v1 =	vshrl.u32 v0, $0xE;
	v0 =	vand.u32 $0x3FFF, v0  }
0xd6: {  	[tilespmem:$0x168C0] =	vst v1  }
0xd7: {  	[tilespmem:$0x169C0] =	vst v0  }
0xd8: {  	v0 =	vld [tilespmem:s24+$0x13FE0];
	_ =	sdelay $0x2  }
.Ltmp0:
0xd9: {  	(pc) =	sbr.rel @p0 .LBB2_2-.Ltmp0, $4  }
0xda: {  	_ = 	snop  }
0xdb: {  	v1 =	vshrl.u32 v0, $0xE;
	v0 =	vand.u32 $0x3FFF, v0  }
0xdc: {  	[tilespmem:$0x168D0] =	vst v1  }
0xdd: {  	[tilespmem:$0x169D0] =	vst v0  }
0xde: {  	v0 =	vld [tilespmem:s24+$0x13FF0];
	_ =	sdelay $0x4  }
0xdf: {  	v1 =	vshrl.u32 v0, $0xE  }
0xe0: {  	v0 =	vand.u32 $0x3FFF, v0;
	[tilespmem:$0x168E0] =	vst v1  }
0xe1: {  	[tilespmem:$0x169E0] =	vst v0  }
0xe2: {  	v0 =	vld [tilespmem:s24+$0x14000];
	_ =	sdelay $0x4  }
0xe3: {  	v63 =	vshrl.u32 v0, $0xE  }
0xe4: {  	v0 =	vand.u32 $0x3FFF, v0;
	[tilespmem:$0x168F0] =	vst v63  }
0xe5: {  	[tilespmem:$0x169F0] =	vst v0  }
0xe6: {  	[tilespmem:s18], [sflag:$0x2] =	stream.indirect.gather [hbm4b:s1+s14], $0x80, s17, s14, $0xb8;
	[tilespmem:$0x1EA00] =	vst v63  }
0xe7: {  	_ =	swait.ge [sflag:s19], $0x4000  }
0xe8: {  	[sflag:s19] =	ssyncset.done $0x0  }
0xe9: {  	[sflag:s19] =	ssyncadd.s32 $0xFFFFC000  }
0xea: {  	[spmem:s3] =	stream.indirect.scatter.add.f32 [tilespmem:s16], [sflag:$0x4], $0x80, s20, s14, $0xb8;
	[tilespmem:$0x1EA00] =	vst v63  }
0xeb: {  	_ =	swait.ge [sflag:s12], $0x4000  }
0xec: {  	[sflag:s12] =	ssyncset.done $0x0  }
0xed: {  	[sflag:s12] =	ssyncadd.s32 $0xFFFFC000  }
0xee: {  	_ =	swait.ge [sflag:s21], $0x4000  }
0xef: {  	[sflag:s21] =	ssyncset.done $0x0  }
0xf0: {  	[sflag:s21] =	ssyncadd.s32 $0xFFFFC000  }
0xf1: {  	[spmem:s3] =	stream.indirect.scatter.add.f32 [tilespmem:s18], [sflag:$0x4], $0x80, s22, s14, $0xb8;
	[tilespmem:$0x1EA00] =	vst v63  }
0xf2: {  	_ =	swait.ge [sflag:s12], $0x4000  }
0xf3: {  	s23 =	sadd.s32 $0x1, s23;
	[sflag:s12] =	ssyncset.done $0x0  }
0xf4: {  	p0 =	sne.s32 s23, s9;
	[sflag:s12] =	ssyncadd.s32 $0xFFFFC000  }
.Ltmp1:
0xf5: {  	[bflag:$0x0] =	sbarrier.arrive $0xFFFF;
	(pc) =	sbr.rel @p0 .LBB2_1-.Ltmp1, $4  }
0xf6: {  	[hbm:s8], [sflag:s7] =	dma.local [spmem:s11], $0x2800  }
0xf7: {  	_ =	swait.ge [sflag:s12], $0x2800  }
0xf8: {  	[sflag:s12] =	ssyncset.done $0x0  }
0xf9: {  	[sflag:s12] =	ssyncadd.s32 $0xFFFFD800  }
0xfa: {  	_ =	sfence.sel $0x180000  }
0xfb: {  	[bflag:$0x0] =	sbarrier.arrive $0xFFFF  }
0xfc: {  	p0 =	sne.s32 s0, $0x0;
	_ =	strace $0x9000004A  }
0xfd: {  	s0 =	sadd.s32 @!p0 $0x100000, s2;
	[bflag:$0x2] =	sbarrier.arrive $0xFFFF  }
0xfe: {  	[sflag:s0] =	ssyncadd.tile.s32 @!p0 $0x1;
	_ =	shalt  }
.Lfunc_end2:
_tile_overlayer_lowered:
.L_overlay_start_2:
0xff: {  	(tag) =	ssettag $0x2  }
0x100: {  	s0 =	rddreg [dreg:$0x0];
	s2 =	stileid.u32  }
0x101: {  	s1 =	rddreg [dreg:$0x1];
	p0 =	sne.s32 s2, $0x0  }
0x102: {  	s3 =	rddreg [dreg:$0x2];
	[bflag:$0x3] =	sbarrier.arrive $0xFFFF;
	s2 =	simm.s32 @!p0 $0x1C04  }
0x103: {  	[timem:s3], [sflag:s2] =	dma.local @!p0 [hbm:s0], s1  }
0x104: {  	s0 =	simm.s32 @!p0 $0x4  }
0x105: {  	_ =	swait.ge @!p0 [sflag:s0], s1  }
0x106: {  	s1 =	ssub.s32 @!p0 $0x0, s1;
	[sflag:s0] =	ssyncset.done @!p0 $0x0  }
0x107: {  	[sflag:s0] =	ssyncadd.s32 @!p0 s1  }
0x108: {  	[bflag:$0x3] =	sbarrier.arrive $0xFFFF  }
0x109: {  	_ =	shalt  }

// kernel: sc_seg_sum_deg.3.cloned.1.call-start
scs
__scs_entry_jumppad:
0x0: {  	(pc) =	sbr.rel $0x88, $3  }
0x1: {  	(tag) =	ssettag $0x0;
	lr =	simm.s32 $0x1  }
0x2: {  	[smem:$0x3F98] =	sst lr;
	_ =	strace $0xD0000000  }
0x3: {  	_ = 	snop  }
0x4: {  	_ = 	snop  }
0x5: {  	_ = 	snop  }
0x6: {  	_ = 	snop  }
0x7: {  	_ = 	snop  }
__scs_overlays_trampoline_lowered:
0x8: {  	[smem:$0x3FA7] =	sst s0  }
0x9: {  	[smem:$0x3FA8] =	sst s1  }
0xa: {  	[smem:$0x3FA9] =	sst s2  }
0xb: {  	[smem:$0x3FAA] =	sst s3  }
0xc: {  	[smem:$0x3FAB] =	sst s4  }
0xd: {  	[smem:$0x3FAC] =	sst s5  }
0xe: {  	[smem:$0x3FAD] =	sst s6  }
0xf: {  	[smem:$0x3FAE] =	sst s7  }
0x10: {  	[smem:$0x3FAF] =	sst s8  }
0x11: {  	[smem:$0x3FB0] =	sst s9;
	s0 =	simm.s32 @!p0 $0x0  }
0x12: {  	s1 =	sld [smem:$0x3F96];
	s0 =	simm.s32 @p0 $0x1  }
0x13: {  	[smem:$0x3FB1] =	sst s0;
	s0 =	simm.s32 @!p1 $0x0  }
0x14: {  	s2 =	sld [smem:$0x3F95];
	s0 =	simm.s32 @p1 $0x1  }
0x15: {  	[smem:$0x3FB2] =	sst s0;
	s0 =	simm.s32 @!p2 $0x0  }
0x16: {  	s3 =	sld [smem:$0x3FDB];
	s0 =	simm.s32 @p2 $0x1  }
0x17: {  	s4 =	simm.s32 $0x1BF5;
	[smem:$0x3FB4] =	sst s0  }
0x18: {  	s0 =	sld [smem:$0x3F97];
	_ =	swait.ge [sflag:s4], $0x0  }
0x19: {  	s7 =	sld [smem:$0x3F98]  }
0x1a: {  	s8 =	sadd.s32 $0xFFFFE003, lr  }
0x1b: {  	s9 =	sadd.s32 $0xFFFFFEF7, lr;
	s5 =	simm.s32 $0xFFFFFFFF;
	p2 =	slt.u32 s8, $0xFFFFF086  }
0x1c: {  	p1 =	slt.u32 s9, $0xF7A;
	s5 =	simm.s32 @!p2 $0x0  }
0x1d: {  	s5 =	simm.s32 @p1 $0x1;
	p0 =	seq.s32 s7, s2  }
0x1e: {  	s7 =	smul.u32 @!p0 $0xF7A, s2;
	p2 =	seq.s32 @!p0 s5, $0x0  }
0x1f: {  	s9 =	smul.u32 $0xF7A, s1;
	s8 =	simm.s32 @!p0 $0x1BF5;
	p2 =	por !p2, p0  }
0x20: {  	[sflag:s8] =	ssyncset.s32 @!p0 $0xFFFFF086;
	s6 =	sadd.s32 @!p0 s3, s7;
	s7 =	simm.s32 @!p0 $0x108  }
0x21: {  	s3 =	sadd.s32 s3, s9;
	s6 =	sadd.s32 @!p0 $0x88, s6;
	s7 =	simm.s32 @p2 $0x1082  }
0x22: {  	[simem:s7], [sflag:s8] =	dma.local @!p0 [hbm:s6], $0xF7A  }
0x23: {  	s9 =	sor.u32 $0xD0000000, s2;
	s6 =	simm.s32 $0x108;
	_ =	swait.ge @!p0 [sflag:s8], $0x0  }
0x24: {  	s3 =	sadd.s32 $0x88, s3;
	s6 =	simm.s32 @!p1 $0x1082;
	[sflag:s4] =	ssyncset.s32 $0xFFFFF086  }
0x25: {  	[simem:s6], [sflag:s4] =	dma.local [hbm:s3], $0xF7A  }
0x26: {  	[smem:$0x3F98] =	sst s1;
	(tag) =	ssettag s2;
	_ =	strace s9  }
0x27: {  	s1 =	sld [smem:$0x3FA8]  }
0x28: {  	s2 =	sld [smem:$0x3FA9]  }
0x29: {  	s4 =	sld [smem:$0x3FAB]  }
0x2a: {  	p0 =	seq.s32 s5, $0x0;
	s5 =	sld [smem:$0x3FAC]  }
0x2b: {  	s6 =	sld [smem:$0x3FAD]  }
0x2c: {  	s7 =	sld [smem:$0x3FAE]  }
0x2d: {  	s3 =	simm.s32 $0x108;
	s8 =	sld [smem:$0x3FAF]  }
0x2e: {  	s3 =	simm.s32 @!p0 $0x1082;
	s9 =	sld [smem:$0x3FB0]  }
0x2f: {  	lr =	sadd.s32 s0, s3;
	s0 =	sld [smem:$0x3FA7]  }
0x30: {  	s3 =	sld [smem:$0x3FAA]  }
0x31: {  	[smem:$0x3FB3] =	sst s10  }
0x32: {  	s10 =	sld [smem:$0x3FB1];
	_ =	sdelay $0x3  }
0x33: {  	p0 =	seq.s32 s10, $0x1;
	s10 =	sld [smem:$0x3FB3];
	_ =	sdelay $0x3  }
0x34: {  	[smem:$0x3FB3] =	sst s10  }
0x35: {  	s10 =	sld [smem:$0x3FB2];
	_ =	sdelay $0x3  }
0x36: {  	p1 =	seq.s32 s10, $0x1;
	s10 =	sld [smem:$0x3FB3];
	_ =	sdelay $0x3  }
0x37: {  	[smem:$0x3FB3] =	sst s10  }
0x38: {  	s10 =	sld [smem:$0x3FB4]  }
0x39: {  	_ = 	snop;
	(pc) =	sbr.ind lr, $3  }
0x3a: {  	_ = 	snop  }
0x3b: {  	_ = 	snop  }
0x3c: {  	p2 =	seq.s32 s10, $0x1;
	s10 =	sld [smem:$0x3FB3]  }
0x3d: {  	_ =	shalt  }
0x3e: {  	_ =	shalt  }
0x3f: {  	_ =	shalt  }
0x40: {  	_ =	shalt  }
0x41: {  	_ =	shalt  }
0x42: {  	_ =	shalt  }
0x43: {  	_ =	shalt  }
0x44: {  	_ =	shalt  }
0x45: {  	_ =	shalt  }
0x46: {  	_ =	shalt  }
0x47: {  	_ =	shalt  }
0x48: {  	_ =	shalt  }
0x49: {  	_ =	shalt  }
0x4a: {  	_ =	shalt  }
0x4b: {  	_ =	shalt  }
0x4c: {  	_ =	shalt  }
0x4d: {  	_ =	shalt  }
0x4e: {  	_ =	shalt  }
0x4f: {  	_ =	shalt  }
0x50: {  	_ =	shalt  }
0x51: {  	_ =	shalt  }
0x52: {  	_ =	shalt  }
0x53: {  	_ =	shalt  }
0x54: {  	_ =	shalt  }
0x55: {  	_ =	shalt  }
0x56: {  	_ =	shalt  }
0x57: {  	_ =	shalt  }
0x58: {  	_ =	shalt  }
0x59: {  	_ =	shalt  }
0x5a: {  	_ =	shalt  }
0x5b: {  	_ =	shalt  }
0x5c: {  	_ =	shalt  }
0x5d: {  	_ =	shalt  }
0x5e: {  	_ =	shalt  }
0x5f: {  	_ =	shalt  }
0x60: {  	_ =	shalt  }
0x61: {  	_ =	shalt  }
0x62: {  	_ =	shalt  }
0x63: {  	_ =	shalt  }
0x64: {  	_ =	shalt  }
0x65: {  	_ =	shalt  }
0x66: {  	_ =	shalt  }
0x67: {  	_ =	shalt  }
0x68: {  	_ =	shalt  }
0x69: {  	_ =	shalt  }
0x6a: {  	_ =	shalt  }
0x6b: {  	_ =	shalt  }
0x6c: {  	_ =	shalt  }
0x6d: {  	_ =	shalt  }
0x6e: {  	_ =	shalt  }
0x6f: {  	_ =	shalt  }
0x70: {  	_ =	shalt  }
0x71: {  	_ =	shalt  }
0x72: {  	_ =	shalt  }
0x73: {  	_ =	shalt  }
0x74: {  	_ =	shalt  }
0x75: {  	_ =	shalt  }
0x76: {  	_ =	shalt  }
0x77: {  	_ =	shalt  }
0x78: {  	_ =	shalt  }
0x79: {  	_ =	shalt  }
0x7a: {  	_ =	shalt  }
0x7b: {  	_ =	shalt  }
0x7c: {  	_ =	shalt  }
0x7d: {  	_ =	shalt  }
0x7e: {  	_ =	shalt  }
0x7f: {  	_ =	shalt  }
0x80: {  	_ =	shalt  }
0x81: {  	_ =	shalt  }
0x82: {  	_ =	shalt  }
0x83: {  	_ =	shalt  }
0x84: {  	_ =	shalt  }
0x85: {  	_ =	shalt  }
0x86: {  	_ =	shalt  }
0x87: {  	_ =	shalt  }
.Lfunc_end0:
.L_simem_size_0:
called_computation_lowered:
.L_overlay_start_0:
0x88: {  	s2 =	sld [smem:$0x3FD9]  }
0x89: {  	s3 =	sld [smem:$0x3FFE];
	_ =	sdelay $0x1  }
0x8a: {  	s1 =	srdreg.scid  }
0x8b: {  	s0 =	sand.u32 $0x1, s1  }
0x8c: {  	s17 =	sshll.u32 s0, $0xA;
	s2 =	sadd.s32 s3, s2  }
0x8d: {  	s2 =	sadd.s32 s2, s17  }
0x8e: {  	[smem:$0x3FBF] =	sst s2  }
0x8f: {  	_ = 	snop  }
0x90: {  	s2 =	sld [smem:$0x3FD0];
	(tm) =	ssettm $0x1  }
0x91: {  	s18 =	sld [smem:$0x3FFB];
	_ =	sdelay $0x3  }
0x92: {  	_ =	strace s18  }
0x93: {  	s3 =	sld [smem:$0x3FFC];
	_ =	sdelay $0x3  }
0x94: {  	_ =	strace s3  }
0x95: {  	s3 =	sld [smem:$0x3FFD];
	_ =	sdelay $0x3  }
0x96: {  	_ =	strace s3  }
0x97: {  	_ =	strace $0x8FFFFFFF  }
0x98: {  	s19 =	sld [smem:$0x3FDB];
	_ =	sdelay $0x1  }
0x99: {  	s4 =	simm.s32 $_scs_section_size  }
0x9a: {  	s5 =	simm.s32 $_size__tile_overlayer_lowered;
	s6 =	simm.s32 $_tile_overlayer_lowered  }
0x9b: {  	s22 =	simm.s32 $0x1BFF;
	s21 =	sshll.u32 s6, $0x1;
	s3 =	sadd.s32 s4, s19  }
0x9c: {  	s7 =	simm.s32 $0x0;
	s20 =	sshll.u32 s5, $0x1;
	s5 =	sadd.s32 s21, s3  }
0x9d: {  	[timem:s7], [sflag:s22] =	dma.local [hbm:s5], s20  }
0x9e: {  	_ =	swait.ge [sflag:s22], s20  }
0x9f: {  	s4 =	ssub.s32 $0x0, s20;
	[sflag:s22] =	ssyncset.done $0x0  }
0xa0: {  	[sflag:s22] =	ssyncadd.s32 s4;
	_ =	sdelay $0x1  }
0xa1: {  	s23 =	simm.s32 $0x1B8B  }
0xa2: {  	_ =	swait.ge [sflag:s23], $0x1  }
0xa3: {  	[sflag:s23] =	ssyncset.done $0x0  }
0xa4: {  	s25 =	simm.s32 $0x1B8E;
	s24 =	sld [smem:$0x3FFE];
	[sflag:s23] =	ssyncadd.s32 $0xFFFFFFFF  }
0xa5: {  	s26 =	simm.s32 $execute0_lowered;
	[smem:$0x3FD2] =	sst s25  }
0xa6: {  	s5 =	sshll.u32 s26, $0x1;
	_ =	strace $0x80000046;
	[dreg:$0x1] =	wrdreg $0xFFFFFFFF  }
0xa7: {  	s28 =	simm.s32 $_size_execute0_lowered;
	s3 =	sadd.s32 s3, s5;
	[dreg:$0x0] =	wrdreg $0x0  }
0xa8: {  	s5 =	sshll.u32 s28, $0x1;
	[dreg:$0x2] =	wrdreg s3  }
0xa9: {  	[dreg:$0x3] =	wrdreg s5  }
0xaa: {  	[dreg:$0x4] =	wrdreg $0xC0  }
0xab: {  	_ =	task [dreg:s7], $0x5FFFF  }
0xac: {  	[dreg:$0x1] =	wrdreg $0xFFFFFFFF  }
0xad: {  	[dreg:$0x0] =	wrdreg $0x60  }
0xae: {  	[dreg:$0x2] =	wrdreg s2  }
0xaf: {  	[dreg:$0x3] =	wrdreg s24  }
0xb0: {  	[dreg:$0x4] =	wrdreg $0x0  }
0xb1: {  	[dreg:$0x5] =	wrdreg $0x140000  }
0xb2: {  	[dreg:$0x6] =	wrdreg $0x9  }
0xb3: {  	_ =	task.clear_ibuf [dreg:s7], $0x7FFFF;
	_ =	strace $0x90000046  }
0xb4: {  	s29 =	simm.s32 $0x9;
	_ =	strace $0x80000048  }
0xb5: {  	_ =	swait.ge [sflag:s29], $0x1  }
0xb6: {  	[sflag:s29] =	ssyncadd.s32 $0xFFFFFFFF  }
0xb7: {  	_ =	strace $0x90000048  }
0xb8: {  	_ =	sfence  }
0xb9: {  	s30 =	sld [smem:$0x0];
	_ =	sdelay $0x2  }
0xba: {  	s31 =	sshll.u32 s1, $0xD;
	s1 =	sshrl.u32 s1, $0x2  }
0xbb: {  	s3 =	sand.u32 $0x4000, s31;
	s1 =	sadd.s32 s1, s30  }
0xbc: {  	s0 =	sor.u32 s3, s0;
	s1 =	sshll.u32 s1, $0x11  }
0xbd: {  	s0 =	sor.u32 s1, s0  }
0xbe: {  	s0 =	sadd.s32 $0x8F2B, s0  }
0xbf: {  	[sflag:s0] =	ssyncadd.remote.s32 $0x1  }
0xc0: {  	_ =	sfence.sel $0xFFFF  }
0xc1: {  	[dreg:$0x0] =	wrdreg $0xFFFFFFFF;
	(pc) =	sbr.abs _section_cstart, $3  }
0xc2: {  	[dreg:$0x1] =	wrdreg $0xFFFFFFFF  }
0xc3: {  	_ =	task.clear_ibuf [dreg:s7], $0x2FFFF;
	_ =	strace $0x9FFFFFFF  }
0xc4: {  	(tm) =	ssettm $0x7FFFFFFF  }
0xc5: {  	_ =	shalt  }
tec
execute0_lowered:
.L_overlay_start_1:
0x0: {  	(tag) =	ssettag $0x1  }
0x1: {  	s0 =	rddreg [dreg:$0x0]  }
0x2: {  	s1 =	rddreg [dreg:$0x1]  }
0x3: {  	s3 =	rddreg [dreg:$0x2];
	s2 =	srdreg.scid  }
0x4: {  	s4 =	rddreg [dreg:$0x3];
	s5 =	stileid.u32;
	s9 =	simm.s32 $0x0  }
0x5: {  	s13 =	simm.s32 $0x14280;
	s15 =	simm.s32 $0x4;
	s16 =	simm.s32 $0x1ED00  }
0x6: {  	s17 =	simm.s32 $0x3;
	s18 =	simm.s32 $0x80;
	s19 =	simm.s32 $0x16A80  }
0x7: {  	s28 =	simm.s32 $0x16C00;
	s29 =	simm.s32 $0x20;
	s8 =	smul.u32 $0x14000, s5  }
0x8: {  	s30 =	simm.s32 $0x10;
	s31 =	simm.s32 $0x0;
	s21 =	smul.u32 $0x500, s5  }
0x9: {  	s2 =	sand.u32 $0x1, s2;
	s6 =	sshll.u32 s5, $0x1;
	s23 =	smul.u32 $0x50000, s5  }
0xa: {  	[smem:$0x7FF] =	sst s9;
	s12 =	smul.u32 $0xA00, s5;
	s25 =	sshll.u32 s5, $0x6  }
0xb: {  	s7 =	smul.u32 $0x140000, s2;
	s6 =	sor.u32 s2, s6;
	_ =	strace $0x80000047  }
0xc: {  	s22 =	sshll.u32 s2, $0x7;
	s2 =	ssub.s32 $0x2, s2;
	s6 =	smul.u32 $0x500, s6  }
0xd: {  	s11 =	sshrl.u32 s2, $0x1;
	s24 =	sshrl.u32 s23, $0x2;
	s26 =	sshrl.u32 s12, $0x2  }
0xe: {  	s23 =	simm.s32 $0x1;
	s7 =	sadd.s32 s8, s7;
	s2 =	ssub.s32 s2, s11  }
0xf: {  	s14 =	sadd.s32 s24, s3;
	s8 =	sor.u32 $0x1C04, s25;
	s9 =	sadd.s32 s26, s4  }
0x10: {  	s24 =	simm.s32 $0x16B80;
	s25 =	simm.s32 $0x1EC80;
	s26 =	simm.s32 $0x2  }
0x11: {  	s20 =	sadd.s32 s6, s1;
	s7 =	sshrl.u32 s7, $0x3;
	s6 =	sadd.s32 $0xCE00, s1  }
0x12: {  	s12 =	smax.u32 s2, $0x1;
	s10 =	sadd.s32 s7, s1;
	s7 =	sor.u32 s22, s21  }
0x13: {  	s14 =	sshrl.u32 s14, $0x3;
	s21 =	simm.s32 $0x16B00;
	s7 =	sshrl.u32 s7, $0x3  }
0x14: {  	s22 =	simm.s32 $0x1AC80;
	s10 =	sadd.s32 $0x10000, s10;
	s1 =	sadd.s32 s7, s1  }
0x15: {  	v0 =	vimm.f32 $1.000000000e+00;
	v1 =	vimm.f32 $0.0e+00;
	s7 =	sadd.s32 $0x2E00, s20;
	s20 =	simm.s32 $0x16C80;
	s11 =	sadd.s32 $0xF600, s1  }
.LBB2_1:
0x16: {  	s1 =	simm.s32 $0x0  }
0x17: {  	[tilespmem:s13], [sflag:$0x3] =	stream.linear.gather [hbm4b:s7+s1], $0x2800, $0x38;
	[tilespmem:$0x1EF80] =	vst v63  }
0x18: {  	[spmem:s14], [sflag:s8] =	dma.local [hbm:s6], $0x2800  }
0x19: {  	_ =	swait.ge [sflag:s15], $0x2800  }
0x1a: {  	[sflag:s15] =	ssyncset.done $0x0  }
0x1b: {  	[sflag:s15] =	ssyncadd.s32 $0xFFFFD800  }
0x1c: {  	[tilespmem:$0x1EC80] =	vst v0  }
0x1d: {  	[tilespmem:$0x1EC90] =	vst v0  }
0x1e: {  	[tilespmem:$0x1ECA0] =	vst v0  }
0x1f: {  	[tilespmem:$0x1ECB0] =	vst v0  }
0x20: {  	[tilespmem:$0x1ECC0] =	vst v0  }
0x21: {  	[tilespmem:$0x1ECD0] =	vst v0  }
0x22: {  	[tilespmem:$0x1ECE0] =	vst v0  }
0x23: {  	[tilespmem:$0x1ECF0] =	vst v0  }
0x24: {  	[tilespmem:$0x1ED00] =	vst v1  }
0x25: {  	[tilespmem:$0x1ED10] =	vst v1  }
0x26: {  	[tilespmem:$0x1ED20] =	vst v1  }
0x27: {  	[tilespmem:$0x1ED30] =	vst v1  }
0x28: {  	[tilespmem:$0x1ED40] =	vst v1  }
0x29: {  	[tilespmem:$0x1ED50] =	vst v1  }
0x2a: {  	[tilespmem:$0x1ED60] =	vst v1  }
0x2b: {  	[tilespmem:$0x1ED70] =	vst v1  }
0x2c: {  	[tilespmem:$0x1ED80] =	vst v1  }
0x2d: {  	[tilespmem:$0x1ED90] =	vst v1  }
0x2e: {  	[tilespmem:$0x1EDA0] =	vst v1  }
0x2f: {  	[tilespmem:$0x1EDB0] =	vst v1  }
0x30: {  	[tilespmem:$0x1EDC0] =	vst v1  }
0x31: {  	[tilespmem:$0x1EDD0] =	vst v1  }
0x32: {  	[tilespmem:$0x1EDE0] =	vst v1  }
0x33: {  	[tilespmem:$0x1EDF0] =	vst v1  }
0x34: {  	[tilespmem:$0x1EE00] =	vst v1  }
0x35: {  	[tilespmem:$0x1EE10] =	vst v1  }
0x36: {  	[tilespmem:$0x1EE20] =	vst v1  }
0x37: {  	[tilespmem:$0x1EE30] =	vst v1  }
0x38: {  	[tilespmem:$0x1EE40] =	vst v1  }
0x39: {  	[tilespmem:$0x1EE50] =	vst v1  }
0x3a: {  	[tilespmem:$0x1EE60] =	vst v1  }
0x3b: {  	[tilespmem:$0x1EE70] =	vst v1  }
0x3c: {  	[tilespmem:$0x1EE80] =	vst v1  }
0x3d: {  	[tilespmem:$0x1EE90] =	vst v1  }
0x3e: {  	[tilespmem:$0x1EEA0] =	vst v1  }
0x3f: {  	[tilespmem:$0x1EEB0] =	vst v1  }
0x40: {  	[tilespmem:$0x1EEC0] =	vst v1  }
0x41: {  	[tilespmem:$0x1EED0] =	vst v1  }
0x42: {  	[tilespmem:$0x1EEE0] =	vst v1  }
0x43: {  	[tilespmem:$0x1EEF0] =	vst v1  }
0x44: {  	[tilespmem:$0x1EF00] =	vst v1  }
0x45: {  	[tilespmem:$0x1EF10] =	vst v1  }
0x46: {  	[tilespmem:$0x1EF20] =	vst v1  }
0x47: {  	[tilespmem:$0x1EF30] =	vst v1  }
0x48: {  	[tilespmem:$0x1EF40] =	vst v1  }
0x49: {  	[tilespmem:$0x1EF50] =	vst v1  }
0x4a: {  	[tilespmem:$0x1EF60] =	vst v1  }
0x4b: {  	[tilespmem:$0x1EF70] =	vst v1  }
0x4c: {  	[spmem:s9] =	stream.linear.scatter [tilespmem:s16], [sflag:$0x4], $0x280, $0x38;
	[tilespmem:$0x1EF80] =	vst v63  }
0x4d: {  	_ =	swait.ge [sflag:s15], $0x280  }
0x4e: {  	[sflag:s15] =	ssyncset.done $0x0  }
0x4f: {  	[sflag:s15] =	ssyncadd.s32 $0xFFFFFD80  }
0x50: {  	_ =	swait.ge [sflag:s17], $0x2800  }
0x51: {  	[sflag:s17] =	ssyncset.done $0x0  }
0x52: {  	[sflag:s17] =	ssyncadd.s32 $0xFFFFD800  }
0x53: {  	[bflag:$0x0] =	sbarrier.arrive $0xFFFF  }
0x54: {  	v2 =	vld [tilespmem:$0x14280];
	_ =	sdelay $0x1  }
0x55: {  	v3 =	vld [tilespmem:$0x14290];
	_ =	sdelay $0x1  }
0x56: {  	v4 =	vld [tilespmem:$0x142A0]  }
0x57: {  	v5 =	vshrl.u32 v2, $0xE  }
0x58: {  	v56 =	vld [tilespmem:$0x142B0];
	v2 =	vand.u32 $0x3FFF, v2;
	[tilespmem:$0x16A80] =	vst v5  }
0x59: {  	[tilespmem:$0x16B80] =	vst v2;
	v2 =	vshrl.u32 v3, $0xE  }
0x5a: {  	[tilespmem:$0x16A90] =	vst v2;
	v2 =	vand.u32 $0x3FFF, v3;
	v3 =	vld [tilespmem:$0x142C0]  }
0x5b: {  	[tilespmem:$0x16B90] =	vst v2;
	v2 =	vshrl.u32 v4, $0xE  }
0x5c: {  	v57 =	vld [tilespmem:$0x142D0];
	[tilespmem:$0x16AA0] =	vst v2;
	v2 =	vand.u32 $0x3FFF, v4  }
0x5d: {  	[tilespmem:$0x16BA0] =	vst v2;
	v2 =	vshrl.u32 v56, $0xE  }
0x5e: {  	v58 =	vld [tilespmem:$0x142E0];
	[tilespmem:$0x16AB0] =	vst v2;
	v2 =	vand.u32 $0x3FFF, v56  }
0x5f: {  	[tilespmem:$0x16BB0] =	vst v2;
	v2 =	vshrl.u32 v3, $0xE  }
0x60: {  	[tilespmem:$0x16AC0] =	vst v2;
	v2 =	vand.u32 $0x3FFF, v3;
	v3 =	vld [tilespmem:$0x142F0]  }
0x61: {  	[tilespmem:$0x16BC0] =	vst v2;
	v2 =	vshrl.u32 v57, $0xE  }
0x62: {  	[tilespmem:$0x16AD0] =	vst v2;
	v2 =	vand.u32 $0x3FFF, v57  }
0x63: {  	[tilespmem:$0x16BD0] =	vst v2;
	v2 =	vshrl.u32 v58, $0xE  }
0x64: {  	[tilespmem:$0x16AE0] =	vst v2;
	v2 =	vand.u32 $0x3FFF, v58  }
0x65: {  	[tilespmem:$0x16BE0] =	vst v2;
	v2 =	vshrl.u32 v3, $0xE  }
0x66: {  	[tilespmem:$0x16AF0] =	vst v2;
	v2 =	vand.u32 $0x3FFF, v3  }
0x67: {  	[tilespmem:$0x16BF0] =	vst v2  }
0x68: {  	[tilespmem:s20], [sflag:$0x1] =	stream.indirect.gather [hbm4b:s0+s18], $0x80, s19, s18, $0xb8;
	[tilespmem:$0x1EF80] =	vst v63  }
0x69: {  	v2 =	vld [tilespmem:$0x14300];
	_ =	sdelay $0x1  }
0x6a: {  	v3 =	vld [tilespmem:$0x14310];
	_ =	sdelay $0x1  }
0x6b: {  	v59 =	vld [tilespmem:$0x14320]  }
0x6c: {  	v60 =	vshrl.u32 v2, $0xE  }
0x6d: {  	v61 =	vld [tilespmem:$0x14330];
	v2 =	vand.u32 $0x3FFF, v2;
	[tilespmem:$0x16B00] =	vst v60  }
0x6e: {  	[tilespmem:$0x16C00] =	vst v2;
	v2 =	vshrl.u32 v3, $0xE  }
0x6f: {  	[tilespmem:$0x16B10] =	vst v2;
	v2 =	vand.u32 $0x3FFF, v3;
	v3 =	vld [tilespmem:$0x14340]  }
0x70: {  	[tilespmem:$0x16C10] =	vst v2;
	v2 =	vshrl.u32 v59, $0xE  }
0x71: {  	v62 =	vld [tilespmem:$0x14350];
	[tilespmem:$0x16B20] =	vst v2;
	v2 =	vand.u32 $0x3FFF, v59  }
0x72: {  	[tilespmem:$0x16C20] =	vst v2;
	v2 =	vshrl.u32 v61, $0xE  }
0x73: {  	v63 =	vld [tilespmem:$0x14360];
	[tilespmem:$0x16B30] =	vst v2;
	v2 =	vand.u32 $0x3FFF, v61  }
0x74: {  	[tilespmem:$0x16C30] =	vst v2;
	v2 =	vshrl.u32 v3, $0xE  }
0x75: {  	[tilespmem:$0x16B40] =	vst v2;
	v2 =	vand.u32 $0x3FFF, v3;
	v3 =	vld [tilespmem:$0x14370]  }
0x76: {  	[tilespmem:$0x16C40] =	vst v2;
	v2 =	vshrl.u32 v62, $0xE  }
0x77: {  	[tilespmem:$0x16B50] =	vst v2;
	v2 =	vand.u32 $0x3FFF, v62  }
0x78: {  	[tilespmem:$0x16C50] =	vst v2;
	v2 =	vshrl.u32 v63, $0xE  }
0x79: {  	[tilespmem:$0x16B60] =	vst v2;
	v2 =	vand.u32 $0x3FFF, v63  }
0x7a: {  	[tilespmem:$0x16C60] =	vst v2;
	v2 =	vshrl.u32 v3, $0xE  }
0x7b: {  	[tilespmem:$0x16B70] =	vst v2;
	v2 =	vand.u32 $0x3FFF, v3  }
0x7c: {  	[tilespmem:$0x16C70] =	vst v2  }
0x7d: {  	[tilespmem:s22], [sflag:$0x2] =	stream.indirect.gather [hbm4b:s0+s18], $0x80, s21, s18, $0xb8;
	[tilespmem:$0x1EF80] =	vst v63  }
0x7e: {  	_ =	swait.ge [sflag:s23], $0x4000  }
0x7f: {  	[sflag:s23] =	ssyncset.done $0x0  }
0x80: {  	[sflag:s23] =	ssyncadd.s32 $0xFFFFC000  }
0x81: {  	[spmem:s3] =	stream.indirect.scatter.add.f32 [tilespmem:s20], [sflag:$0x4], $0x80, s24, s18, $0xb8;
	[tilespmem:$0x1EF80] =	vst v63  }
0x82: {  	_ =	swait.ge [sflag:s15], $0x4000  }
0x83: {  	[sflag:s15] =	ssyncset.done $0x0  }
0x84: {  	[sflag:s15] =	ssyncadd.s32 $0xFFFFC000  }
0x85: {  	[spmem:s4] =	stream.indirect.scatter.add.f32 [tilespmem:s25], [sflag:$0x4], $0x1, s24, s18, $0xb8;
	[tilespmem:$0x1EF80] =	vst v63  }
0x86: {  	_ =	swait.ge [sflag:s15], $0x80  }
0x87: {  	[sflag:s15] =	ssyncset.done $0x0  }
0x88: {  	s1 =	simm.s32 $0x1F0;
	[sflag:s15] =	ssyncadd.s32 $0xFFFFFF80  }
0x89: {  	v2 =	vld [tilespmem:s1+$0x14190];
	_ =	sdelay $0x4  }
0x8a: {  	v3 =	vshrl.u32 v2, $0xE  }
0x8b: {  	v2 =	vand.u32 $0x3FFF, v2;
	[tilespmem:$0x16A80] =	vst v3  }
0x8c: {  	[tilespmem:$0x16B80] =	vst v2  }
0x8d: {  	v2 =	vld [tilespmem:s1+$0x141A0];
	_ =	sdelay $0x4  }
0x8e: {  	v3 =	vshrl.u32 v2, $0xE  }
0x8f: {  	v2 =	vand.u32 $0x3FFF, v2;
	[tilespmem:$0x16A90] =	vst v3  }
0x90: {  	[tilespmem:$0x16B90] =	vst v2  }
0x91: {  	v2 =	vld [tilespmem:s1+$0x141B0];
	_ =	sdelay $0x4  }
0x92: {  	v3 =	vshrl.u32 v2, $0xE  }
0x93: {  	v2 =	vand.u32 $0x3FFF, v2;
	[tilespmem:$0x16AA0] =	vst v3  }
0x94: {  	[tilespmem:$0x16BA0] =	vst v2  }
0x95: {  	v2 =	vld [tilespmem:s1+$0x141C0];
	_ =	sdelay $0x4  }
0x96: {  	v3 =	vshrl.u32 v2, $0xE  }
0x97: {  	v2 =	vand.u32 $0x3FFF, v2;
	[tilespmem:$0x16AB0] =	vst v3  }
0x98: {  	[tilespmem:$0x16BB0] =	vst v2  }
0x99: {  	v2 =	vld [tilespmem:s1+$0x141D0];
	_ =	sdelay $0x4  }
0x9a: {  	v3 =	vshrl.u32 v2, $0xE  }
0x9b: {  	v2 =	vand.u32 $0x3FFF, v2;
	[tilespmem:$0x16AC0] =	vst v3  }
0x9c: {  	[tilespmem:$0x16BC0] =	vst v2  }
0x9d: {  	v2 =	vld [tilespmem:s1+$0x141E0];
	_ =	sdelay $0x4  }
0x9e: {  	v3 =	vshrl.u32 v2, $0xE  }
0x9f: {  	v2 =	vand.u32 $0x3FFF, v2;
	[tilespmem:$0x16AD0] =	vst v3  }
0xa0: {  	[tilespmem:$0x16BD0] =	vst v2  }
0xa1: {  	v2 =	vld [tilespmem:s1+$0x141F0];
	_ =	sdelay $0x4  }
0xa2: {  	v3 =	vshrl.u32 v2, $0xE  }
0xa3: {  	v2 =	vand.u32 $0x3FFF, v2;
	[tilespmem:$0x16AE0] =	vst v3  }
0xa4: {  	[tilespmem:$0x16BE0] =	vst v2  }
0xa5: {  	v2 =	vld [tilespmem:s1+$0x14200];
	_ =	sdelay $0x4  }
0xa6: {  	v3 =	vshrl.u32 v2, $0xE  }
0xa7: {  	v2 =	vand.u32 $0x3FFF, v2;
	[tilespmem:$0x16AF0] =	vst v3  }
0xa8: {  	[tilespmem:$0x16BF0] =	vst v2  }
0xa9: {  	[tilespmem:s20], [sflag:$0x1] =	stream.indirect.gather [hbm4b:s0+s18], $0x80, s19, s18, $0xb8;
	[tilespmem:$0x1EF80] =	vst v63  }
0xaa: {  	_ =	swait.ge [sflag:s26], $0x4000  }
0xab: {  	[sflag:s26] =	ssyncset.done $0x0  }
0xac: {  	[sflag:s26] =	ssyncadd.s32 $0xFFFFC000  }
0xad: {  	[spmem:s3] =	stream.indirect.scatter.add.f32 [tilespmem:s22], [sflag:$0x4], $0x80, s28, s18, $0xb8;
	[tilespmem:$0x1EF80] =	vst v63  }
0xae: {  	_ =	swait.ge [sflag:s15], $0x4000  }
0xaf: {  	[sflag:s15] =	ssyncset.done $0x0  }
0xb0: {  	[sflag:s15] =	ssyncadd.s32 $0xFFFFC000  }
0xb1: {  	[spmem:s4] =	stream.indirect.scatter.add.f32 [tilespmem:s25], [sflag:$0x4], $0x1, s28, s18, $0xb8;
	[tilespmem:$0x1EF80] =	vst v63  }
0xb2: {  	_ =	swait.ge [sflag:s15], $0x80  }
0xb3: {  	[sflag:s15] =	ssyncset.done $0x0  }
0xb4: {  	[sflag:s15] =	ssyncadd.s32 $0xFFFFFF80  }
0xb5: {  	v2 =	vld [tilespmem:s1+$0x14210];
	_ =	sdelay $0x4  }
0xb6: {  	v3 =	vshrl.u32 v2, $0xE  }
0xb7: {  	v2 =	vand.u32 $0x3FFF, v2;
	[tilespmem:$0x16B00] =	vst v3  }
0xb8: {  	[tilespmem:$0x16C00] =	vst v2  }
0xb9: {  	v2 =	vld [tilespmem:s1+$0x14220];
	_ =	sdelay $0x4  }
0xba: {  	v3 =	vshrl.u32 v2, $0xE  }
0xbb: {  	v2 =	vand.u32 $0x3FFF, v2;
	[tilespmem:$0x16B10] =	vst v3  }
0xbc: {  	[tilespmem:$0x16C10] =	vst v2  }
0xbd: {  	v2 =	vld [tilespmem:s1+$0x14230];
	_ =	sdelay $0x4  }
0xbe: {  	v3 =	vshrl.u32 v2, $0xE  }
0xbf: {  	v2 =	vand.u32 $0x3FFF, v2;
	[tilespmem:$0x16B20] =	vst v3  }
0xc0: {  	[tilespmem:$0x16C20] =	vst v2  }
0xc1: {  	v2 =	vld [tilespmem:s1+$0x14240];
	_ =	sdelay $0x4  }
0xc2: {  	v3 =	vshrl.u32 v2, $0xE  }
0xc3: {  	v2 =	vand.u32 $0x3FFF, v2;
	[tilespmem:$0x16B30] =	vst v3  }
0xc4: {  	[tilespmem:$0x16C30] =	vst v2  }
0xc5: {  	v2 =	vld [tilespmem:s1+$0x14250];
	_ =	sdelay $0x4  }
0xc6: {  	v3 =	vshrl.u32 v2, $0xE  }
0xc7: {  	v2 =	vand.u32 $0x3FFF, v2;
	[tilespmem:$0x16B40] =	vst v3  }
0xc8: {  	[tilespmem:$0x16C40] =	vst v2  }
0xc9: {  	v2 =	vld [tilespmem:s1+$0x14260];
	_ =	sdelay $0x4  }
0xca: {  	v3 =	vshrl.u32 v2, $0xE  }
0xcb: {  	v2 =	vand.u32 $0x3FFF, v2;
	[tilespmem:$0x16B50] =	vst v3  }
0xcc: {  	s2 =	simm.s32 $0xBC0;
	[tilespmem:$0x16C50] =	vst v2  }
.LBB2_2:
0xcd: {  	p0 =	sne.s32 s2, $0x9FC0;
	v2 =	vld [tilespmem:s1+$0x14270];
	s5 =	smov.u32 s2;
	s2 =	sadd.s32 $0x400, s2  }
0xce: {  	_ =	sdelay $0x3  }
0xcf: {  	v3 =	vshrl.u32 v2, $0xE;
	v2 =	vand.u32 $0x3FFF, v2  }
0xd0: {  	[tilespmem:$0x16B60] =	vst v3  }
0xd1: {  	[tilespmem:$0x16C60] =	vst v2  }
0xd2: {  	v2 =	vld [tilespmem:s1+$0x14280];
	_ =	sdelay $0x4  }
0xd3: {  	v3 =	vshrl.u32 v2, $0xE;
	v2 =	vand.u32 $0x3FFF, v2  }
0xd4: {  	[tilespmem:$0x16B70] =	vst v3  }
0xd5: {  	[tilespmem:$0x16C70] =	vst v2  }
0xd6: {  	[tilespmem:s22], [sflag:$0x2] =	stream.indirect.gather [hbm4b:s0+s18], $0x80, s21, s18, $0xb8;
	[tilespmem:$0x1EF80] =	vst v63  }
0xd7: {  	_ =	swait.ge [sflag:s23], $0x4000  }
0xd8: {  	[sflag:s23] =	ssyncset.done $0x0  }
0xd9: {  	[sflag:s23] =	ssyncadd.s32 $0xFFFFC000  }
0xda: {  	[spmem:s3] =	stream.indirect.scatter.add.f32 [tilespmem:s20], [sflag:$0x4], $0x80, s24, s18, $0xb8;
	[tilespmem:$0x1EF80] =	vst v63  }
0xdb: {  	_ =	swait.ge [sflag:s15], $0x4000  }
0xdc: {  	[sflag:s15] =	ssyncset.done $0x0  }
0xdd: {  	[sflag:s15] =	ssyncadd.s32 $0xFFFFC000  }
0xde: {  	[spmem:s4] =	stream.indirect.scatter.add.f32 [tilespmem:s25], [sflag:$0x4], $0x1, s24, s18, $0xb8;
	[tilespmem:$0x1EF80] =	vst v63  }
0xdf: {  	_ =	swait.ge [sflag:s15], $0x80  }
0xe0: {  	[sflag:s15] =	ssyncset.done $0x0  }
0xe1: {  	s1 =	sshra.s32 s5, $0x2;
	[sflag:s15] =	ssyncadd.s32 $0xFFFFFF80  }
0xe2: {  	v2 =	vld [tilespmem:s1+$0x14190];
	_ =	sdelay $0x4  }
0xe3: {  	v3 =	vshrl.u32 v2, $0xE;
	v2 =	vand.u32 $0x3FFF, v2  }
0xe4: {  	[tilespmem:$0x16A80] =	vst v3  }
0xe5: {  	[tilespmem:$0x16B80] =	vst v2  }
0xe6: {  	v2 =	vld [tilespmem:s1+$0x141A0];
	_ =	sdelay $0x4  }
0xe7: {  	v3 =	vshrl.u32 v2, $0xE;
	v2 =	vand.u32 $0x3FFF, v2  }
0xe8: {  	[tilespmem:$0x16A90] =	vst v3  }
0xe9: {  	[tilespmem:$0x16B90] =	vst v2  }
0xea: {  	v2 =	vld [tilespmem:s1+$0x141B0];
	_ =	sdelay $0x4  }
0xeb: {  	v3 =	vshrl.u32 v2, $0xE;
	v2 =	vand.u32 $0x3FFF, v2  }
0xec: {  	[tilespmem:$0x16AA0] =	vst v3  }
0xed: {  	[tilespmem:$0x16BA0] =	vst v2  }
0xee: {  	v2 =	vld [tilespmem:s1+$0x141C0];
	_ =	sdelay $0x4  }
0xef: {  	v3 =	vshrl.u32 v2, $0xE;
	v2 =	vand.u32 $0x3FFF, v2  }
0xf0: {  	[tilespmem:$0x16AB0] =	vst v3  }
0xf1: {  	[tilespmem:$0x16BB0] =	vst v2  }
0xf2: {  	v2 =	vld [tilespmem:s1+$0x141D0];
	_ =	sdelay $0x4  }
0xf3: {  	v3 =	vshrl.u32 v2, $0xE;
	v2 =	vand.u32 $0x3FFF, v2  }
0xf4: {  	[tilespmem:$0x16AC0] =	vst v3  }
0xf5: {  	[tilespmem:$0x16BC0] =	vst v2  }
0xf6: {  	v2 =	vld [tilespmem:s1+$0x141E0];
	_ =	sdelay $0x4  }
0xf7: {  	v3 =	vshrl.u32 v2, $0xE;
	v2 =	vand.u32 $0x3FFF, v2  }
0xf8: {  	[tilespmem:$0x16AD0] =	vst v3  }
0xf9: {  	[tilespmem:$0x16BD0] =	vst v2  }
0xfa: {  	v2 =	vld [tilespmem:s1+$0x141F0];
	_ =	sdelay $0x4  }
0xfb: {  	v3 =	vshrl.u32 v2, $0xE;
	v2 =	vand.u32 $0x3FFF, v2  }
0xfc: {  	[tilespmem:$0x16AE0] =	vst v3  }
0xfd: {  	[tilespmem:$0x16BE0] =	vst v2  }
0xfe: {  	v2 =	vld [tilespmem:s1+$0x14200];
	_ =	sdelay $0x4  }
0xff: {  	v3 =	vshrl.u32 v2, $0xE;
	v2 =	vand.u32 $0x3FFF, v2  }
0x100: {  	[tilespmem:$0x16AF0] =	vst v3  }
0x101: {  	[tilespmem:$0x16BF0] =	vst v2  }
0x102: {  	[tilespmem:s20], [sflag:$0x1] =	stream.indirect.gather [hbm4b:s0+s18], $0x80, s19, s18, $0xb8;
	[tilespmem:$0x1EF80] =	vst v63  }
0x103: {  	_ =	swait.ge [sflag:s26], $0x4000  }
0x104: {  	[sflag:s26] =	ssyncset.done $0x0  }
0x105: {  	[sflag:s26] =	ssyncadd.s32 $0xFFFFC000  }
0x106: {  	[spmem:s3] =	stream.indirect.scatter.add.f32 [tilespmem:s22], [sflag:$0x4], $0x80, s28, s18, $0xb8;
	[tilespmem:$0x1EF80] =	vst v63  }
0x107: {  	_ =	swait.ge [sflag:s15], $0x4000  }
0x108: {  	[sflag:s15] =	ssyncset.done $0x0  }
0x109: {  	[sflag:s15] =	ssyncadd.s32 $0xFFFFC000  }
0x10a: {  	[spmem:s4] =	stream.indirect.scatter.add.f32 [tilespmem:s25], [sflag:$0x4], $0x1, s28, s18, $0xb8;
	[tilespmem:$0x1EF80] =	vst v63  }
0x10b: {  	_ =	swait.ge [sflag:s15], $0x80  }
0x10c: {  	[sflag:s15] =	ssyncset.done $0x0  }
0x10d: {  	[sflag:s15] =	ssyncadd.s32 $0xFFFFFF80  }
0x10e: {  	v2 =	vld [tilespmem:s1+$0x14210];
	_ =	sdelay $0x4  }
0x10f: {  	v3 =	vshrl.u32 v2, $0xE;
	v2 =	vand.u32 $0x3FFF, v2  }
0x110: {  	[tilespmem:$0x16B00] =	vst v3  }
0x111: {  	[tilespmem:$0x16C00] =	vst v2  }
0x112: {  	v2 =	vld [tilespmem:s1+$0x14220];
	_ =	sdelay $0x4  }
0x113: {  	v3 =	vshrl.u32 v2, $0xE;
	v2 =	vand.u32 $0x3FFF, v2  }
0x114: {  	[tilespmem:$0x16B10] =	vst v3  }
0x115: {  	[tilespmem:$0x16C10] =	vst v2  }
0x116: {  	v2 =	vld [tilespmem:s1+$0x14230];
	_ =	sdelay $0x4  }
0x117: {  	v3 =	vshrl.u32 v2, $0xE;
	v2 =	vand.u32 $0x3FFF, v2  }
0x118: {  	[tilespmem:$0x16B20] =	vst v3  }
0x119: {  	[tilespmem:$0x16C20] =	vst v2  }
0x11a: {  	v2 =	vld [tilespmem:s1+$0x14240];
	_ =	sdelay $0x4  }
0x11b: {  	v3 =	vshrl.u32 v2, $0xE;
	v2 =	vand.u32 $0x3FFF, v2  }
0x11c: {  	[tilespmem:$0x16B30] =	vst v3  }
0x11d: {  	[tilespmem:$0x16C30] =	vst v2  }
0x11e: {  	v2 =	vld [tilespmem:s1+$0x14250];
	_ =	sdelay $0x4  }
0x11f: {  	v3 =	vshrl.u32 v2, $0xE;
	v2 =	vand.u32 $0x3FFF, v2  }
0x120: {  	[tilespmem:$0x16B40] =	vst v3  }
0x121: {  	[tilespmem:$0x16C40] =	vst v2  }
0x122: {  	v2 =	vld [tilespmem:s1+$0x14260];
	_ =	sdelay $0x2  }
.Ltmp0:
0x123: {  	(pc) =	sbr.rel @p0 .LBB2_2-.Ltmp0, $4  }
0x124: {  	_ = 	snop  }
0x125: {  	v3 =	vshrl.u32 v2, $0xE;
	v2 =	vand.u32 $0x3FFF, v2  }
0x126: {  	[tilespmem:$0x16B50] =	vst v3  }
0x127: {  	[tilespmem:$0x16C50] =	vst v2  }
0x128: {  	v2 =	vld [tilespmem:s1+$0x14270];
	_ =	sdelay $0x4  }
0x129: {  	v3 =	vshrl.u32 v2, $0xE  }
0x12a: {  	v2 =	vand.u32 $0x3FFF, v2;
	[tilespmem:$0x16B60] =	vst v3  }
0x12b: {  	[tilespmem:$0x16C60] =	vst v2  }
0x12c: {  	v2 =	vld [tilespmem:s1+$0x14280];
	_ =	sdelay $0x4  }
0x12d: {  	v3 =	vshrl.u32 v2, $0xE  }
0x12e: {  	v2 =	vand.u32 $0x3FFF, v2;
	[tilespmem:$0x16B70] =	vst v3  }
0x12f: {  	[tilespmem:$0x16C70] =	vst v2  }
0x130: {  	[tilespmem:s22], [sflag:$0x2] =	stream.indirect.gather [hbm4b:s0+s18], $0x80, s21, s18, $0xb8;
	[tilespmem:$0x1EF80] =	vst v63  }
0x131: {  	_ =	swait.ge [sflag:s23], $0x4000  }
0x132: {  	[sflag:s23] =	ssyncset.done $0x0  }
0x133: {  	[sflag:s23] =	ssyncadd.s32 $0xFFFFC000  }
0x134: {  	[spmem:s3] =	stream.indirect.scatter.add.f32 [tilespmem:s20], [sflag:$0x4], $0x80, s24, s18, $0xb8;
	[tilespmem:$0x1EF80] =	vst v63  }
0x135: {  	_ =	swait.ge [sflag:s15], $0x4000  }
0x136: {  	[sflag:s15] =	ssyncset.done $0x0  }
0x137: {  	[sflag:s15] =	ssyncadd.s32 $0xFFFFC000  }
0x138: {  	[spmem:s4] =	stream.indirect.scatter.add.f32 [tilespmem:s25], [sflag:$0x4], $0x1, s24, s18, $0xb8;
	[tilespmem:$0x1EF80] =	vst v63  }
0x139: {  	_ =	swait.ge [sflag:s15], $0x80  }
0x13a: {  	[sflag:s15] =	ssyncset.done $0x0  }
0x13b: {  	[sflag:s15] =	ssyncadd.s32 $0xFFFFFF80  }
0x13c: {  	_ =	swait.ge [sflag:s26], $0x4000  }
0x13d: {  	[sflag:s26] =	ssyncset.done $0x0  }
0x13e: {  	[sflag:s26] =	ssyncadd.s32 $0xFFFFC000  }
0x13f: {  	[spmem:s3] =	stream.indirect.scatter.add.f32 [tilespmem:s22], [sflag:$0x4], $0x80, s28, s18, $0xb8;
	[tilespmem:$0x1EF80] =	vst v63  }
0x140: {  	_ =	swait.ge [sflag:s15], $0x4000  }
0x141: {  	[sflag:s15] =	ssyncset.done $0x0  }
0x142: {  	[sflag:s15] =	ssyncadd.s32 $0xFFFFC000  }
0x143: {  	[spmem:s4] =	stream.indirect.scatter.add.f32 [tilespmem:s25], [sflag:$0x4], $0x1, s28, s18, $0xb8;
	[tilespmem:$0x1EF80] =	vst v63  }
0x144: {  	_ =	swait.ge [sflag:s15], $0x80  }
0x145: {  	[sflag:s15] =	ssyncset.done $0x0  }
0x146: {  	[sflag:s15] =	ssyncadd.s32 $0xFFFFFF80  }
0x147: {  	[bflag:$0x0] =	sbarrier.arrive $0xFFFF  }
0x148: {  	[hbm:s10], [sflag:s8] =	dma.local [spmem:s14], $0x2800  }
0x149: {  	s31 =	sadd.s32 $0x1, s31;
	_ =	swait.ge [sflag:s15], $0x2800  }
0x14a: {  	p0 =	sne.s32 s31, s12;
	[sflag:s15] =	ssyncset.done $0x0  }
.Ltmp1:
0x14b: {  	s5 =	sshrl.u32 s9, $0x3;
	[sflag:s15] =	ssyncadd.s32 $0xFFFFD800;
	(pc) =	sbr.rel @p0 .LBB2_1-.Ltmp1, $4  }
0x14c: {  	[hbm:s11@s29], [sflag:s8] =	dma.strided [spmem:s5@s30], $0x50, s23, $0x10   }
0x14d: {  	_ =	swait.ge [sflag:s15], $0x50  }
0x14e: {  	[sflag:s15] =	ssyncset.done $0x0  }
0x14f: {  	[sflag:s15] =	ssyncadd.s32 $0xFFFFFFB0  }
0x150: {  	_ =	sfence.sel $0x180000  }
0x151: {  	[bflag:$0x0] =	sbarrier.arrive $0xFFFF  }
0x152: {  	_ =	strace $0x90000047  }
0x153: {  	s0 =	stileid.u32;
	[bflag:$0x2] =	sbarrier.arrive $0xFFFF  }
0x154: {  	p0 =	sne.s32 s0, $0x0;
	s0 =	rddreg [dreg:$0x4]  }
0x155: {  	s0 =	sadd.s32 @!p0 $0x100000, s0  }
0x156: {  	[sflag:s0] =	ssyncadd.tile.s32 @!p0 $0x1;
	_ =	shalt  }
.Lfunc_end2:
_tile_overlayer_lowered:
.L_overlay_start_2:
0x157: {  	(tag) =	ssettag $0x2  }
0x158: {  	s0 =	rddreg [dreg:$0x0];
	s2 =	stileid.u32  }
0x159: {  	s1 =	rddreg [dreg:$0x1];
	p0 =	sne.s32 s2, $0x0  }
0x15a: {  	s3 =	rddreg [dreg:$0x2];
	[bflag:$0x3] =	sbarrier.arrive $0xFFFF;
	s2 =	simm.s32 @!p0 $0x1C04  }
0x15b: {  	[timem:s3], [sflag:s2] =	dma.local @!p0 [hbm:s0], s1  }
0x15c: {  	s0 =	simm.s32 @!p0 $0x4  }
0x15d: {  	_ =	swait.ge @!p0 [sflag:s0], s1  }
0x15e: {  	s1 =	ssub.s32 @!p0 $0x0, s1;
	[sflag:s0] =	ssyncset.done @!p0 $0x0  }
0x15f: {  	[sflag:s0] =	ssyncadd.s32 @!p0 s1  }
0x160: {  	[bflag:$0x3] =	sbarrier.arrive $0xFFFF  }
0x161: {  	_ =	shalt  }

</sc_bundles>
